<compile_context>
chip_gen: v7x
topology: tpu7x:2x2x1
jax: 0.10.2.dev20260603
libtpu: 0.0.44.dev20260713+nightly
codegen_flags: <defaults>
</compile_context>

<pallas_src>
import functools

import jax
import jax.numpy as jnp
from jax import lax
from jax.experimental import pallas as pl
from jax.experimental.pallas import tpu as pltpu
from jax.experimental.pallas import tpu_sc as plsc

N = 10000
DEG = 32
F = 128
K = 4
H = 32
OUT = 128

NC = 2
NS = 16
NW = NC * NS
NODES_PER_W = 320
NP = NW * NODES_PER_W
GN = 2
ROWS_PER_CHUNK = GN * DEG
CHUNKS = NODES_PER_W // GN


def _sc_segment_sum(xp, idx):
    mesh = plsc.VectorSubcoreMesh(
        core_axis_name="c", subcore_axis_name="s", num_cores=NC, num_subcores=NS
    )

    @functools.partial(
        pl.kernel,
        out_type=jax.ShapeDtypeStruct((NP, F), jnp.float32),
        mesh=mesh,
        scratch_types=[
            pltpu.VMEM_SHARED((N, F), jnp.float32),
            pltpu.VMEM((NODES_PER_W * DEG,), jnp.int32),
            pltpu.VMEM((ROWS_PER_CHUNK, F), jnp.float32),
            pltpu.VMEM((ROWS_PER_CHUNK, F), jnp.float32),
            pltpu.VMEM((ROWS_PER_CHUNK, F), jnp.float32),
            pltpu.VMEM((ROWS_PER_CHUNK, F), jnp.float32),
            pltpu.VMEM((8, F), jnp.float32),
            pltpu.VMEM((8, F), jnp.float32),
            pltpu.SemaphoreType.DMA,
            pltpu.SemaphoreType.DMA,
            pltpu.SemaphoreType.DMA,
            pltpu.SemaphoreType.DMA,
            pltpu.SemaphoreType.DMA,
            pltpu.SemaphoreType.DMA,
        ],
    )
    def k(x_hbm, idx_hbm, out_hbm, x_s, idx_v, buf0, buf1, buf2, buf3,
          ob0, ob1, sem0, sem1, sem2, sem3, osem0, osem1):
        s = lax.axis_index("s")
        w = s * NC + lax.axis_index("c")
        rows = 624
        pltpu.sync_copy(
            x_hbm.at[pl.ds(s * rows, rows)], x_s.at[pl.ds(s * rows, rows)]
        )

        @pl.when(s == 0)
        def _():
            pltpu.sync_copy(
                x_hbm.at[pl.ds(NS * rows, N - NS * rows)],
                x_s.at[pl.ds(NS * rows, N - NS * rows)],
            )
        IPW = NODES_PER_W * DEG

        @pl.when(w < NW - 1)
        def _():
            pltpu.sync_copy(idx_hbm.at[pl.ds(w * IPW, IPW)], idx_v)

        @pl.when(w == NW - 1)
        def _():
            real = N * DEG - (NW - 1) * IPW
            pltpu.sync_copy(
                idx_hbm.at[pl.ds((NW - 1) * IPW, real)], idx_v.at[pl.ds(0, real)]
            )
            zeros16 = jnp.zeros((16,), jnp.int32)

            def zfill(i, _):
                idx_v[pl.ds(real + i * 16, 16)] = zeros16
                return 0
            lax.fori_loop(0, (IPW - real) // 16, zfill, 0)
        plsc.subcore_barrier()
        bufs = (buf0, buf1, buf2, buf3)
        sems = (sem0, sem1, sem2, sem3)
        obs = (ob0, ob1)
        osems = (osem0, osem1)

        for b in range(4):
            pltpu.async_copy(
                x_s.at[idx_v.at[pl.ds(b * ROWS_PER_CHUNK, ROWS_PER_CHUNK)]],
                bufs[b], sems[b])

        def reduce_chunk(buf, ob, node0):
            for g in range(GN):
                def red(d, accs):
                    return tuple(
                        accs[cb] + buf[g * DEG + d, pl.ds(cb * 16, 16)]
                        for cb in range(8)
                    )
                accs = lax.fori_loop(
                    0, DEG, red,
                    tuple(jnp.zeros((16,), jnp.float32) for _ in range(8)),
                )
                for cb in range(8):
                    ob[node0 + g, pl.ds(cb * 16, 16)] = accs[cb]

        def outer(t2, _):
            for p in range(2):
                base = t2 * 16 + p * 8

                @pl.when(t2 > 0)
                def _():
                    pltpu.make_async_copy(
                        obs[p], out_hbm.at[pl.ds(0, 8)], osems[p]
                    ).wait()
                for b in range(4):
                    j = t2 * 8 + p * 4 + b
                    pltpu.make_async_copy(
                        x_s.at[idx_v.at[pl.ds(j * ROWS_PER_CHUNK, ROWS_PER_CHUNK)]],
                        bufs[b], sems[b]
                    ).wait()
                    reduce_chunk(bufs[b], obs[p], b * GN)

                    @pl.when(j + 4 < CHUNKS)
                    def _():
                        pltpu.async_copy(
                            x_s.at[idx_v.at[pl.ds((j + 4) * ROWS_PER_CHUNK,
                                                  ROWS_PER_CHUNK)]],
                            bufs[b], sems[b])
                pltpu.async_copy(
                    obs[p],
                    out_hbm.at[pl.ds(w * NODES_PER_W + base, 8)],
                    osems[p],
                )
            return 0

        lax.fori_loop(0, CHUNKS // 8, outer, 0)
        for p in range(2):
            pltpu.make_async_copy(obs[p], out_hbm.at[pl.ds(0, 8)], osems[p]).wait()

    return k(xp, idx)


def _tc_dense(nm_p, x, rf_a, rf, w_self, w_neigh, bias2d):
    BLK = 2000
    grid = (N // BLK,)

    def body(nm_ref, x_ref, rfp_ref, rf_ref, ws_ref, wn_ref, b_ref, o_ref):
        a = jnp.dot(rfp_ref[...], wn_ref[...].T,
                    preferred_element_type=jnp.float32) * (1.0 / DEG)
        b = jnp.dot(rf_ref[...], ws_ref[...].T,
                    preferred_element_type=jnp.float32)
        y = (jnp.dot(nm_ref[...], a, preferred_element_type=jnp.float32)
             + jnp.dot(x_ref[...], b, preferred_element_type=jnp.float32)
             + b_ref[...])
        o_ref[...] = jnp.where(y > 0, y, jnp.exp(jnp.minimum(y, 0.0)) - 1.0)

    return pl.pallas_call(
        body,
        grid=grid,
        in_specs=[
            pl.BlockSpec((BLK, F), lambda i: (i, 0)),
            pl.BlockSpec((BLK, F), lambda i: (i, 0)),
            pl.BlockSpec((F, K * H), lambda i: (0, 0)),
            pl.BlockSpec((F, K * H), lambda i: (0, 0)),
            pl.BlockSpec((OUT, K * H), lambda i: (0, 0)),
            pl.BlockSpec((OUT, K * H), lambda i: (0, 0)),
            pl.BlockSpec((1, OUT), lambda i: (0, 0)),
        ],
        out_specs=pl.BlockSpec((BLK, OUT), lambda i: (i, 0)),
        out_shape=jax.ShapeDtypeStruct((N, OUT), jnp.float32),
    )(nm_p, x, rf_a, rf, w_self, w_neigh, bias2d)


def kernel(x, node_ids, neighbor_idx, R, W_self, W_neigh, bias):
    del node_ids

    neigh_sum_p = _sc_segment_sum(x, neighbor_idx)
    r_flat = jnp.transpose(R, (1, 0, 2)).reshape(F, K * H)
    return _tc_dense(neigh_sum_p, x, r_flat, r_flat, W_self, W_neigh,
                     bias.reshape(1, OUT))

# --- scband reference (transcript-rebuilt; emitter-appended) ---
"""Pipeline reference for scband-hash-block-3083786518784 (READ-ONLY COPY).

The authoritative reference and input builder live on the scoring server;
editing this copy changes nothing except your own understanding.
"""

import jax, jax.numpy as jnp
import numpy as np

N = 10000
DEG = 32
F = 128
H = 32
K = 4
OUT = 128


def setup_inputs(seed: int = 0) -> dict:
    key = jax.random.key(seed)
    k1, k2, k3, k4, k5 = jax.random.split(key, 5)
    x = jax.random.normal(k1, (N, F), dtype=jnp.float32)
    node_ids = jnp.arange(N, dtype=jnp.int32)
    neighbor_idx = jax.random.randint(k2, (N * DEG,), 0, N, dtype=jnp.int32)
    # fixed sign-hash matrices, one per hasher (requires_grad=False in torch)
    R = (jax.random.uniform(k3, (K, F, H)) > 0.5).astype(jnp.float32) * 2.0 - 1.0
    concat_dim = K * H
    limit = float(np.sqrt(6.0 / (concat_dim + OUT)))
    W_self = jax.random.uniform(k4, (OUT, concat_dim), minval=-limit, maxval=limit, dtype=jnp.float32)
    W_neigh = jax.random.uniform(k5, (OUT, concat_dim), minval=-limit, maxval=limit, dtype=jnp.float32)
    bias = jnp.zeros((OUT,), dtype=jnp.float32)
    return {"x": x, "node_ids": node_ids, "neighbor_idx": neighbor_idx, "R": R,
            "W_self": W_self, "W_neigh": W_neigh, "bias": bias}


def reference(x, node_ids, neighbor_idx, R, W_self, W_neigh, bias):
    # Single degree group: all N nodes have degree DEG; neighbor_idx is the
    # flattened neighbor list in concatenation order (matches torch forward
    # with degree_tasks=[(DEG, list(range(N)))], neighbor_list=[neighbor_idx]).
    neigh_streams = []
    self_streams = []
    for k in range(K):
        Rk = R[k]
        # neighbor gather + hash + degree-group mean
        neigh_x = jnp.take(x, neighbor_idx, axis=0)          # [N*DEG, F]
        hashed_neigh = neigh_x @ Rk                           # [N*DEG, H]
        h = hashed_neigh.reshape(N, DEG, H).mean(axis=1)      # [N, H]
        # scatter back to original node id order (faithful to _scatter_to_nodes)
        scat = jnp.zeros((N, H), dtype=x.dtype).at[node_ids].set(h)
        neigh_streams.append(scat)
        # self hash
        self_streams.append(x @ Rk)
    neigh_concat = jnp.concatenate(neigh_streams, axis=-1)    # [N, K*H]
    self_concat = jnp.concatenate(self_streams, axis=-1)      # [N, K*H]
    out = neigh_concat @ W_neigh.T + self_concat @ W_self.T + bias
    return jax.nn.elu(out)

if __name__ == "__main__":
    import jax
    _d = setup_inputs()
    print(jax.jit(kernel)(*tuple(_d.values())))

</pallas_src>

<mosaic_0001>
#map = affine_map<(d0, d1) -> (0, 0)>
#map1 = affine_map<(d0, d1) -> (0)>
module attributes {stable_mosaic.version = 14 : i64} {
  func.func @k(%arg0: i32, %arg1: i32, %arg2: memref<10000x128xf32, #tpu.memory_space<hbm>>, %arg3: memref<320000xi32, #tpu.memory_space<hbm>>, %arg4: memref<10240x128xf32, #tpu.memory_space<hbm>>, %arg5: memref<10000x128xf32, #tpu.memory_space<vmem_shared>>, %arg6: memref<10240xi32, #tpu.memory_space<vmem>>, %arg7: memref<64x128xf32, #tpu.memory_space<vmem>>, %arg8: memref<64x128xf32, #tpu.memory_space<vmem>>, %arg9: memref<64x128xf32, #tpu.memory_space<vmem>>, %arg10: memref<64x128xf32, #tpu.memory_space<vmem>>, %arg11: memref<8x128xf32, #tpu.memory_space<vmem>>, %arg12: memref<8x128xf32, #tpu.memory_space<vmem>>, %arg13: memref<!tpu.dma_semaphore, #tpu.memory_space<semaphore_mem>>, %arg14: memref<!tpu.dma_semaphore, #tpu.memory_space<semaphore_mem>>, %arg15: memref<!tpu.dma_semaphore, #tpu.memory_space<semaphore_mem>>, %arg16: memref<!tpu.dma_semaphore, #tpu.memory_space<semaphore_mem>>, %arg17: memref<!tpu.dma_semaphore, #tpu.memory_space<semaphore_mem>>, %arg18: memref<!tpu.dma_semaphore, #tpu.memory_space<semaphore_mem>>) attributes {dimension_semantics = [#tpu.dimension_semantics<core_parallel>, #tpu.dimension_semantics<subcore_parallel>], iteration_bounds = array<i64: 2, 16>, scalar_prefetch = 0 : i64, scratch_operands = 14 : i64, tpu.core_type = #tpu.core_type<sc_vector_subcore>, window_params = [{transform_indices = #map}, {transform_indices = #map1}, {transform_indices = #map}]} {
    %mul3A = arith.constant 2 : i32
    %mul3A_0 = arith.muli %arg1, %mul3A : i32
    %add3A = arith.addi %mul3A_0, %arg0 : i32
    %mul3A_1 = arith.constant 624 : i32
    %mul3A_2 = arith.muli %arg1, %mul3A_1 : i32
    %mul3A_3 = arith.constant 624 : i32
    %mul3A_4 = arith.muli %arg1, %mul3A_3 : i32
    "tpu.region"() ({
      %run_scoped3A = tpu.sem_alloc : memref<!tpu.dma_semaphore, #tpu.memory_space<semaphore_mem>>
      %dma_start3A_52 = arith.constant 0 : i32
      %dma_start3A_53 = tpu.memref_slice %arg5[%mul3A_4, %dma_start3A_52] : memref<10000x128xf32, #tpu.memory_space<vmem_shared>> -> memref<624x128xf32, #tpu.memory_space<vmem_shared>>
      %dma_start3A_54 = arith.constant 0 : i32
      %dma_start3A_55 = tpu.memref_slice %arg2[%mul3A_2, %dma_start3A_54] : memref<10000x128xf32, #tpu.memory_space<hbm>> -> memref<624x128xf32, #tpu.memory_space<hbm>>
      tpu.enqueue_dma source(%dma_start3A_55 : memref<624x128xf32, #tpu.memory_space<hbm>>) target(%dma_start3A_53 : memref<624x128xf32, #tpu.memory_space<vmem_shared>>) target_semaphore(%run_scoped3A : memref<!tpu.dma_semaphore, #tpu.memory_space<semaphore_mem>>)
      %dma_wait3A_56 = arith.constant 0 : i32
      %dma_wait3A_57 = tpu.memref_slice %arg5[%mul3A_4, %dma_wait3A_56] : memref<10000x128xf32, #tpu.memory_space<vmem_shared>> -> memref<624x128xf32, #tpu.memory_space<vmem_shared>>
      %dma_wait3A_58 = arith.constant 0 : i32
      %dma_wait3A_59 = tpu.memref_slice %arg2[%mul3A_2, %dma_wait3A_58] : memref<10000x128xf32, #tpu.memory_space<hbm>> -> memref<624x128xf32, #tpu.memory_space<hbm>>
      tpu.wait_dma2 semaphore(%run_scoped3A : memref<!tpu.dma_semaphore, #tpu.memory_space<semaphore_mem>>) src(%dma_wait3A_59 : memref<624x128xf32, #tpu.memory_space<hbm>>) dst(%dma_wait3A_57 : memref<624x128xf32, #tpu.memory_space<vmem_shared>>)
      tpu.yield
    }) : () -> ()
    %eq3A = arith.constant 0 : i32
    %eq3A_5 = arith.cmpi eq, %arg1, %eq3A : i32
    %convert_element_type3A = arith.extui %eq3A_5 : i1 to i32
    %cond3A = arith.constant 0 : i32
    %cond3A_6 = arith.cmpi ne, %convert_element_type3A, %cond3A : i32
    scf.if %cond3A_6 {
      "tpu.region"() ({
        %run_scoped3A = tpu.sem_alloc : memref<!tpu.dma_semaphore, #tpu.memory_space<semaphore_mem>>
        %dma_start3A_52 = arith.constant 9984 : i32
        %dma_start3A_53 = arith.constant 0 : i32
        %dma_start3A_54 = tpu.memref_slice %arg5[%dma_start3A_52, %dma_start3A_53] : memref<10000x128xf32, #tpu.memory_space<vmem_shared>> -> memref<16x128xf32, #tpu.memory_space<vmem_shared>>
        %dma_start3A_55 = arith.constant 9984 : i32
        %dma_start3A_56 = arith.constant 0 : i32
        %dma_start3A_57 = tpu.memref_slice %arg2[%dma_start3A_55, %dma_start3A_56] : memref<10000x128xf32, #tpu.memory_space<hbm>> -> memref<16x128xf32, #tpu.memory_space<hbm>>
        tpu.enqueue_dma source(%dma_start3A_57 : memref<16x128xf32, #tpu.memory_space<hbm>>) target(%dma_start3A_54 : memref<16x128xf32, #tpu.memory_space<vmem_shared>>) target_semaphore(%run_scoped3A : memref<!tpu.dma_semaphore, #tpu.memory_space<semaphore_mem>>)
        %dma_wait3A_58 = arith.constant 9984 : i32
        %dma_wait3A_59 = arith.constant 0 : i32
        %dma_wait3A_60 = tpu.memref_slice %arg5[%dma_wait3A_58, %dma_wait3A_59] : memref<10000x128xf32, #tpu.memory_space<vmem_shared>> -> memref<16x128xf32, #tpu.memory_space<vmem_shared>>
        %dma_wait3A_61 = arith.constant 9984 : i32
        %dma_wait3A_62 = arith.constant 0 : i32
        %dma_wait3A_63 = tpu.memref_slice %arg2[%dma_wait3A_61, %dma_wait3A_62] : memref<10000x128xf32, #tpu.memory_space<hbm>> -> memref<16x128xf32, #tpu.memory_space<hbm>>
        tpu.wait_dma2 semaphore(%run_scoped3A : memref<!tpu.dma_semaphore, #tpu.memory_space<semaphore_mem>>) src(%dma_wait3A_63 : memref<16x128xf32, #tpu.memory_space<hbm>>) dst(%dma_wait3A_60 : memref<16x128xf32, #tpu.memory_space<vmem_shared>>)
        tpu.yield
      }) : () -> ()
    } else {
    }
    %lt3A = arith.constant 31 : i32
    %lt3A_7 = arith.cmpi slt, %add3A, %lt3A : i32
    %convert_element_type3A_8 = arith.extui %lt3A_7 : i1 to i32
    %cond3A_9 = arith.constant 0 : i32
    %cond3A_10 = arith.cmpi ne, %convert_element_type3A_8, %cond3A_9 : i32
    scf.if %cond3A_10 {
      %mul3A_52 = arith.constant 10240 : i32
      %mul3A_53 = arith.muli %add3A, %mul3A_52 : i32
      "tpu.region"() ({
        %run_scoped3A = tpu.sem_alloc : memref<!tpu.dma_semaphore, #tpu.memory_space<semaphore_mem>>
        %dma_start3A_54 = tpu.memref_slice %arg3[%mul3A_53] : memref<320000xi32, #tpu.memory_space<hbm>> -> memref<10240xi32, #tpu.memory_space<hbm>>
        %dma_start3A_55 = tpu.memref_slice %arg3[%mul3A_53] : memref<320000xi32, #tpu.memory_space<hbm>> -> memref<10240xi32, #tpu.memory_space<hbm>>
        tpu.enqueue_dma source(%dma_start3A_55 : memref<10240xi32, #tpu.memory_space<hbm>>) target(%arg6 : memref<10240xi32, #tpu.memory_space<vmem>>) target_semaphore(%run_scoped3A : memref<!tpu.dma_semaphore, #tpu.memory_space<semaphore_mem>>)
        %dma_wait3A_56 = tpu.memref_slice %arg3[%mul3A_53] : memref<320000xi32, #tpu.memory_space<hbm>> -> memref<10240xi32, #tpu.memory_space<hbm>>
        %dma_wait3A_57 = tpu.memref_slice %arg3[%mul3A_53] : memref<320000xi32, #tpu.memory_space<hbm>> -> memref<10240xi32, #tpu.memory_space<hbm>>
        tpu.wait_dma2 semaphore(%run_scoped3A : memref<!tpu.dma_semaphore, #tpu.memory_space<semaphore_mem>>) src(%dma_wait3A_57 : memref<10240xi32, #tpu.memory_space<hbm>>) dst(%arg6 : memref<10240xi32, #tpu.memory_space<vmem>>)
        tpu.yield
      }) : () -> ()
    } else {
    }
    %eq3A_11 = arith.constant 31 : i32
    %eq3A_12 = arith.cmpi eq, %add3A, %eq3A_11 : i32
    %convert_element_type3A_13 = arith.extui %eq3A_12 : i1 to i32
    %cond3A_14 = arith.constant 0 : i32
    %cond3A_15 = arith.cmpi ne, %convert_element_type3A_13, %cond3A_14 : i32
    scf.if %cond3A_15 {
      "tpu.region"() ({
        %run_scoped3A = tpu.sem_alloc : memref<!tpu.dma_semaphore, #tpu.memory_space<semaphore_mem>>
        %dma_start3A_60 = arith.constant 0 : i32
        %dma_start3A_61 = tpu.memref_slice %arg6[%dma_start3A_60] : memref<10240xi32, #tpu.memory_space<vmem>> -> memref<2560xi32, #tpu.memory_space<vmem>>
        %dma_start3A_62 = arith.constant 317440 : i32
        %dma_start3A_63 = tpu.memref_slice %arg3[%dma_start3A_62] : memref<320000xi32, #tpu.memory_space<hbm>> -> memref<2560xi32, #tpu.memory_space<hbm>>
        %dma_start3A_64 = arith.constant 0 : i32
        %dma_start3A_65 = tpu.memref_slice %arg6[%dma_start3A_64] : memref<10240xi32, #tpu.memory_space<vmem>> -> memref<2560xi32, #tpu.memory_space<vmem>>
        %dma_start3A_66 = arith.constant 317440 : i32
        %dma_start3A_67 = tpu.memref_slice %arg3[%dma_start3A_66] : memref<320000xi32, #tpu.memory_space<hbm>> -> memref<2560xi32, #tpu.memory_space<hbm>>
        tpu.enqueue_dma source(%dma_start3A_67 : memref<2560xi32, #tpu.memory_space<hbm>>) target(%dma_start3A_65 : memref<2560xi32, #tpu.memory_space<vmem>>) target_semaphore(%run_scoped3A : memref<!tpu.dma_semaphore, #tpu.memory_space<semaphore_mem>>)
        %dma_wait3A_68 = arith.constant 0 : i32
        %dma_wait3A_69 = tpu.memref_slice %arg6[%dma_wait3A_68] : memref<10240xi32, #tpu.memory_space<vmem>> -> memref<2560xi32, #tpu.memory_space<vmem>>
        %dma_wait3A_70 = arith.constant 317440 : i32
        %dma_wait3A_71 = tpu.memref_slice %arg3[%dma_wait3A_70] : memref<320000xi32, #tpu.memory_space<hbm>> -> memref<2560xi32, #tpu.memory_space<hbm>>
        %dma_wait3A_72 = arith.constant 0 : i32
        %dma_wait3A_73 = tpu.memref_slice %arg6[%dma_wait3A_72] : memref<10240xi32, #tpu.memory_space<vmem>> -> memref<2560xi32, #tpu.memory_space<vmem>>
        %dma_wait3A_74 = arith.constant 317440 : i32
        %dma_wait3A_75 = tpu.memref_slice %arg3[%dma_wait3A_74] : memref<320000xi32, #tpu.memory_space<hbm>> -> memref<2560xi32, #tpu.memory_space<hbm>>
        tpu.wait_dma2 semaphore(%run_scoped3A : memref<!tpu.dma_semaphore, #tpu.memory_space<semaphore_mem>>) src(%dma_wait3A_75 : memref<2560xi32, #tpu.memory_space<hbm>>) dst(%dma_wait3A_73 : memref<2560xi32, #tpu.memory_space<vmem>>)
        tpu.yield
      }) : () -> ()
      %broadcast_in_dim3A = arith.constant 0 : i32
      %broadcast_in_dim3A_52 = vector.broadcast %broadcast_in_dim3A : i32 to vector<16xi32>
      %scan3A_53 = arith.constant 0 : i32
      %scan3A_54 = arith.constant 0 : i32
      %scan3A_55 = arith.constant 480 : i32
      %scan3A_56 = arith.addi %scan3A_54, %scan3A_55 : i32
      %scan3A_57 = arith.constant 1 : i32
      %scan3A_58 = scf.for %scan3A_60 = %scan3A_54 to %scan3A_56 step %scan3A_57 iter_args(%scan3A_61 = %scan3A_53) -> (i32)  : i32 {
        %mul3A_62 = arith.constant 16 : i32
        %mul3A_63 = arith.muli %scan3A_60, %mul3A_62 : i32
        %add3A_64 = arith.constant 2560 : i32
        %add3A_65 = arith.addi %add3A_64, %mul3A_63 : i32
        %swap3A = arith.index_cast %add3A_65 : i32 to index
        %swap3A_66 = tpu.vector_load %arg6[%swap3A] {strides = array<i32>} : memref<10240xi32, #tpu.memory_space<vmem>>, vector<16xi32>,
        %swap3A_67 = vector.shape_cast %swap3A_66 : vector<16xi32> to vector<16xi32>
        %swap3A_68 = vector.shape_cast %broadcast_in_dim3A_52 : vector<16xi32> to vector<16xi32>
        tpu.vector_store %arg6[%swap3A], %swap3A_68 {strides = array<i32>} : memref<10240xi32, #tpu.memory_space<vmem>>, vector<16xi32>,
        %scan3A_69 = arith.constant 0 : i32
        scf.yield %scan3A_69 : i32
      }
      %scan3A_59 = arith.constant 480 : i32
    } else {
    }
    %barrier3A = arith.constant 0 : index
    tpu.barrier barrier_id(%barrier3A)
    %dma_start3A = arith.constant 0 : i32
    %dma_start3A_16 = tpu.memref_slice %arg6[%dma_start3A] : memref<10240xi32, #tpu.memory_space<vmem>> -> memref<64xi32, #tpu.memory_space<vmem>>
    %dma_start3A_17 = arith.constant 0 : i32
    %dma_start3A_18 = arith.constant 0 : i32
    %dma_start3A_19 = tpu.memref_slice %arg5[%dma_start3A_17, %dma_start3A_18] : memref<10000x128xf32, #tpu.memory_space<vmem_shared>> -> memref<10000x128xf32, #tpu.memory_space<vmem_shared>>
    tpu.enqueue_indirect_dma source(%dma_start3A_19 : memref<10000x128xf32, #tpu.memory_space<vmem_shared>>) target(%arg7 : memref<64x128xf32, #tpu.memory_space<vmem>>) offsets(%dma_start3A_16 : memref<64xi32, #tpu.memory_space<vmem>>) semaphore(%arg13 : memref<!tpu.dma_semaphore, #tpu.memory_space<semaphore_mem>>)
    %dma_start3A_20 = arith.constant 64 : i32
    %dma_start3A_21 = tpu.memref_slice %arg6[%dma_start3A_20] : memref<10240xi32, #tpu.memory_space<vmem>> -> memref<64xi32, #tpu.memory_space<vmem>>
    %dma_start3A_22 = arith.constant 0 : i32
    %dma_start3A_23 = arith.constant 0 : i32
    %dma_start3A_24 = tpu.memref_slice %arg5[%dma_start3A_22, %dma_start3A_23] : memref<10000x128xf32, #tpu.memory_space<vmem_shared>> -> memref<10000x128xf32, #tpu.memory_space<vmem_shared>>
    tpu.enqueue_indirect_dma source(%dma_start3A_24 : memref<10000x128xf32, #tpu.memory_space<vmem_shared>>) target(%arg8 : memref<64x128xf32, #tpu.memory_space<vmem>>) offsets(%dma_start3A_21 : memref<64xi32, #tpu.memory_space<vmem>>) semaphore(%arg14 : memref<!tpu.dma_semaphore, #tpu.memory_space<semaphore_mem>>)
    %dma_start3A_25 = arith.constant 128 : i32
    %dma_start3A_26 = tpu.memref_slice %arg6[%dma_start3A_25] : memref<10240xi32, #tpu.memory_space<vmem>> -> memref<64xi32, #tpu.memory_space<vmem>>
    %dma_start3A_27 = arith.constant 0 : i32
    %dma_start3A_28 = arith.constant 0 : i32
    %dma_start3A_29 = tpu.memref_slice %arg5[%dma_start3A_27, %dma_start3A_28] : memref<10000x128xf32, #tpu.memory_space<vmem_shared>> -> memref<10000x128xf32, #tpu.memory_space<vmem_shared>>
    tpu.enqueue_indirect_dma source(%dma_start3A_29 : memref<10000x128xf32, #tpu.memory_space<vmem_shared>>) target(%arg9 : memref<64x128xf32, #tpu.memory_space<vmem>>) offsets(%dma_start3A_26 : memref<64xi32, #tpu.memory_space<vmem>>) semaphore(%arg15 : memref<!tpu.dma_semaphore, #tpu.memory_space<semaphore_mem>>)
    %dma_start3A_30 = arith.constant 192 : i32
    %dma_start3A_31 = tpu.memref_slice %arg6[%dma_start3A_30] : memref<10240xi32, #tpu.memory_space<vmem>> -> memref<64xi32, #tpu.memory_space<vmem>>
    %dma_start3A_32 = arith.constant 0 : i32
    %dma_start3A_33 = arith.constant 0 : i32
    %dma_start3A_34 = tpu.memref_slice %arg5[%dma_start3A_32, %dma_start3A_33] : memref<10000x128xf32, #tpu.memory_space<vmem_shared>> -> memref<10000x128xf32, #tpu.memory_space<vmem_shared>>
    tpu.enqueue_indirect_dma source(%dma_start3A_34 : memref<10000x128xf32, #tpu.memory_space<vmem_shared>>) target(%arg10 : memref<64x128xf32, #tpu.memory_space<vmem>>) offsets(%dma_start3A_31 : memref<64xi32, #tpu.memory_space<vmem>>) semaphore(%arg16 : memref<!tpu.dma_semaphore, #tpu.memory_space<semaphore_mem>>)
    %scan3A = arith.constant 0 : i32
    %scan3A_35 = arith.constant 0 : i32
    %scan3A_36 = arith.constant 20 : i32
    %scan3A_37 = arith.addi %scan3A_35, %scan3A_36 : i32
    %scan3A_38 = arith.constant 1 : i32
    %scan3A_39 = scf.for %scan3A_52 = %scan3A_35 to %scan3A_37 step %scan3A_38 iter_args(%scan3A_53 = %scan3A) -> (i32)  : i32 {
      %mul3A_54 = arith.constant 16 : i32
      %mul3A_55 = arith.muli %scan3A_52, %mul3A_54 : i32
      %add3A_56 = arith.constant 0 : i32
      %add3A_57 = arith.addi %mul3A_55, %add3A_56 : i32
      %gt3A = arith.constant 0 : i32
      %gt3A_58 = arith.cmpi sgt, %scan3A_52, %gt3A : i32
      %convert_element_type3A_59 = arith.extui %gt3A_58 : i1 to i32
      %cond3A_60 = arith.constant 0 : i32
      %cond3A_61 = arith.cmpi ne, %convert_element_type3A_59, %cond3A_60 : i32
      scf.if %cond3A_61 {
        %dma_wait3A_1356 = arith.constant 0 : i32
        %dma_wait3A_1357 = arith.constant 0 : i32
        %dma_wait3A_1358 = tpu.memref_slice %arg4[%dma_wait3A_1356, %dma_wait3A_1357] : memref<10240x128xf32, #tpu.memory_space<hbm>> -> memref<8x128xf32, #tpu.memory_space<hbm>>
        %dma_wait3A_1359 = arith.constant 0 : i32
        %dma_wait3A_1360 = arith.constant 0 : i32
        %dma_wait3A_1361 = tpu.memref_slice %arg4[%dma_wait3A_1359, %dma_wait3A_1360] : memref<10240x128xf32, #tpu.memory_space<hbm>> -> memref<8x128xf32, #tpu.memory_space<hbm>>
        tpu.wait_dma2 semaphore(%arg17 : memref<!tpu.dma_semaphore, #tpu.memory_space<semaphore_mem>>) src(%arg11 : memref<8x128xf32, #tpu.memory_space<vmem>>) dst(%dma_wait3A_1361 : memref<8x128xf32, #tpu.memory_space<hbm>>)
      } else {
      }
      %mul3A_62 = arith.constant 8 : i32
      %mul3A_63 = arith.muli %scan3A_52, %mul3A_62 : i32
      %add3A_64 = arith.constant 0 : i32
      %add3A_65 = arith.addi %mul3A_63, %add3A_64 : i32
      %add3A_66 = arith.constant 0 : i32
      %add3A_67 = arith.addi %add3A_65, %add3A_66 : i32
      %mul3A_68 = arith.constant 64 : i32
      %mul3A_69 = arith.muli %add3A_67, %mul3A_68 : i32
      %dma_wait3A_70 = tpu.memref_slice %arg6[%mul3A_69] : memref<10240xi32, #tpu.memory_space<vmem>> -> memref<64xi32, #tpu.memory_space<vmem>>
      %dma_wait3A_71 = arith.constant 0 : i32
      %dma_wait3A_72 = arith.constant 0 : i32
      %dma_wait3A_73 = tpu.memref_slice %arg5[%dma_wait3A_71, %dma_wait3A_72] : memref<10000x128xf32, #tpu.memory_space<vmem_shared>> -> memref<10000x128xf32, #tpu.memory_space<vmem_shared>>
      tpu.wait_indirect_dma semaphore(%arg13 : memref<!tpu.dma_semaphore, #tpu.memory_space<semaphore_mem>>) src(%dma_wait3A_73 : memref<10000x128xf32, #tpu.memory_space<vmem_shared>>) dst(%arg7 : memref<64x128xf32, #tpu.memory_space<vmem>>)
      %broadcast_in_dim3A = arith.constant 0.000000e+00 : f32
      %broadcast_in_dim3A_74 = vector.broadcast %broadcast_in_dim3A : f32 to vector<16xf32>
      %broadcast_in_dim3A_75 = arith.constant 0.000000e+00 : f32
      %broadcast_in_dim3A_76 = vector.broadcast %broadcast_in_dim3A_75 : f32 to vector<16xf32>
      %broadcast_in_dim3A_77 = arith.constant 0.000000e+00 : f32
      %broadcast_in_dim3A_78 = vector.broadcast %broadcast_in_dim3A_77 : f32 to vector<16xf32>
      %broadcast_in_dim3A_79 = arith.constant 0.000000e+00 : f32
      %broadcast_in_dim3A_80 = vector.broadcast %broadcast_in_dim3A_79 : f32 to vector<16xf32>
      %broadcast_in_dim3A_81 = arith.constant 0.000000e+00 : f32
      %broadcast_in_dim3A_82 = vector.broadcast %broadcast_in_dim3A_81 : f32 to vector<16xf32>
      %broadcast_in_dim3A_83 = arith.constant 0.000000e+00 : f32
      %broadcast_in_dim3A_84 = vector.broadcast %broadcast_in_dim3A_83 : f32 to vector<16xf32>
      %broadcast_in_dim3A_85 = arith.constant 0.000000e+00 : f32
      %broadcast_in_dim3A_86 = vector.broadcast %broadcast_in_dim3A_85 : f32 to vector<16xf32>
      %broadcast_in_dim3A_87 = arith.constant 0.000000e+00 : f32
      %broadcast_in_dim3A_88 = vector.broadcast %broadcast_in_dim3A_87 : f32 to vector<16xf32>
      %scan3A_89 = arith.constant 0 : i32
      %scan3A_90 = arith.constant 32 : i32
      %scan3A_91 = arith.addi %scan3A_89, %scan3A_90 : i32
      %scan3A_92 = arith.constant 1 : i32
      %scan3A_93:8 = scf.for %scan3A_1356 = %scan3A_89 to %scan3A_91 step %scan3A_92 iter_args(%scan3A_1357 = %broadcast_in_dim3A_74, %scan3A_1358 = %broadcast_in_dim3A_76, %scan3A_1359 = %broadcast_in_dim3A_78, %scan3A_1360 = %broadcast_in_dim3A_80, %scan3A_1361 = %broadcast_in_dim3A_82, %scan3A_1362 = %broadcast_in_dim3A_84, %scan3A_1363 = %broadcast_in_dim3A_86, %scan3A_1364 = %broadcast_in_dim3A_88) -> (vector<16xf32>, vector<16xf32>, vector<16xf32>, vector<16xf32>, vector<16xf32>, vector<16xf32>, vector<16xf32>, vector<16xf32>)  : i32 {
        %add3A_1365 = arith.constant 0 : i32
        %add3A_1366 = arith.addi %add3A_1365, %scan3A_1356 : i32
        %get3A = arith.index_cast %add3A_1366 : i32 to index
        %get3A_1367 = arith.constant 0 : index
        %get3A_1368 = tpu.vector_load %arg7[%get3A, %get3A_1367] {strides = array<i32>} : memref<64x128xf32, #tpu.memory_space<vmem>>, vector<1x16xf32>,
        %get3A_1369 = vector.shape_cast %get3A_1368 : vector<1x16xf32> to vector<16xf32>
        %add3A_1370 = arith.addf %scan3A_1357, %get3A_1369 : vector<16xf32>
        %add3A_1371 = arith.constant 0 : i32
        %add3A_1372 = arith.addi %add3A_1371, %scan3A_1356 : i32
        %get3A_1373 = arith.index_cast %add3A_1372 : i32 to index
        %get3A_1374 = arith.constant 16 : index
        %get3A_1375 = tpu.vector_load %arg7[%get3A_1373, %get3A_1374] {strides = array<i32>} : memref<64x128xf32, #tpu.memory_space<vmem>>, vector<1x16xf32>,
        %get3A_1376 = vector.shape_cast %get3A_1375 : vector<1x16xf32> to vector<16xf32>
        %add3A_1377 = arith.addf %scan3A_1358, %get3A_1376 : vector<16xf32>
        %add3A_1378 = arith.constant 0 : i32
        %add3A_1379 = arith.addi %add3A_1378, %scan3A_1356 : i32
        %get3A_1380 = arith.index_cast %add3A_1379 : i32 to index
        %get3A_1381 = arith.constant 32 : index
        %get3A_1382 = tpu.vector_load %arg7[%get3A_1380, %get3A_1381] {strides = array<i32>} : memref<64x128xf32, #tpu.memory_space<vmem>>, vector<1x16xf32>,
        %get3A_1383 = vector.shape_cast %get3A_1382 : vector<1x16xf32> to vector<16xf32>
        %add3A_1384 = arith.addf %scan3A_1359, %get3A_1383 : vector<16xf32>
        %add3A_1385 = arith.constant 0 : i32
        %add3A_1386 = arith.addi %add3A_1385, %scan3A_1356 : i32
        %get3A_1387 = arith.index_cast %add3A_1386 : i32 to index
        %get3A_1388 = arith.constant 48 : index
        %get3A_1389 = tpu.vector_load %arg7[%get3A_1387, %get3A_1388] {strides = array<i32>} : memref<64x128xf32, #tpu.memory_space<vmem>>, vector<1x16xf32>,
        %get3A_1390 = vector.shape_cast %get3A_1389 : vector<1x16xf32> to vector<16xf32>
        %add3A_1391 = arith.addf %scan3A_1360, %get3A_1390 : vector<16xf32>
        %add3A_1392 = arith.constant 0 : i32
        %add3A_1393 = arith.addi %add3A_1392, %scan3A_1356 : i32
        %get3A_1394 = arith.index_cast %add3A_1393 : i32 to index
        %get3A_1395 = arith.constant 64 : index
        %get3A_1396 = tpu.vector_load %arg7[%get3A_1394, %get3A_1395] {strides = array<i32>} : memref<64x128xf32, #tpu.memory_space<vmem>>, vector<1x16xf32>,
        %get3A_1397 = vector.shape_cast %get3A_1396 : vector<1x16xf32> to vector<16xf32>
        %add3A_1398 = arith.addf %scan3A_1361, %get3A_1397 : vector<16xf32>
        %add3A_1399 = arith.constant 0 : i32
        %add3A_1400 = arith.addi %add3A_1399, %scan3A_1356 : i32
        %get3A_1401 = arith.index_cast %add3A_1400 : i32 to index
        %get3A_1402 = arith.constant 80 : index
        %get3A_1403 = tpu.vector_load %arg7[%get3A_1401, %get3A_1402] {strides = array<i32>} : memref<64x128xf32, #tpu.memory_space<vmem>>, vector<1x16xf32>,
        %get3A_1404 = vector.shape_cast %get3A_1403 : vector<1x16xf32> to vector<16xf32>
        %add3A_1405 = arith.addf %scan3A_1362, %get3A_1404 : vector<16xf32>
        %add3A_1406 = arith.constant 0 : i32
        %add3A_1407 = arith.addi %add3A_1406, %scan3A_1356 : i32
        %get3A_1408 = arith.index_cast %add3A_1407 : i32 to index
        %get3A_1409 = arith.constant 96 : index
        %get3A_1410 = tpu.vector_load %arg7[%get3A_1408, %get3A_1409] {strides = array<i32>} : memref<64x128xf32, #tpu.memory_space<vmem>>, vector<1x16xf32>,
        %get3A_1411 = vector.shape_cast %get3A_1410 : vector<1x16xf32> to vector<16xf32>
        %add3A_1412 = arith.addf %scan3A_1363, %get3A_1411 : vector<16xf32>
        %add3A_1413 = arith.constant 0 : i32
        %add3A_1414 = arith.addi %add3A_1413, %scan3A_1356 : i32
        %get3A_1415 = arith.index_cast %add3A_1414 : i32 to index
        %get3A_1416 = arith.constant 112 : index
        %get3A_1417 = tpu.vector_load %arg7[%get3A_1415, %get3A_1416] {strides = array<i32>} : memref<64x128xf32, #tpu.memory_space<vmem>>, vector<1x16xf32>,
        %get3A_1418 = vector.shape_cast %get3A_1417 : vector<1x16xf32> to vector<16xf32>
        %add3A_1419 = arith.addf %scan3A_1364, %get3A_1418 : vector<16xf32>
        scf.yield %add3A_1370, %add3A_1377, %add3A_1384, %add3A_1391, %add3A_1398, %add3A_1405, %add3A_1412, %add3A_1419 : vector<16xf32>, vector<16xf32>, vector<16xf32>, vector<16xf32>, vector<16xf32>, vector<16xf32>, vector<16xf32>, vector<16xf32>
      }
      %scan3A_94 = arith.constant 32 : i32
      %swap3A = arith.constant 0 : i32
      %swap3A_95 = arith.index_cast %swap3A : i32 to index
      %swap3A_96 = arith.constant 0 : index
      %swap3A_97 = tpu.vector_load %arg11[%swap3A_95, %swap3A_96] {strides = array<i32>} : memref<8x128xf32, #tpu.memory_space<vmem>>, vector<1x16xf32>,
      %swap3A_98 = vector.shape_cast %swap3A_97 : vector<1x16xf32> to vector<16xf32>
      %swap3A_99 = vector.shape_cast %scan3A_93#0 : vector<16xf32> to vector<1x16xf32>
      tpu.vector_store %arg11[%swap3A_95, %swap3A_96], %swap3A_99 {strides = array<i32>} : memref<8x128xf32, #tpu.memory_space<vmem>>, vector<1x16xf32>,
      %swap3A_100 = arith.constant 0 : i32
      %swap3A_101 = arith.index_cast %swap3A_100 : i32 to index
      %swap3A_102 = arith.constant 16 : index
      %swap3A_103 = tpu.vector_load %arg11[%swap3A_101, %swap3A_102] {strides = array<i32>} : memref<8x128xf32, #tpu.memory_space<vmem>>, vector<1x16xf32>,
      %swap3A_104 = vector.shape_cast %swap3A_103 : vector<1x16xf32> to vector<16xf32>
      %swap3A_105 = vector.shape_cast %scan3A_93#1 : vector<16xf32> to vector<1x16xf32>
      tpu.vector_store %arg11[%swap3A_101, %swap3A_102], %swap3A_105 {strides = array<i32>} : memref<8x128xf32, #tpu.memory_space<vmem>>, vector<1x16xf32>,
      %swap3A_106 = arith.constant 0 : i32
      %swap3A_107 = arith.index_cast %swap3A_106 : i32 to index
      %swap3A_108 = arith.constant 32 : index
      %swap3A_109 = tpu.vector_load %arg11[%swap3A_107, %swap3A_108] {strides = array<i32>} : memref<8x128xf32, #tpu.memory_space<vmem>>, vector<1x16xf32>,
      %swap3A_110 = vector.shape_cast %swap3A_109 : vector<1x16xf32> to vector<16xf32>
      %swap3A_111 = vector.shape_cast %scan3A_93#2 : vector<16xf32> to vector<1x16xf32>
      tpu.vector_store %arg11[%swap3A_107, %swap3A_108], %swap3A_111 {strides = array<i32>} : memref<8x128xf32, #tpu.memory_space<vmem>>, vector<1x16xf32>,
      %swap3A_112 = arith.constant 0 : i32
      %swap3A_113 = arith.index_cast %swap3A_112 : i32 to index
      %swap3A_114 = arith.constant 48 : index
      %swap3A_115 = tpu.vector_load %arg11[%swap3A_113, %swap3A_114] {strides = array<i32>} : memref<8x128xf32, #tpu.memory_space<vmem>>, vector<1x16xf32>,
      %swap3A_116 = vector.shape_cast %swap3A_115 : vector<1x16xf32> to vector<16xf32>
      %swap3A_117 = vector.shape_cast %scan3A_93#3 : vector<16xf32> to vector<1x16xf32>
      tpu.vector_store %arg11[%swap3A_113, %swap3A_114], %swap3A_117 {strides = array<i32>} : memref<8x128xf32, #tpu.memory_space<vmem>>, vector<1x16xf32>,
      %swap3A_118 = arith.constant 0 : i32
      %swap3A_119 = arith.index_cast %swap3A_118 : i32 to index
      %swap3A_120 = arith.constant 64 : index
      %swap3A_121 = tpu.vector_load %arg11[%swap3A_119, %swap3A_120] {strides = array<i32>} : memref<8x128xf32, #tpu.memory_space<vmem>>, vector<1x16xf32>,
      %swap3A_122 = vector.shape_cast %swap3A_121 : vector<1x16xf32> to vector<16xf32>
      %swap3A_123 = vector.shape_cast %scan3A_93#4 : vector<16xf32> to vector<1x16xf32>
      tpu.vector_store %arg11[%swap3A_119, %swap3A_120], %swap3A_123 {strides = array<i32>} : memref<8x128xf32, #tpu.memory_space<vmem>>, vector<1x16xf32>,
      %swap3A_124 = arith.constant 0 : i32
      %swap3A_125 = arith.index_cast %swap3A_124 : i32 to index
      %swap3A_126 = arith.constant 80 : index
      %swap3A_127 = tpu.vector_load %arg11[%swap3A_125, %swap3A_126] {strides = array<i32>} : memref<8x128xf32, #tpu.memory_space<vmem>>, vector<1x16xf32>,
      %swap3A_128 = vector.shape_cast %swap3A_127 : vector<1x16xf32> to vector<16xf32>
      %swap3A_129 = vector.shape_cast %scan3A_93#5 : vector<16xf32> to vector<1x16xf32>
      tpu.vector_store %arg11[%swap3A_125, %swap3A_126], %swap3A_129 {strides = array<i32>} : memref<8x128xf32, #tpu.memory_space<vmem>>, vector<1x16xf32>,
      %swap3A_130 = arith.constant 0 : i32
      %swap3A_131 = arith.index_cast %swap3A_130 : i32 to index
      %swap3A_132 = arith.constant 96 : index
      %swap3A_133 = tpu.vector_load %arg11[%swap3A_131, %swap3A_132] {strides = array<i32>} : memref<8x128xf32, #tpu.memory_space<vmem>>, vector<1x16xf32>,
      %swap3A_134 = vector.shape_cast %swap3A_133 : vector<1x16xf32> to vector<16xf32>
      %swap3A_135 = vector.shape_cast %scan3A_93#6 : vector<16xf32> to vector<1x16xf32>
      tpu.vector_store %arg11[%swap3A_131, %swap3A_132], %swap3A_135 {strides = array<i32>} : memref<8x128xf32, #tpu.memory_space<vmem>>, vector<1x16xf32>,
      %swap3A_136 = arith.constant 0 : i32
      %swap3A_137 = arith.index_cast %swap3A_136 : i32 to index
      %swap3A_138 = arith.constant 112 : index
      %swap3A_139 = tpu.vector_load %arg11[%swap3A_137, %swap3A_138] {strides = array<i32>} : memref<8x128xf32, #tpu.memory_space<vmem>>, vector<1x16xf32>,
      %swap3A_140 = vector.shape_cast %swap3A_139 : vector<1x16xf32> to vector<16xf32>
      %swap3A_141 = vector.shape_cast %scan3A_93#7 : vector<16xf32> to vector<1x16xf32>
      tpu.vector_store %arg11[%swap3A_137, %swap3A_138], %swap3A_141 {strides = array<i32>} : memref<8x128xf32, #tpu.memory_space<vmem>>, vector<1x16xf32>,
      %broadcast_in_dim3A_142 = arith.constant 0.000000e+00 : f32
      %broadcast_in_dim3A_143 = vector.broadcast %broadcast_in_dim3A_142 : f32 to vector<16xf32>
      %broadcast_in_dim3A_144 = arith.constant 0.000000e+00 : f32
      %broadcast_in_dim3A_145 = vector.broadcast %broadcast_in_dim3A_144 : f32 to vector<16xf32>
      %broadcast_in_dim3A_146 = arith.constant 0.000000e+00 : f32
      %broadcast_in_dim3A_147 = vector.broadcast %broadcast_in_dim3A_146 : f32 to vector<16xf32>
      %broadcast_in_dim3A_148 = arith.constant 0.000000e+00 : f32
      %broadcast_in_dim3A_149 = vector.broadcast %broadcast_in_dim3A_148 : f32 to vector<16xf32>
      %broadcast_in_dim3A_150 = arith.constant 0.000000e+00 : f32
      %broadcast_in_dim3A_151 = vector.broadcast %broadcast_in_dim3A_150 : f32 to vector<16xf32>
      %broadcast_in_dim3A_152 = arith.constant 0.000000e+00 : f32
      %broadcast_in_dim3A_153 = vector.broadcast %broadcast_in_dim3A_152 : f32 to vector<16xf32>
      %broadcast_in_dim3A_154 = arith.constant 0.000000e+00 : f32
      %broadcast_in_dim3A_155 = vector.broadcast %broadcast_in_dim3A_154 : f32 to vector<16xf32>
      %broadcast_in_dim3A_156 = arith.constant 0.000000e+00 : f32
      %broadcast_in_dim3A_157 = vector.broadcast %broadcast_in_dim3A_156 : f32 to vector<16xf32>
      %scan3A_158 = arith.constant 0 : i32
      %scan3A_159 = arith.constant 32 : i32
      %scan3A_160 = arith.addi %scan3A_158, %scan3A_159 : i32
      %scan3A_161 = arith.constant 1 : i32
      %scan3A_162:8 = scf.for %scan3A_1356 = %scan3A_158 to %scan3A_160 step %scan3A_161 iter_args(%scan3A_1357 = %broadcast_in_dim3A_143, %scan3A_1358 = %broadcast_in_dim3A_145, %scan3A_1359 = %broadcast_in_dim3A_147, %scan3A_1360 = %broadcast_in_dim3A_149, %scan3A_1361 = %broadcast_in_dim3A_151, %scan3A_1362 = %broadcast_in_dim3A_153, %scan3A_1363 = %broadcast_in_dim3A_155, %scan3A_1364 = %broadcast_in_dim3A_157) -> (vector<16xf32>, vector<16xf32>, vector<16xf32>, vector<16xf32>, vector<16xf32>, vector<16xf32>, vector<16xf32>, vector<16xf32>)  : i32 {
        %add3A_1365 = arith.constant 32 : i32
        %add3A_1366 = arith.addi %add3A_1365, %scan3A_1356 : i32
        %get3A = arith.index_cast %add3A_1366 : i32 to index
        %get3A_1367 = arith.constant 0 : index
        %get3A_1368 = tpu.vector_load %arg7[%get3A, %get3A_1367] {strides = array<i32>} : memref<64x128xf32, #tpu.memory_space<vmem>>, vector<1x16xf32>,
        %get3A_1369 = vector.shape_cast %get3A_1368 : vector<1x16xf32> to vector<16xf32>
        %add3A_1370 = arith.addf %scan3A_1357, %get3A_1369 : vector<16xf32>
        %add3A_1371 = arith.constant 32 : i32
        %add3A_1372 = arith.addi %add3A_1371, %scan3A_1356 : i32
        %get3A_1373 = arith.index_cast %add3A_1372 : i32 to index
        %get3A_1374 = arith.constant 16 : index
        %get3A_1375 = tpu.vector_load %arg7[%get3A_1373, %get3A_1374] {strides = array<i32>} : memref<64x128xf32, #tpu.memory_space<vmem>>, vector<1x16xf32>,
        %get3A_1376 = vector.shape_cast %get3A_1375 : vector<1x16xf32> to vector<16xf32>
        %add3A_1377 = arith.addf %scan3A_1358, %get3A_1376 : vector<16xf32>
        %add3A_1378 = arith.constant 32 : i32
        %add3A_1379 = arith.addi %add3A_1378, %scan3A_1356 : i32
        %get3A_1380 = arith.index_cast %add3A_1379 : i32 to index
        %get3A_1381 = arith.constant 32 : index
        %get3A_1382 = tpu.vector_load %arg7[%get3A_1380, %get3A_1381] {strides = array<i32>} : memref<64x128xf32, #tpu.memory_space<vmem>>, vector<1x16xf32>,
        %get3A_1383 = vector.shape_cast %get3A_1382 : vector<1x16xf32> to vector<16xf32>
        %add3A_1384 = arith.addf %scan3A_1359, %get3A_1383 : vector<16xf32>
        %add3A_1385 = arith.constant 32 : i32
        %add3A_1386 = arith.addi %add3A_1385, %scan3A_1356 : i32
        %get3A_1387 = arith.index_cast %add3A_1386 : i32 to index
        %get3A_1388 = arith.constant 48 : index
        %get3A_1389 = tpu.vector_load %arg7[%get3A_1387, %get3A_1388] {strides = array<i32>} : memref<64x128xf32, #tpu.memory_space<vmem>>, vector<1x16xf32>,
        %get3A_1390 = vector.shape_cast %get3A_1389 : vector<1x16xf32> to vector<16xf32>
        %add3A_1391 = arith.addf %scan3A_1360, %get3A_1390 : vector<16xf32>
        %add3A_1392 = arith.constant 32 : i32
        %add3A_1393 = arith.addi %add3A_1392, %scan3A_1356 : i32
        %get3A_1394 = arith.index_cast %add3A_1393 : i32 to index
        %get3A_1395 = arith.constant 64 : index
        %get3A_1396 = tpu.vector_load %arg7[%get3A_1394, %get3A_1395] {strides = array<i32>} : memref<64x128xf32, #tpu.memory_space<vmem>>, vector<1x16xf32>,
        %get3A_1397 = vector.shape_cast %get3A_1396 : vector<1x16xf32> to vector<16xf32>
        %add3A_1398 = arith.addf %scan3A_1361, %get3A_1397 : vector<16xf32>
        %add3A_1399 = arith.constant 32 : i32
        %add3A_1400 = arith.addi %add3A_1399, %scan3A_1356 : i32
        %get3A_1401 = arith.index_cast %add3A_1400 : i32 to index
        %get3A_1402 = arith.constant 80 : index
        %get3A_1403 = tpu.vector_load %arg7[%get3A_1401, %get3A_1402] {strides = array<i32>} : memref<64x128xf32, #tpu.memory_space<vmem>>, vector<1x16xf32>,
        %get3A_1404 = vector.shape_cast %get3A_1403 : vector<1x16xf32> to vector<16xf32>
        %add3A_1405 = arith.addf %scan3A_1362, %get3A_1404 : vector<16xf32>
        %add3A_1406 = arith.constant 32 : i32
        %add3A_1407 = arith.addi %add3A_1406, %scan3A_1356 : i32
        %get3A_1408 = arith.index_cast %add3A_1407 : i32 to index
        %get3A_1409 = arith.constant 96 : index
        %get3A_1410 = tpu.vector_load %arg7[%get3A_1408, %get3A_1409] {strides = array<i32>} : memref<64x128xf32, #tpu.memory_space<vmem>>, vector<1x16xf32>,
        %get3A_1411 = vector.shape_cast %get3A_1410 : vector<1x16xf32> to vector<16xf32>
        %add3A_1412 = arith.addf %scan3A_1363, %get3A_1411 : vector<16xf32>
        %add3A_1413 = arith.constant 32 : i32
        %add3A_1414 = arith.addi %add3A_1413, %scan3A_1356 : i32
        %get3A_1415 = arith.index_cast %add3A_1414 : i32 to index
        %get3A_1416 = arith.constant 112 : index
        %get3A_1417 = tpu.vector_load %arg7[%get3A_1415, %get3A_1416] {strides = array<i32>} : memref<64x128xf32, #tpu.memory_space<vmem>>, vector<1x16xf32>,
        %get3A_1418 = vector.shape_cast %get3A_1417 : vector<1x16xf32> to vector<16xf32>
        %add3A_1419 = arith.addf %scan3A_1364, %get3A_1418 : vector<16xf32>
        scf.yield %add3A_1370, %add3A_1377, %add3A_1384, %add3A_1391, %add3A_1398, %add3A_1405, %add3A_1412, %add3A_1419 : vector<16xf32>, vector<16xf32>, vector<16xf32>, vector<16xf32>, vector<16xf32>, vector<16xf32>, vector<16xf32>, vector<16xf32>
      }
      %scan3A_163 = arith.constant 32 : i32
      %swap3A_164 = arith.constant 1 : i32
      %swap3A_165 = arith.index_cast %swap3A_164 : i32 to index
      %swap3A_166 = arith.constant 0 : index
      %swap3A_167 = tpu.vector_load %arg11[%swap3A_165, %swap3A_166] {strides = array<i32>} : memref<8x128xf32, #tpu.memory_space<vmem>>, vector<1x16xf32>,
      %swap3A_168 = vector.shape_cast %swap3A_167 : vector<1x16xf32> to vector<16xf32>
      %swap3A_169 = vector.shape_cast %scan3A_162#0 : vector<16xf32> to vector<1x16xf32>
      tpu.vector_store %arg11[%swap3A_165, %swap3A_166], %swap3A_169 {strides = array<i32>} : memref<8x128xf32, #tpu.memory_space<vmem>>, vector<1x16xf32>,
      %swap3A_170 = arith.constant 1 : i32
      %swap3A_171 = arith.index_cast %swap3A_170 : i32 to index
      %swap3A_172 = arith.constant 16 : index
      %swap3A_173 = tpu.vector_load %arg11[%swap3A_171, %swap3A_172] {strides = array<i32>} : memref<8x128xf32, #tpu.memory_space<vmem>>, vector<1x16xf32>,
      %swap3A_174 = vector.shape_cast %swap3A_173 : vector<1x16xf32> to vector<16xf32>
      %swap3A_175 = vector.shape_cast %scan3A_162#1 : vector<16xf32> to vector<1x16xf32>
      tpu.vector_store %arg11[%swap3A_171, %swap3A_172], %swap3A_175 {strides = array<i32>} : memref<8x128xf32, #tpu.memory_space<vmem>>, vector<1x16xf32>,
      %swap3A_176 = arith.constant 1 : i32
      %swap3A_177 = arith.index_cast %swap3A_176 : i32 to index
      %swap3A_178 = arith.constant 32 : index
      %swap3A_179 = tpu.vector_load %arg11[%swap3A_177, %swap3A_178] {strides = array<i32>} : memref<8x128xf32, #tpu.memory_space<vmem>>, vector<1x16xf32>,
      %swap3A_180 = vector.shape_cast %swap3A_179 : vector<1x16xf32> to vector<16xf32>
      %swap3A_181 = vector.shape_cast %scan3A_162#2 : vector<16xf32> to vector<1x16xf32>
      tpu.vector_store %arg11[%swap3A_177, %swap3A_178], %swap3A_181 {strides = array<i32>} : memref<8x128xf32, #tpu.memory_space<vmem>>, vector<1x16xf32>,
      %swap3A_182 = arith.constant 1 : i32
      %swap3A_183 = arith.index_cast %swap3A_182 : i32 to index
      %swap3A_184 = arith.constant 48 : index
      %swap3A_185 = tpu.vector_load %arg11[%swap3A_183, %swap3A_184] {strides = array<i32>} : memref<8x128xf32, #tpu.memory_space<vmem>>, vector<1x16xf32>,
      %swap3A_186 = vector.shape_cast %swap3A_185 : vector<1x16xf32> to vector<16xf32>
      %swap3A_187 = vector.shape_cast %scan3A_162#3 : vector<16xf32> to vector<1x16xf32>
      tpu.vector_store %arg11[%swap3A_183, %swap3A_184], %swap3A_187 {strides = array<i32>} : memref<8x128xf32, #tpu.memory_space<vmem>>, vector<1x16xf32>,
      %swap3A_188 = arith.constant 1 : i32
      %swap3A_189 = arith.index_cast %swap3A_188 : i32 to index
      %swap3A_190 = arith.constant 64 : index
      %swap3A_191 = tpu.vector_load %arg11[%swap3A_189, %swap3A_190] {strides = array<i32>} : memref<8x128xf32, #tpu.memory_space<vmem>>, vector<1x16xf32>,
      %swap3A_192 = vector.shape_cast %swap3A_191 : vector<1x16xf32> to vector<16xf32>
      %swap3A_193 = vector.shape_cast %scan3A_162#4 : vector<16xf32> to vector<1x16xf32>
      tpu.vector_store %arg11[%swap3A_189, %swap3A_190], %swap3A_193 {strides = array<i32>} : memref<8x128xf32, #tpu.memory_space<vmem>>, vector<1x16xf32>,
      %swap3A_194 = arith.constant 1 : i32
      %swap3A_195 = arith.index_cast %swap3A_194 : i32 to index
      %swap3A_196 = arith.constant 80 : index
      %swap3A_197 = tpu.vector_load %arg11[%swap3A_195, %swap3A_196] {strides = array<i32>} : memref<8x128xf32, #tpu.memory_space<vmem>>, vector<1x16xf32>,
      %swap3A_198 = vector.shape_cast %swap3A_197 : vector<1x16xf32> to vector<16xf32>
      %swap3A_199 = vector.shape_cast %scan3A_162#5 : vector<16xf32> to vector<1x16xf32>
      tpu.vector_store %arg11[%swap3A_195, %swap3A_196], %swap3A_199 {strides = array<i32>} : memref<8x128xf32, #tpu.memory_space<vmem>>, vector<1x16xf32>,
      %swap3A_200 = arith.constant 1 : i32
      %swap3A_201 = arith.index_cast %swap3A_200 : i32 to index
      %swap3A_202 = arith.constant 96 : index
      %swap3A_203 = tpu.vector_load %arg11[%swap3A_201, %swap3A_202] {strides = array<i32>} : memref<8x128xf32, #tpu.memory_space<vmem>>, vector<1x16xf32>,
      %swap3A_204 = vector.shape_cast %swap3A_203 : vector<1x16xf32> to vector<16xf32>
      %swap3A_205 = vector.shape_cast %scan3A_162#6 : vector<16xf32> to vector<1x16xf32>
      tpu.vector_store %arg11[%swap3A_201, %swap3A_202], %swap3A_205 {strides = array<i32>} : memref<8x128xf32, #tpu.memory_space<vmem>>, vector<1x16xf32>,
      %swap3A_206 = arith.constant 1 : i32
      %swap3A_207 = arith.index_cast %swap3A_206 : i32 to index
      %swap3A_208 = arith.constant 112 : index
      %swap3A_209 = tpu.vector_load %arg11[%swap3A_207, %swap3A_208] {strides = array<i32>} : memref<8x128xf32, #tpu.memory_space<vmem>>, vector<1x16xf32>,
      %swap3A_210 = vector.shape_cast %swap3A_209 : vector<1x16xf32> to vector<16xf32>
      %swap3A_211 = vector.shape_cast %scan3A_162#7 : vector<16xf32> to vector<1x16xf32>
      tpu.vector_store %arg11[%swap3A_207, %swap3A_208], %swap3A_211 {strides = array<i32>} : memref<8x128xf32, #tpu.memory_space<vmem>>, vector<1x16xf32>,
      %add3A_212 = arith.constant 4 : i32
      %add3A_213 = arith.addi %add3A_67, %add3A_212 : i32
      %lt3A_214 = arith.constant 160 : i32
      %lt3A_215 = arith.cmpi slt, %add3A_213, %lt3A_214 : i32
      %convert_element_type3A_216 = arith.extui %lt3A_215 : i1 to i32
      %cond3A_217 = arith.constant 0 : i32
      %cond3A_218 = arith.cmpi ne, %convert_element_type3A_216, %cond3A_217 : i32
      scf.if %cond3A_218 {
        %add3A_1356 = arith.constant 4 : i32
        %add3A_1357 = arith.addi %add3A_67, %add3A_1356 : i32
        %mul3A_1358 = arith.constant 64 : i32
        %mul3A_1359 = arith.muli %add3A_1357, %mul3A_1358 : i32
        %dma_start3A_1360 = tpu.memref_slice %arg6[%mul3A_1359] : memref<10240xi32, #tpu.memory_space<vmem>> -> memref<64xi32, #tpu.memory_space<vmem>>
        %dma_start3A_1361 = arith.constant 0 : i32
        %dma_start3A_1362 = arith.constant 0 : i32
        %dma_start3A_1363 = tpu.memref_slice %arg5[%dma_start3A_1361, %dma_start3A_1362] : memref<10000x128xf32, #tpu.memory_space<vmem_shared>> -> memref<10000x128xf32, #tpu.memory_space<vmem_shared>>
        tpu.enqueue_indirect_dma source(%dma_start3A_1363 : memref<10000x128xf32, #tpu.memory_space<vmem_shared>>) target(%arg7 : memref<64x128xf32, #tpu.memory_space<vmem>>) offsets(%dma_start3A_1360 : memref<64xi32, #tpu.memory_space<vmem>>) semaphore(%arg13 : memref<!tpu.dma_semaphore, #tpu.memory_space<semaphore_mem>>)
      } else {
      }
      %mul3A_219 = arith.constant 8 : i32
      %mul3A_220 = arith.muli %scan3A_52, %mul3A_219 : i32
      %add3A_221 = arith.constant 0 : i32
      %add3A_222 = arith.addi %mul3A_220, %add3A_221 : i32
      %add3A_223 = arith.constant 1 : i32
      %add3A_224 = arith.addi %add3A_222, %add3A_223 : i32
      %mul3A_225 = arith.constant 64 : i32
      %mul3A_226 = arith.muli %add3A_224, %mul3A_225 : i32
      %dma_wait3A_227 = tpu.memref_slice %arg6[%mul3A_226] : memref<10240xi32, #tpu.memory_space<vmem>> -> memref<64xi32, #tpu.memory_space<vmem>>
      %dma_wait3A_228 = arith.constant 0 : i32
      %dma_wait3A_229 = arith.constant 0 : i32
      %dma_wait3A_230 = tpu.memref_slice %arg5[%dma_wait3A_228, %dma_wait3A_229] : memref<10000x128xf32, #tpu.memory_space<vmem_shared>> -> memref<10000x128xf32, #tpu.memory_space<vmem_shared>>
      tpu.wait_indirect_dma semaphore(%arg14 : memref<!tpu.dma_semaphore, #tpu.memory_space<semaphore_mem>>) src(%dma_wait3A_230 : memref<10000x128xf32, #tpu.memory_space<vmem_shared>>) dst(%arg8 : memref<64x128xf32, #tpu.memory_space<vmem>>)
      %broadcast_in_dim3A_231 = arith.constant 0.000000e+00 : f32
      %broadcast_in_dim3A_232 = vector.broadcast %broadcast_in_dim3A_231 : f32 to vector<16xf32>
      %broadcast_in_dim3A_233 = arith.constant 0.000000e+00 : f32
      %broadcast_in_dim3A_234 = vector.broadcast %broadcast_in_dim3A_233 : f32 to vector<16xf32>
      %broadcast_in_dim3A_235 = arith.constant 0.000000e+00 : f32
      %broadcast_in_dim3A_236 = vector.broadcast %broadcast_in_dim3A_235 : f32 to vector<16xf32>
      %broadcast_in_dim3A_237 = arith.constant 0.000000e+00 : f32
      %broadcast_in_dim3A_238 = vector.broadcast %broadcast_in_dim3A_237 : f32 to vector<16xf32>
      %broadcast_in_dim3A_239 = arith.constant 0.000000e+00 : f32
      %broadcast_in_dim3A_240 = vector.broadcast %broadcast_in_dim3A_239 : f32 to vector<16xf32>
      %broadcast_in_dim3A_241 = arith.constant 0.000000e+00 : f32
      %broadcast_in_dim3A_242 = vector.broadcast %broadcast_in_dim3A_241 : f32 to vector<16xf32>
      %broadcast_in_dim3A_243 = arith.constant 0.000000e+00 : f32
      %broadcast_in_dim3A_244 = vector.broadcast %broadcast_in_dim3A_243 : f32 to vector<16xf32>
      %broadcast_in_dim3A_245 = arith.constant 0.000000e+00 : f32
      %broadcast_in_dim3A_246 = vector.broadcast %broadcast_in_dim3A_245 : f32 to vector<16xf32>
      %scan3A_247 = arith.constant 0 : i32
      %scan3A_248 = arith.constant 32 : i32
      %scan3A_249 = arith.addi %scan3A_247, %scan3A_248 : i32
      %scan3A_250 = arith.constant 1 : i32
      %scan3A_251:8 = scf.for %scan3A_1356 = %scan3A_247 to %scan3A_249 step %scan3A_250 iter_args(%scan3A_1357 = %broadcast_in_dim3A_232, %scan3A_1358 = %broadcast_in_dim3A_234, %scan3A_1359 = %broadcast_in_dim3A_236, %scan3A_1360 = %broadcast_in_dim3A_238, %scan3A_1361 = %broadcast_in_dim3A_240, %scan3A_1362 = %broadcast_in_dim3A_242, %scan3A_1363 = %broadcast_in_dim3A_244, %scan3A_1364 = %broadcast_in_dim3A_246) -> (vector<16xf32>, vector<16xf32>, vector<16xf32>, vector<16xf32>, vector<16xf32>, vector<16xf32>, vector<16xf32>, vector<16xf32>)  : i32 {
        %add3A_1365 = arith.constant 0 : i32
        %add3A_1366 = arith.addi %add3A_1365, %scan3A_1356 : i32
        %get3A = arith.index_cast %add3A_1366 : i32 to index
        %get3A_1367 = arith.constant 0 : index
        %get3A_1368 = tpu.vector_load %arg8[%get3A, %get3A_1367] {strides = array<i32>} : memref<64x128xf32, #tpu.memory_space<vmem>>, vector<1x16xf32>,
        %get3A_1369 = vector.shape_cast %get3A_1368 : vector<1x16xf32> to vector<16xf32>
        %add3A_1370 = arith.addf %scan3A_1357, %get3A_1369 : vector<16xf32>
        %add3A_1371 = arith.constant 0 : i32
        %add3A_1372 = arith.addi %add3A_1371, %scan3A_1356 : i32
        %get3A_1373 = arith.index_cast %add3A_1372 : i32 to index
        %get3A_1374 = arith.constant 16 : index
        %get3A_1375 = tpu.vector_load %arg8[%get3A_1373, %get3A_1374] {strides = array<i32>} : memref<64x128xf32, #tpu.memory_space<vmem>>, vector<1x16xf32>,
        %get3A_1376 = vector.shape_cast %get3A_1375 : vector<1x16xf32> to vector<16xf32>
        %add3A_1377 = arith.addf %scan3A_1358, %get3A_1376 : vector<16xf32>
        %add3A_1378 = arith.constant 0 : i32
        %add3A_1379 = arith.addi %add3A_1378, %scan3A_1356 : i32
        %get3A_1380 = arith.index_cast %add3A_1379 : i32 to index
        %get3A_1381 = arith.constant 32 : index
        %get3A_1382 = tpu.vector_load %arg8[%get3A_1380, %get3A_1381] {strides = array<i32>} : memref<64x128xf32, #tpu.memory_space<vmem>>, vector<1x16xf32>,
        %get3A_1383 = vector.shape_cast %get3A_1382 : vector<1x16xf32> to vector<16xf32>
        %add3A_1384 = arith.addf %scan3A_1359, %get3A_1383 : vector<16xf32>
        %add3A_1385 = arith.constant 0 : i32
        %add3A_1386 = arith.addi %add3A_1385, %scan3A_1356 : i32
        %get3A_1387 = arith.index_cast %add3A_1386 : i32 to index
        %get3A_1388 = arith.constant 48 : index
        %get3A_1389 = tpu.vector_load %arg8[%get3A_1387, %get3A_1388] {strides = array<i32>} : memref<64x128xf32, #tpu.memory_space<vmem>>, vector<1x16xf32>,
        %get3A_1390 = vector.shape_cast %get3A_1389 : vector<1x16xf32> to vector<16xf32>
        %add3A_1391 = arith.addf %scan3A_1360, %get3A_1390 : vector<16xf32>
        %add3A_1392 = arith.constant 0 : i32
        %add3A_1393 = arith.addi %add3A_1392, %scan3A_1356 : i32
        %get3A_1394 = arith.index_cast %add3A_1393 : i32 to index
        %get3A_1395 = arith.constant 64 : index
        %get3A_1396 = tpu.vector_load %arg8[%get3A_1394, %get3A_1395] {strides = array<i32>} : memref<64x128xf32, #tpu.memory_space<vmem>>, vector<1x16xf32>,
        %get3A_1397 = vector.shape_cast %get3A_1396 : vector<1x16xf32> to vector<16xf32>
        %add3A_1398 = arith.addf %scan3A_1361, %get3A_1397 : vector<16xf32>
        %add3A_1399 = arith.constant 0 : i32
        %add3A_1400 = arith.addi %add3A_1399, %scan3A_1356 : i32
        %get3A_1401 = arith.index_cast %add3A_1400 : i32 to index
        %get3A_1402 = arith.constant 80 : index
        %get3A_1403 = tpu.vector_load %arg8[%get3A_1401, %get3A_1402] {strides = array<i32>} : memref<64x128xf32, #tpu.memory_space<vmem>>, vector<1x16xf32>,
        %get3A_1404 = vector.shape_cast %get3A_1403 : vector<1x16xf32> to vector<16xf32>
        %add3A_1405 = arith.addf %scan3A_1362, %get3A_1404 : vector<16xf32>
        %add3A_1406 = arith.constant 0 : i32
        %add3A_1407 = arith.addi %add3A_1406, %scan3A_1356 : i32
        %get3A_1408 = arith.index_cast %add3A_1407 : i32 to index
        %get3A_1409 = arith.constant 96 : index
        %get3A_1410 = tpu.vector_load %arg8[%get3A_1408, %get3A_1409] {strides = array<i32>} : memref<64x128xf32, #tpu.memory_space<vmem>>, vector<1x16xf32>,
        %get3A_1411 = vector.shape_cast %get3A_1410 : vector<1x16xf32> to vector<16xf32>
        %add3A_1412 = arith.addf %scan3A_1363, %get3A_1411 : vector<16xf32>
        %add3A_1413 = arith.constant 0 : i32
        %add3A_1414 = arith.addi %add3A_1413, %scan3A_1356 : i32
        %get3A_1415 = arith.index_cast %add3A_1414 : i32 to index
        %get3A_1416 = arith.constant 112 : index
        %get3A_1417 = tpu.vector_load %arg8[%get3A_1415, %get3A_1416] {strides = array<i32>} : memref<64x128xf32, #tpu.memory_space<vmem>>, vector<1x16xf32>,
        %get3A_1418 = vector.shape_cast %get3A_1417 : vector<1x16xf32> to vector<16xf32>
        %add3A_1419 = arith.addf %scan3A_1364, %get3A_1418 : vector<16xf32>
        scf.yield %add3A_1370, %add3A_1377, %add3A_1384, %add3A_1391, %add3A_1398, %add3A_1405, %add3A_1412, %add3A_1419 : vector<16xf32>, vector<16xf32>, vector<16xf32>, vector<16xf32>, vector<16xf32>, vector<16xf32>, vector<16xf32>, vector<16xf32>
      }
      %scan3A_252 = arith.constant 32 : i32
      %swap3A_253 = arith.constant 2 : i32
      %swap3A_254 = arith.index_cast %swap3A_253 : i32 to index
      %swap3A_255 = arith.constant 0 : index
      %swap3A_256 = tpu.vector_load %arg11[%swap3A_254, %swap3A_255] {strides = array<i32>} : memref<8x128xf32, #tpu.memory_space<vmem>>, vector<1x16xf32>,
      %swap3A_257 = vector.shape_cast %swap3A_256 : vector<1x16xf32> to vector<16xf32>
      %swap3A_258 = vector.shape_cast %scan3A_251#0 : vector<16xf32> to vector<1x16xf32>
      tpu.vector_store %arg11[%swap3A_254, %swap3A_255], %swap3A_258 {strides = array<i32>} : memref<8x128xf32, #tpu.memory_space<vmem>>, vector<1x16xf32>,
      %swap3A_259 = arith.constant 2 : i32
      %swap3A_260 = arith.index_cast %swap3A_259 : i32 to index
      %swap3A_261 = arith.constant 16 : index
      %swap3A_262 = tpu.vector_load %arg11[%swap3A_260, %swap3A_261] {strides = array<i32>} : memref<8x128xf32, #tpu.memory_space<vmem>>, vector<1x16xf32>,
      %swap3A_263 = vector.shape_cast %swap3A_262 : vector<1x16xf32> to vector<16xf32>
      %swap3A_264 = vector.shape_cast %scan3A_251#1 : vector<16xf32> to vector<1x16xf32>
      tpu.vector_store %arg11[%swap3A_260, %swap3A_261], %swap3A_264 {strides = array<i32>} : memref<8x128xf32, #tpu.memory_space<vmem>>, vector<1x16xf32>,
      %swap3A_265 = arith.constant 2 : i32
      %swap3A_266 = arith.index_cast %swap3A_265 : i32 to index
      %swap3A_267 = arith.constant 32 : index
      %swap3A_268 = tpu.vector_load %arg11[%swap3A_266, %swap3A_267] {strides = array<i32>} : memref<8x128xf32, #tpu.memory_space<vmem>>, vector<1x16xf32>,
      %swap3A_269 = vector.shape_cast %swap3A_268 : vector<1x16xf32> to vector<16xf32>
      %swap3A_270 = vector.shape_cast %scan3A_251#2 : vector<16xf32> to vector<1x16xf32>
      tpu.vector_store %arg11[%swap3A_266, %swap3A_267], %swap3A_270 {strides = array<i32>} : memref<8x128xf32, #tpu.memory_space<vmem>>, vector<1x16xf32>,
      %swap3A_271 = arith.constant 2 : i32
      %swap3A_272 = arith.index_cast %swap3A_271 : i32 to index
      %swap3A_273 = arith.constant 48 : index
      %swap3A_274 = tpu.vector_load %arg11[%swap3A_272, %swap3A_273] {strides = array<i32>} : memref<8x128xf32, #tpu.memory_space<vmem>>, vector<1x16xf32>,
      %swap3A_275 = vector.shape_cast %swap3A_274 : vector<1x16xf32> to vector<16xf32>
      %swap3A_276 = vector.shape_cast %scan3A_251#3 : vector<16xf32> to vector<1x16xf32>
      tpu.vector_store %arg11[%swap3A_272, %swap3A_273], %swap3A_276 {strides = array<i32>} : memref<8x128xf32, #tpu.memory_space<vmem>>, vector<1x16xf32>,
      %swap3A_277 = arith.constant 2 : i32
      %swap3A_278 = arith.index_cast %swap3A_277 : i32 to index
      %swap3A_279 = arith.constant 64 : index
      %swap3A_280 = tpu.vector_load %arg11[%swap3A_278, %swap3A_279] {strides = array<i32>} : memref<8x128xf32, #tpu.memory_space<vmem>>, vector<1x16xf32>,
      %swap3A_281 = vector.shape_cast %swap3A_280 : vector<1x16xf32> to vector<16xf32>
      %swap3A_282 = vector.shape_cast %scan3A_251#4 : vector<16xf32> to vector<1x16xf32>
      tpu.vector_store %arg11[%swap3A_278, %swap3A_279], %swap3A_282 {strides = array<i32>} : memref<8x128xf32, #tpu.memory_space<vmem>>, vector<1x16xf32>,
      %swap3A_283 = arith.constant 2 : i32
      %swap3A_284 = arith.index_cast %swap3A_283 : i32 to index
      %swap3A_285 = arith.constant 80 : index
      %swap3A_286 = tpu.vector_load %arg11[%swap3A_284, %swap3A_285] {strides = array<i32>} : memref<8x128xf32, #tpu.memory_space<vmem>>, vector<1x16xf32>,
      %swap3A_287 = vector.shape_cast %swap3A_286 : vector<1x16xf32> to vector<16xf32>
      %swap3A_288 = vector.shape_cast %scan3A_251#5 : vector<16xf32> to vector<1x16xf32>
      tpu.vector_store %arg11[%swap3A_284, %swap3A_285], %swap3A_288 {strides = array<i32>} : memref<8x128xf32, #tpu.memory_space<vmem>>, vector<1x16xf32>,
      %swap3A_289 = arith.constant 2 : i32
      %swap3A_290 = arith.index_cast %swap3A_289 : i32 to index
      %swap3A_291 = arith.constant 96 : index
      %swap3A_292 = tpu.vector_load %arg11[%swap3A_290, %swap3A_291] {strides = array<i32>} : memref<8x128xf32, #tpu.memory_space<vmem>>, vector<1x16xf32>,
      %swap3A_293 = vector.shape_cast %swap3A_292 : vector<1x16xf32> to vector<16xf32>
      %swap3A_294 = vector.shape_cast %scan3A_251#6 : vector<16xf32> to vector<1x16xf32>
      tpu.vector_store %arg11[%swap3A_290, %swap3A_291], %swap3A_294 {strides = array<i32>} : memref<8x128xf32, #tpu.memory_space<vmem>>, vector<1x16xf32>,
      %swap3A_295 = arith.constant 2 : i32
      %swap3A_296 = arith.index_cast %swap3A_295 : i32 to index
      %swap3A_297 = arith.constant 112 : index
      %swap3A_298 = tpu.vector_load %arg11[%swap3A_296, %swap3A_297] {strides = array<i32>} : memref<8x128xf32, #tpu.memory_space<vmem>>, vector<1x16xf32>,
      %swap3A_299 = vector.shape_cast %swap3A_298 : vector<1x16xf32> to vector<16xf32>
      %swap3A_300 = vector.shape_cast %scan3A_251#7 : vector<16xf32> to vector<1x16xf32>
      tpu.vector_store %arg11[%swap3A_296, %swap3A_297], %swap3A_300 {strides = array<i32>} : memref<8x128xf32, #tpu.memory_space<vmem>>, vector<1x16xf32>,
      %broadcast_in_dim3A_301 = arith.constant 0.000000e+00 : f32
      %broadcast_in_dim3A_302 = vector.broadcast %broadcast_in_dim3A_301 : f32 to vector<16xf32>
      %broadcast_in_dim3A_303 = arith.constant 0.000000e+00 : f32
      %broadcast_in_dim3A_304 = vector.broadcast %broadcast_in_dim3A_303 : f32 to vector<16xf32>
      %broadcast_in_dim3A_305 = arith.constant 0.000000e+00 : f32
      %broadcast_in_dim3A_306 = vector.broadcast %broadcast_in_dim3A_305 : f32 to vector<16xf32>
      %broadcast_in_dim3A_307 = arith.constant 0.000000e+00 : f32
      %broadcast_in_dim3A_308 = vector.broadcast %broadcast_in_dim3A_307 : f32 to vector<16xf32>
      %broadcast_in_dim3A_309 = arith.constant 0.000000e+00 : f32
      %broadcast_in_dim3A_310 = vector.broadcast %broadcast_in_dim3A_309 : f32 to vector<16xf32>
      %broadcast_in_dim3A_311 = arith.constant 0.000000e+00 : f32
      %broadcast_in_dim3A_312 = vector.broadcast %broadcast_in_dim3A_311 : f32 to vector<16xf32>
      %broadcast_in_dim3A_313 = arith.constant 0.000000e+00 : f32
      %broadcast_in_dim3A_314 = vector.broadcast %broadcast_in_dim3A_313 : f32 to vector<16xf32>
      %broadcast_in_dim3A_315 = arith.constant 0.000000e+00 : f32
      %broadcast_in_dim3A_316 = vector.broadcast %broadcast_in_dim3A_315 : f32 to vector<16xf32>
      %scan3A_317 = arith.constant 0 : i32
      %scan3A_318 = arith.constant 32 : i32
      %scan3A_319 = arith.addi %scan3A_317, %scan3A_318 : i32
      %scan3A_320 = arith.constant 1 : i32
      %scan3A_321:8 = scf.for %scan3A_1356 = %scan3A_317 to %scan3A_319 step %scan3A_320 iter_args(%scan3A_1357 = %broadcast_in_dim3A_302, %scan3A_1358 = %broadcast_in_dim3A_304, %scan3A_1359 = %broadcast_in_dim3A_306, %scan3A_1360 = %broadcast_in_dim3A_308, %scan3A_1361 = %broadcast_in_dim3A_310, %scan3A_1362 = %broadcast_in_dim3A_312, %scan3A_1363 = %broadcast_in_dim3A_314, %scan3A_1364 = %broadcast_in_dim3A_316) -> (vector<16xf32>, vector<16xf32>, vector<16xf32>, vector<16xf32>, vector<16xf32>, vector<16xf32>, vector<16xf32>, vector<16xf32>)  : i32 {
        %add3A_1365 = arith.constant 32 : i32
        %add3A_1366 = arith.addi %add3A_1365, %scan3A_1356 : i32
        %get3A = arith.index_cast %add3A_1366 : i32 to index
        %get3A_1367 = arith.constant 0 : index
        %get3A_1368 = tpu.vector_load %arg8[%get3A, %get3A_1367] {strides = array<i32>} : memref<64x128xf32, #tpu.memory_space<vmem>>, vector<1x16xf32>,
        %get3A_1369 = vector.shape_cast %get3A_1368 : vector<1x16xf32> to vector<16xf32>
        %add3A_1370 = arith.addf %scan3A_1357, %get3A_1369 : vector<16xf32>
        %add3A_1371 = arith.constant 32 : i32
        %add3A_1372 = arith.addi %add3A_1371, %scan3A_1356 : i32
        %get3A_1373 = arith.index_cast %add3A_1372 : i32 to index
        %get3A_1374 = arith.constant 16 : index
        %get3A_1375 = tpu.vector_load %arg8[%get3A_1373, %get3A_1374] {strides = array<i32>} : memref<64x128xf32, #tpu.memory_space<vmem>>, vector<1x16xf32>,
        %get3A_1376 = vector.shape_cast %get3A_1375 : vector<1x16xf32> to vector<16xf32>
        %add3A_1377 = arith.addf %scan3A_1358, %get3A_1376 : vector<16xf32>
        %add3A_1378 = arith.constant 32 : i32
        %add3A_1379 = arith.addi %add3A_1378, %scan3A_1356 : i32
        %get3A_1380 = arith.index_cast %add3A_1379 : i32 to index
        %get3A_1381 = arith.constant 32 : index
        %get3A_1382 = tpu.vector_load %arg8[%get3A_1380, %get3A_1381] {strides = array<i32>} : memref<64x128xf32, #tpu.memory_space<vmem>>, vector<1x16xf32>,
        %get3A_1383 = vector.shape_cast %get3A_1382 : vector<1x16xf32> to vector<16xf32>
        %add3A_1384 = arith.addf %scan3A_1359, %get3A_1383 : vector<16xf32>
        %add3A_1385 = arith.constant 32 : i32
        %add3A_1386 = arith.addi %add3A_1385, %scan3A_1356 : i32
        %get3A_1387 = arith.index_cast %add3A_1386 : i32 to index
        %get3A_1388 = arith.constant 48 : index
        %get3A_1389 = tpu.vector_load %arg8[%get3A_1387, %get3A_1388] {strides = array<i32>} : memref<64x128xf32, #tpu.memory_space<vmem>>, vector<1x16xf32>,
        %get3A_1390 = vector.shape_cast %get3A_1389 : vector<1x16xf32> to vector<16xf32>
        %add3A_1391 = arith.addf %scan3A_1360, %get3A_1390 : vector<16xf32>
        %add3A_1392 = arith.constant 32 : i32
        %add3A_1393 = arith.addi %add3A_1392, %scan3A_1356 : i32
        %get3A_1394 = arith.index_cast %add3A_1393 : i32 to index
        %get3A_1395 = arith.constant 64 : index
        %get3A_1396 = tpu.vector_load %arg8[%get3A_1394, %get3A_1395] {strides = array<i32>} : memref<64x128xf32, #tpu.memory_space<vmem>>, vector<1x16xf32>,
        %get3A_1397 = vector.shape_cast %get3A_1396 : vector<1x16xf32> to vector<16xf32>
        %add3A_1398 = arith.addf %scan3A_1361, %get3A_1397 : vector<16xf32>
        %add3A_1399 = arith.constant 32 : i32
        %add3A_1400 = arith.addi %add3A_1399, %scan3A_1356 : i32
        %get3A_1401 = arith.index_cast %add3A_1400 : i32 to index
        %get3A_1402 = arith.constant 80 : index
        %get3A_1403 = tpu.vector_load %arg8[%get3A_1401, %get3A_1402] {strides = array<i32>} : memref<64x128xf32, #tpu.memory_space<vmem>>, vector<1x16xf32>,
        %get3A_1404 = vector.shape_cast %get3A_1403 : vector<1x16xf32> to vector<16xf32>
        %add3A_1405 = arith.addf %scan3A_1362, %get3A_1404 : vector<16xf32>
        %add3A_1406 = arith.constant 32 : i32
        %add3A_1407 = arith.addi %add3A_1406, %scan3A_1356 : i32
        %get3A_1408 = arith.index_cast %add3A_1407 : i32 to index
        %get3A_1409 = arith.constant 96 : index
        %get3A_1410 = tpu.vector_load %arg8[%get3A_1408, %get3A_1409] {strides = array<i32>} : memref<64x128xf32, #tpu.memory_space<vmem>>, vector<1x16xf32>,
        %get3A_1411 = vector.shape_cast %get3A_1410 : vector<1x16xf32> to vector<16xf32>
        %add3A_1412 = arith.addf %scan3A_1363, %get3A_1411 : vector<16xf32>
        %add3A_1413 = arith.constant 32 : i32
        %add3A_1414 = arith.addi %add3A_1413, %scan3A_1356 : i32
        %get3A_1415 = arith.index_cast %add3A_1414 : i32 to index
        %get3A_1416 = arith.constant 112 : index
        %get3A_1417 = tpu.vector_load %arg8[%get3A_1415, %get3A_1416] {strides = array<i32>} : memref<64x128xf32, #tpu.memory_space<vmem>>, vector<1x16xf32>,
        %get3A_1418 = vector.shape_cast %get3A_1417 : vector<1x16xf32> to vector<16xf32>
        %add3A_1419 = arith.addf %scan3A_1364, %get3A_1418 : vector<16xf32>
        scf.yield %add3A_1370, %add3A_1377, %add3A_1384, %add3A_1391, %add3A_1398, %add3A_1405, %add3A_1412, %add3A_1419 : vector<16xf32>, vector<16xf32>, vector<16xf32>, vector<16xf32>, vector<16xf32>, vector<16xf32>, vector<16xf32>, vector<16xf32>
      }
      %scan3A_322 = arith.constant 32 : i32
      %swap3A_323 = arith.constant 3 : i32
      %swap3A_324 = arith.index_cast %swap3A_323 : i32 to index
      %swap3A_325 = arith.constant 0 : index
      %swap3A_326 = tpu.vector_load %arg11[%swap3A_324, %swap3A_325] {strides = array<i32>} : memref<8x128xf32, #tpu.memory_space<vmem>>, vector<1x16xf32>,
      %swap3A_327 = vector.shape_cast %swap3A_326 : vector<1x16xf32> to vector<16xf32>
      %swap3A_328 = vector.shape_cast %scan3A_321#0 : vector<16xf32> to vector<1x16xf32>
      tpu.vector_store %arg11[%swap3A_324, %swap3A_325], %swap3A_328 {strides = array<i32>} : memref<8x128xf32, #tpu.memory_space<vmem>>, vector<1x16xf32>,
      %swap3A_329 = arith.constant 3 : i32
      %swap3A_330 = arith.index_cast %swap3A_329 : i32 to index
      %swap3A_331 = arith.constant 16 : index
      %swap3A_332 = tpu.vector_load %arg11[%swap3A_330, %swap3A_331] {strides = array<i32>} : memref<8x128xf32, #tpu.memory_space<vmem>>, vector<1x16xf32>,
      %swap3A_333 = vector.shape_cast %swap3A_332 : vector<1x16xf32> to vector<16xf32>
      %swap3A_334 = vector.shape_cast %scan3A_321#1 : vector<16xf32> to vector<1x16xf32>
      tpu.vector_store %arg11[%swap3A_330, %swap3A_331], %swap3A_334 {strides = array<i32>} : memref<8x128xf32, #tpu.memory_space<vmem>>, vector<1x16xf32>,
      %swap3A_335 = arith.constant 3 : i32
      %swap3A_336 = arith.index_cast %swap3A_335 : i32 to index
      %swap3A_337 = arith.constant 32 : index
      %swap3A_338 = tpu.vector_load %arg11[%swap3A_336, %swap3A_337] {strides = array<i32>} : memref<8x128xf32, #tpu.memory_space<vmem>>, vector<1x16xf32>,
      %swap3A_339 = vector.shape_cast %swap3A_338 : vector<1x16xf32> to vector<16xf32>
      %swap3A_340 = vector.shape_cast %scan3A_321#2 : vector<16xf32> to vector<1x16xf32>
      tpu.vector_store %arg11[%swap3A_336, %swap3A_337], %swap3A_340 {strides = array<i32>} : memref<8x128xf32, #tpu.memory_space<vmem>>, vector<1x16xf32>,
      %swap3A_341 = arith.constant 3 : i32
      %swap3A_342 = arith.index_cast %swap3A_341 : i32 to index
      %swap3A_343 = arith.constant 48 : index
      %swap3A_344 = tpu.vector_load %arg11[%swap3A_342, %swap3A_343] {strides = array<i32>} : memref<8x128xf32, #tpu.memory_space<vmem>>, vector<1x16xf32>,
      %swap3A_345 = vector.shape_cast %swap3A_344 : vector<1x16xf32> to vector<16xf32>
      %swap3A_346 = vector.shape_cast %scan3A_321#3 : vector<16xf32> to vector<1x16xf32>
      tpu.vector_store %arg11[%swap3A_342, %swap3A_343], %swap3A_346 {strides = array<i32>} : memref<8x128xf32, #tpu.memory_space<vmem>>, vector<1x16xf32>,
      %swap3A_347 = arith.constant 3 : i32
      %swap3A_348 = arith.index_cast %swap3A_347 : i32 to index
      %swap3A_349 = arith.constant 64 : index
      %swap3A_350 = tpu.vector_load %arg11[%swap3A_348, %swap3A_349] {strides = array<i32>} : memref<8x128xf32, #tpu.memory_space<vmem>>, vector<1x16xf32>,
      %swap3A_351 = vector.shape_cast %swap3A_350 : vector<1x16xf32> to vector<16xf32>
      %swap3A_352 = vector.shape_cast %scan3A_321#4 : vector<16xf32> to vector<1x16xf32>
      tpu.vector_store %arg11[%swap3A_348, %swap3A_349], %swap3A_352 {strides = array<i32>} : memref<8x128xf32, #tpu.memory_space<vmem>>, vector<1x16xf32>,
      %swap3A_353 = arith.constant 3 : i32
      %swap3A_354 = arith.index_cast %swap3A_353 : i32 to index
      %swap3A_355 = arith.constant 80 : index
      %swap3A_356 = tpu.vector_load %arg11[%swap3A_354, %swap3A_355] {strides = array<i32>} : memref<8x128xf32, #tpu.memory_space<vmem>>, vector<1x16xf32>,
      %swap3A_357 = vector.shape_cast %swap3A_356 : vector<1x16xf32> to vector<16xf32>
      %swap3A_358 = vector.shape_cast %scan3A_321#5 : vector<16xf32> to vector<1x16xf32>
      tpu.vector_store %arg11[%swap3A_354, %swap3A_355], %swap3A_358 {strides = array<i32>} : memref<8x128xf32, #tpu.memory_space<vmem>>, vector<1x16xf32>,
      %swap3A_359 = arith.constant 3 : i32
      %swap3A_360 = arith.index_cast %swap3A_359 : i32 to index
      %swap3A_361 = arith.constant 96 : index
      %swap3A_362 = tpu.vector_load %arg11[%swap3A_360, %swap3A_361] {strides = array<i32>} : memref<8x128xf32, #tpu.memory_space<vmem>>, vector<1x16xf32>,
      %swap3A_363 = vector.shape_cast %swap3A_362 : vector<1x16xf32> to vector<16xf32>
      %swap3A_364 = vector.shape_cast %scan3A_321#6 : vector<16xf32> to vector<1x16xf32>
      tpu.vector_store %arg11[%swap3A_360, %swap3A_361], %swap3A_364 {strides = array<i32>} : memref<8x128xf32, #tpu.memory_space<vmem>>, vector<1x16xf32>,
      %swap3A_365 = arith.constant 3 : i32
      %swap3A_366 = arith.index_cast %swap3A_365 : i32 to index
      %swap3A_367 = arith.constant 112 : index
      %swap3A_368 = tpu.vector_load %arg11[%swap3A_366, %swap3A_367] {strides = array<i32>} : memref<8x128xf32, #tpu.memory_space<vmem>>, vector<1x16xf32>,
      %swap3A_369 = vector.shape_cast %swap3A_368 : vector<1x16xf32> to vector<16xf32>
      %swap3A_370 = vector.shape_cast %scan3A_321#7 : vector<16xf32> to vector<1x16xf32>
      tpu.vector_store %arg11[%swap3A_366, %swap3A_367], %swap3A_370 {strides = array<i32>} : memref<8x128xf32, #tpu.memory_space<vmem>>, vector<1x16xf32>,
      %add3A_371 = arith.constant 4 : i32
      %add3A_372 = arith.addi %add3A_224, %add3A_371 : i32
      %lt3A_373 = arith.constant 160 : i32
      %lt3A_374 = arith.cmpi slt, %add3A_372, %lt3A_373 : i32
      %convert_element_type3A_375 = arith.extui %lt3A_374 : i1 to i32
      %cond3A_376 = arith.constant 0 : i32
      %cond3A_377 = arith.cmpi ne, %convert_element_type3A_375, %cond3A_376 : i32
      scf.if %cond3A_377 {
        %add3A_1356 = arith.constant 4 : i32
        %add3A_1357 = arith.addi %add3A_224, %add3A_1356 : i32
        %mul3A_1358 = arith.constant 64 : i32
        %mul3A_1359 = arith.muli %add3A_1357, %mul3A_1358 : i32
        %dma_start3A_1360 = tpu.memref_slice %arg6[%mul3A_1359] : memref<10240xi32, #tpu.memory_space<vmem>> -> memref<64xi32, #tpu.memory_space<vmem>>
        %dma_start3A_1361 = arith.constant 0 : i32
        %dma_start3A_1362 = arith.constant 0 : i32
        %dma_start3A_1363 = tpu.memref_slice %arg5[%dma_start3A_1361, %dma_start3A_1362] : memref<10000x128xf32, #tpu.memory_space<vmem_shared>> -> memref<10000x128xf32, #tpu.memory_space<vmem_shared>>
        tpu.enqueue_indirect_dma source(%dma_start3A_1363 : memref<10000x128xf32, #tpu.memory_space<vmem_shared>>) target(%arg8 : memref<64x128xf32, #tpu.memory_space<vmem>>) offsets(%dma_start3A_1360 : memref<64xi32, #tpu.memory_space<vmem>>) semaphore(%arg14 : memref<!tpu.dma_semaphore, #tpu.memory_space<semaphore_mem>>)
      } else {
      }
      %mul3A_378 = arith.constant 8 : i32
      %mul3A_379 = arith.muli %scan3A_52, %mul3A_378 : i32
      %add3A_380 = arith.constant 0 : i32
      %add3A_381 = arith.addi %mul3A_379, %add3A_380 : i32
      %add3A_382 = arith.constant 2 : i32
      %add3A_383 = arith.addi %add3A_381, %add3A_382 : i32
      %mul3A_384 = arith.constant 64 : i32
      %mul3A_385 = arith.muli %add3A_383, %mul3A_384 : i32
      %dma_wait3A_386 = tpu.memref_slice %arg6[%mul3A_385] : memref<10240xi32, #tpu.memory_space<vmem>> -> memref<64xi32, #tpu.memory_space<vmem>>
      %dma_wait3A_387 = arith.constant 0 : i32
      %dma_wait3A_388 = arith.constant 0 : i32
      %dma_wait3A_389 = tpu.memref_slice %arg5[%dma_wait3A_387, %dma_wait3A_388] : memref<10000x128xf32, #tpu.memory_space<vmem_shared>> -> memref<10000x128xf32, #tpu.memory_space<vmem_shared>>
      tpu.wait_indirect_dma semaphore(%arg15 : memref<!tpu.dma_semaphore, #tpu.memory_space<semaphore_mem>>) src(%dma_wait3A_389 : memref<10000x128xf32, #tpu.memory_space<vmem_shared>>) dst(%arg9 : memref<64x128xf32, #tpu.memory_space<vmem>>)
      %broadcast_in_dim3A_390 = arith.constant 0.000000e+00 : f32
      %broadcast_in_dim3A_391 = vector.broadcast %broadcast_in_dim3A_390 : f32 to vector<16xf32>
      %broadcast_in_dim3A_392 = arith.constant 0.000000e+00 : f32
      %broadcast_in_dim3A_393 = vector.broadcast %broadcast_in_dim3A_392 : f32 to vector<16xf32>
      %broadcast_in_dim3A_394 = arith.constant 0.000000e+00 : f32
      %broadcast_in_dim3A_395 = vector.broadcast %broadcast_in_dim3A_394 : f32 to vector<16xf32>
      %broadcast_in_dim3A_396 = arith.constant 0.000000e+00 : f32
      %broadcast_in_dim3A_397 = vector.broadcast %broadcast_in_dim3A_396 : f32 to vector<16xf32>
      %broadcast_in_dim3A_398 = arith.constant 0.000000e+00 : f32
      %broadcast_in_dim3A_399 = vector.broadcast %broadcast_in_dim3A_398 : f32 to vector<16xf32>
      %broadcast_in_dim3A_400 = arith.constant 0.000000e+00 : f32
      %broadcast_in_dim3A_401 = vector.broadcast %broadcast_in_dim3A_400 : f32 to vector<16xf32>
      %broadcast_in_dim3A_402 = arith.constant 0.000000e+00 : f32
      %broadcast_in_dim3A_403 = vector.broadcast %broadcast_in_dim3A_402 : f32 to vector<16xf32>
      %broadcast_in_dim3A_404 = arith.constant 0.000000e+00 : f32
      %broadcast_in_dim3A_405 = vector.broadcast %broadcast_in_dim3A_404 : f32 to vector<16xf32>
      %scan3A_406 = arith.constant 0 : i32
      %scan3A_407 = arith.constant 32 : i32
      %scan3A_408 = arith.addi %scan3A_406, %scan3A_407 : i32
      %scan3A_409 = arith.constant 1 : i32
      %scan3A_410:8 = scf.for %scan3A_1356 = %scan3A_406 to %scan3A_408 step %scan3A_409 iter_args(%scan3A_1357 = %broadcast_in_dim3A_391, %scan3A_1358 = %broadcast_in_dim3A_393, %scan3A_1359 = %broadcast_in_dim3A_395, %scan3A_1360 = %broadcast_in_dim3A_397, %scan3A_1361 = %broadcast_in_dim3A_399, %scan3A_1362 = %broadcast_in_dim3A_401, %scan3A_1363 = %broadcast_in_dim3A_403, %scan3A_1364 = %broadcast_in_dim3A_405) -> (vector<16xf32>, vector<16xf32>, vector<16xf32>, vector<16xf32>, vector<16xf32>, vector<16xf32>, vector<16xf32>, vector<16xf32>)  : i32 {
        %add3A_1365 = arith.constant 0 : i32
        %add3A_1366 = arith.addi %add3A_1365, %scan3A_1356 : i32
        %get3A = arith.index_cast %add3A_1366 : i32 to index
        %get3A_1367 = arith.constant 0 : index
        %get3A_1368 = tpu.vector_load %arg9[%get3A, %get3A_1367] {strides = array<i32>} : memref<64x128xf32, #tpu.memory_space<vmem>>, vector<1x16xf32>,
        %get3A_1369 = vector.shape_cast %get3A_1368 : vector<1x16xf32> to vector<16xf32>
        %add3A_1370 = arith.addf %scan3A_1357, %get3A_1369 : vector<16xf32>
        %add3A_1371 = arith.constant 0 : i32
        %add3A_1372 = arith.addi %add3A_1371, %scan3A_1356 : i32
        %get3A_1373 = arith.index_cast %add3A_1372 : i32 to index
        %get3A_1374 = arith.constant 16 : index
        %get3A_1375 = tpu.vector_load %arg9[%get3A_1373, %get3A_1374] {strides = array<i32>} : memref<64x128xf32, #tpu.memory_space<vmem>>, vector<1x16xf32>,
        %get3A_1376 = vector.shape_cast %get3A_1375 : vector<1x16xf32> to vector<16xf32>
        %add3A_1377 = arith.addf %scan3A_1358, %get3A_1376 : vector<16xf32>
        %add3A_1378 = arith.constant 0 : i32
        %add3A_1379 = arith.addi %add3A_1378, %scan3A_1356 : i32
        %get3A_1380 = arith.index_cast %add3A_1379 : i32 to index
        %get3A_1381 = arith.constant 32 : index
        %get3A_1382 = tpu.vector_load %arg9[%get3A_1380, %get3A_1381] {strides = array<i32>} : memref<64x128xf32, #tpu.memory_space<vmem>>, vector<1x16xf32>,
        %get3A_1383 = vector.shape_cast %get3A_1382 : vector<1x16xf32> to vector<16xf32>
        %add3A_1384 = arith.addf %scan3A_1359, %get3A_1383 : vector<16xf32>
        %add3A_1385 = arith.constant 0 : i32
        %add3A_1386 = arith.addi %add3A_1385, %scan3A_1356 : i32
        %get3A_1387 = arith.index_cast %add3A_1386 : i32 to index
        %get3A_1388 = arith.constant 48 : index
        %get3A_1389 = tpu.vector_load %arg9[%get3A_1387, %get3A_1388] {strides = array<i32>} : memref<64x128xf32, #tpu.memory_space<vmem>>, vector<1x16xf32>,
        %get3A_1390 = vector.shape_cast %get3A_1389 : vector<1x16xf32> to vector<16xf32>
        %add3A_1391 = arith.addf %scan3A_1360, %get3A_1390 : vector<16xf32>
        %add3A_1392 = arith.constant 0 : i32
        %add3A_1393 = arith.addi %add3A_1392, %scan3A_1356 : i32
        %get3A_1394 = arith.index_cast %add3A_1393 : i32 to index
        %get3A_1395 = arith.constant 64 : index
        %get3A_1396 = tpu.vector_load %arg9[%get3A_1394, %get3A_1395] {strides = array<i32>} : memref<64x128xf32, #tpu.memory_space<vmem>>, vector<1x16xf32>,
        %get3A_1397 = vector.shape_cast %get3A_1396 : vector<1x16xf32> to vector<16xf32>
        %add3A_1398 = arith.addf %scan3A_1361, %get3A_1397 : vector<16xf32>
        %add3A_1399 = arith.constant 0 : i32
        %add3A_1400 = arith.addi %add3A_1399, %scan3A_1356 : i32
        %get3A_1401 = arith.index_cast %add3A_1400 : i32 to index
        %get3A_1402 = arith.constant 80 : index
        %get3A_1403 = tpu.vector_load %arg9[%get3A_1401, %get3A_1402] {strides = array<i32>} : memref<64x128xf32, #tpu.memory_space<vmem>>, vector<1x16xf32>,
        %get3A_1404 = vector.shape_cast %get3A_1403 : vector<1x16xf32> to vector<16xf32>
        %add3A_1405 = arith.addf %scan3A_1362, %get3A_1404 : vector<16xf32>
        %add3A_1406 = arith.constant 0 : i32
        %add3A_1407 = arith.addi %add3A_1406, %scan3A_1356 : i32
        %get3A_1408 = arith.index_cast %add3A_1407 : i32 to index
        %get3A_1409 = arith.constant 96 : index
        %get3A_1410 = tpu.vector_load %arg9[%get3A_1408, %get3A_1409] {strides = array<i32>} : memref<64x128xf32, #tpu.memory_space<vmem>>, vector<1x16xf32>,
        %get3A_1411 = vector.shape_cast %get3A_1410 : vector<1x16xf32> to vector<16xf32>
        %add3A_1412 = arith.addf %scan3A_1363, %get3A_1411 : vector<16xf32>
        %add3A_1413 = arith.constant 0 : i32
        %add3A_1414 = arith.addi %add3A_1413, %scan3A_1356 : i32
        %get3A_1415 = arith.index_cast %add3A_1414 : i32 to index
        %get3A_1416 = arith.constant 112 : index
        %get3A_1417 = tpu.vector_load %arg9[%get3A_1415, %get3A_1416] {strides = array<i32>} : memref<64x128xf32, #tpu.memory_space<vmem>>, vector<1x16xf32>,
        %get3A_1418 = vector.shape_cast %get3A_1417 : vector<1x16xf32> to vector<16xf32>
        %add3A_1419 = arith.addf %scan3A_1364, %get3A_1418 : vector<16xf32>
        scf.yield %add3A_1370, %add3A_1377, %add3A_1384, %add3A_1391, %add3A_1398, %add3A_1405, %add3A_1412, %add3A_1419 : vector<16xf32>, vector<16xf32>, vector<16xf32>, vector<16xf32>, vector<16xf32>, vector<16xf32>, vector<16xf32>, vector<16xf32>
      }
      %scan3A_411 = arith.constant 32 : i32
      %swap3A_412 = arith.constant 4 : i32
      %swap3A_413 = arith.index_cast %swap3A_412 : i32 to index
      %swap3A_414 = arith.constant 0 : index
      %swap3A_415 = tpu.vector_load %arg11[%swap3A_413, %swap3A_414] {strides = array<i32>} : memref<8x128xf32, #tpu.memory_space<vmem>>, vector<1x16xf32>,
      %swap3A_416 = vector.shape_cast %swap3A_415 : vector<1x16xf32> to vector<16xf32>
      %swap3A_417 = vector.shape_cast %scan3A_410#0 : vector<16xf32> to vector<1x16xf32>
      tpu.vector_store %arg11[%swap3A_413, %swap3A_414], %swap3A_417 {strides = array<i32>} : memref<8x128xf32, #tpu.memory_space<vmem>>, vector<1x16xf32>,
      %swap3A_418 = arith.constant 4 : i32
      %swap3A_419 = arith.index_cast %swap3A_418 : i32 to index
      %swap3A_420 = arith.constant 16 : index
      %swap3A_421 = tpu.vector_load %arg11[%swap3A_419, %swap3A_420] {strides = array<i32>} : memref<8x128xf32, #tpu.memory_space<vmem>>, vector<1x16xf32>,
      %swap3A_422 = vector.shape_cast %swap3A_421 : vector<1x16xf32> to vector<16xf32>
      %swap3A_423 = vector.shape_cast %scan3A_410#1 : vector<16xf32> to vector<1x16xf32>
      tpu.vector_store %arg11[%swap3A_419, %swap3A_420], %swap3A_423 {strides = array<i32>} : memref<8x128xf32, #tpu.memory_space<vmem>>, vector<1x16xf32>,
      %swap3A_424 = arith.constant 4 : i32
      %swap3A_425 = arith.index_cast %swap3A_424 : i32 to index
      %swap3A_426 = arith.constant 32 : index
      %swap3A_427 = tpu.vector_load %arg11[%swap3A_425, %swap3A_426] {strides = array<i32>} : memref<8x128xf32, #tpu.memory_space<vmem>>, vector<1x16xf32>,
      %swap3A_428 = vector.shape_cast %swap3A_427 : vector<1x16xf32> to vector<16xf32>
      %swap3A_429 = vector.shape_cast %scan3A_410#2 : vector<16xf32> to vector<1x16xf32>
      tpu.vector_store %arg11[%swap3A_425, %swap3A_426], %swap3A_429 {strides = array<i32>} : memref<8x128xf32, #tpu.memory_space<vmem>>, vector<1x16xf32>,
      %swap3A_430 = arith.constant 4 : i32
      %swap3A_431 = arith.index_cast %swap3A_430 : i32 to index
      %swap3A_432 = arith.constant 48 : index
      %swap3A_433 = tpu.vector_load %arg11[%swap3A_431, %swap3A_432] {strides = array<i32>} : memref<8x128xf32, #tpu.memory_space<vmem>>, vector<1x16xf32>,
      %swap3A_434 = vector.shape_cast %swap3A_433 : vector<1x16xf32> to vector<16xf32>
      %swap3A_435 = vector.shape_cast %scan3A_410#3 : vector<16xf32> to vector<1x16xf32>
      tpu.vector_store %arg11[%swap3A_431, %swap3A_432], %swap3A_435 {strides = array<i32>} : memref<8x128xf32, #tpu.memory_space<vmem>>, vector<1x16xf32>,
      %swap3A_436 = arith.constant 4 : i32
      %swap3A_437 = arith.index_cast %swap3A_436 : i32 to index
      %swap3A_438 = arith.constant 64 : index
      %swap3A_439 = tpu.vector_load %arg11[%swap3A_437, %swap3A_438] {strides = array<i32>} : memref<8x128xf32, #tpu.memory_space<vmem>>, vector<1x16xf32>,
      %swap3A_440 = vector.shape_cast %swap3A_439 : vector<1x16xf32> to vector<16xf32>
      %swap3A_441 = vector.shape_cast %scan3A_410#4 : vector<16xf32> to vector<1x16xf32>
      tpu.vector_store %arg11[%swap3A_437, %swap3A_438], %swap3A_441 {strides = array<i32>} : memref<8x128xf32, #tpu.memory_space<vmem>>, vector<1x16xf32>,
      %swap3A_442 = arith.constant 4 : i32
      %swap3A_443 = arith.index_cast %swap3A_442 : i32 to index
      %swap3A_444 = arith.constant 80 : index
      %swap3A_445 = tpu.vector_load %arg11[%swap3A_443, %swap3A_444] {strides = array<i32>} : memref<8x128xf32, #tpu.memory_space<vmem>>, vector<1x16xf32>,
      %swap3A_446 = vector.shape_cast %swap3A_445 : vector<1x16xf32> to vector<16xf32>
      %swap3A_447 = vector.shape_cast %scan3A_410#5 : vector<16xf32> to vector<1x16xf32>
      tpu.vector_store %arg11[%swap3A_443, %swap3A_444], %swap3A_447 {strides = array<i32>} : memref<8x128xf32, #tpu.memory_space<vmem>>, vector<1x16xf32>,
      %swap3A_448 = arith.constant 4 : i32
      %swap3A_449 = arith.index_cast %swap3A_448 : i32 to index
      %swap3A_450 = arith.constant 96 : index
      %swap3A_451 = tpu.vector_load %arg11[%swap3A_449, %swap3A_450] {strides = array<i32>} : memref<8x128xf32, #tpu.memory_space<vmem>>, vector<1x16xf32>,
      %swap3A_452 = vector.shape_cast %swap3A_451 : vector<1x16xf32> to vector<16xf32>
      %swap3A_453 = vector.shape_cast %scan3A_410#6 : vector<16xf32> to vector<1x16xf32>
      tpu.vector_store %arg11[%swap3A_449, %swap3A_450], %swap3A_453 {strides = array<i32>} : memref<8x128xf32, #tpu.memory_space<vmem>>, vector<1x16xf32>,
      %swap3A_454 = arith.constant 4 : i32
      %swap3A_455 = arith.index_cast %swap3A_454 : i32 to index
      %swap3A_456 = arith.constant 112 : index
      %swap3A_457 = tpu.vector_load %arg11[%swap3A_455, %swap3A_456] {strides = array<i32>} : memref<8x128xf32, #tpu.memory_space<vmem>>, vector<1x16xf32>,
      %swap3A_458 = vector.shape_cast %swap3A_457 : vector<1x16xf32> to vector<16xf32>
      %swap3A_459 = vector.shape_cast %scan3A_410#7 : vector<16xf32> to vector<1x16xf32>
      tpu.vector_store %arg11[%swap3A_455, %swap3A_456], %swap3A_459 {strides = array<i32>} : memref<8x128xf32, #tpu.memory_space<vmem>>, vector<1x16xf32>,
      %broadcast_in_dim3A_460 = arith.constant 0.000000e+00 : f32
      %broadcast_in_dim3A_461 = vector.broadcast %broadcast_in_dim3A_460 : f32 to vector<16xf32>
      %broadcast_in_dim3A_462 = arith.constant 0.000000e+00 : f32
      %broadcast_in_dim3A_463 = vector.broadcast %broadcast_in_dim3A_462 : f32 to vector<16xf32>
      %broadcast_in_dim3A_464 = arith.constant 0.000000e+00 : f32
      %broadcast_in_dim3A_465 = vector.broadcast %broadcast_in_dim3A_464 : f32 to vector<16xf32>
      %broadcast_in_dim3A_466 = arith.constant 0.000000e+00 : f32
      %broadcast_in_dim3A_467 = vector.broadcast %broadcast_in_dim3A_466 : f32 to vector<16xf32>
      %broadcast_in_dim3A_468 = arith.constant 0.000000e+00 : f32
      %broadcast_in_dim3A_469 = vector.broadcast %broadcast_in_dim3A_468 : f32 to vector<16xf32>
      %broadcast_in_dim3A_470 = arith.constant 0.000000e+00 : f32
      %broadcast_in_dim3A_471 = vector.broadcast %broadcast_in_dim3A_470 : f32 to vector<16xf32>
      %broadcast_in_dim3A_472 = arith.constant 0.000000e+00 : f32
      %broadcast_in_dim3A_473 = vector.broadcast %broadcast_in_dim3A_472 : f32 to vector<16xf32>
      %broadcast_in_dim3A_474 = arith.constant 0.000000e+00 : f32
      %broadcast_in_dim3A_475 = vector.broadcast %broadcast_in_dim3A_474 : f32 to vector<16xf32>
      %scan3A_476 = arith.constant 0 : i32
      %scan3A_477 = arith.constant 32 : i32
      %scan3A_478 = arith.addi %scan3A_476, %scan3A_477 : i32
      %scan3A_479 = arith.constant 1 : i32
      %scan3A_480:8 = scf.for %scan3A_1356 = %scan3A_476 to %scan3A_478 step %scan3A_479 iter_args(%scan3A_1357 = %broadcast_in_dim3A_461, %scan3A_1358 = %broadcast_in_dim3A_463, %scan3A_1359 = %broadcast_in_dim3A_465, %scan3A_1360 = %broadcast_in_dim3A_467, %scan3A_1361 = %broadcast_in_dim3A_469, %scan3A_1362 = %broadcast_in_dim3A_471, %scan3A_1363 = %broadcast_in_dim3A_473, %scan3A_1364 = %broadcast_in_dim3A_475) -> (vector<16xf32>, vector<16xf32>, vector<16xf32>, vector<16xf32>, vector<16xf32>, vector<16xf32>, vector<16xf32>, vector<16xf32>)  : i32 {
        %add3A_1365 = arith.constant 32 : i32
        %add3A_1366 = arith.addi %add3A_1365, %scan3A_1356 : i32
        %get3A = arith.index_cast %add3A_1366 : i32 to index
        %get3A_1367 = arith.constant 0 : index
        %get3A_1368 = tpu.vector_load %arg9[%get3A, %get3A_1367] {strides = array<i32>} : memref<64x128xf32, #tpu.memory_space<vmem>>, vector<1x16xf32>,
        %get3A_1369 = vector.shape_cast %get3A_1368 : vector<1x16xf32> to vector<16xf32>
        %add3A_1370 = arith.addf %scan3A_1357, %get3A_1369 : vector<16xf32>
        %add3A_1371 = arith.constant 32 : i32
        %add3A_1372 = arith.addi %add3A_1371, %scan3A_1356 : i32
        %get3A_1373 = arith.index_cast %add3A_1372 : i32 to index
        %get3A_1374 = arith.constant 16 : index
        %get3A_1375 = tpu.vector_load %arg9[%get3A_1373, %get3A_1374] {strides = array<i32>} : memref<64x128xf32, #tpu.memory_space<vmem>>, vector<1x16xf32>,
        %get3A_1376 = vector.shape_cast %get3A_1375 : vector<1x16xf32> to vector<16xf32>
        %add3A_1377 = arith.addf %scan3A_1358, %get3A_1376 : vector<16xf32>
        %add3A_1378 = arith.constant 32 : i32
        %add3A_1379 = arith.addi %add3A_1378, %scan3A_1356 : i32
        %get3A_1380 = arith.index_cast %add3A_1379 : i32 to index
        %get3A_1381 = arith.constant 32 : index
        %get3A_1382 = tpu.vector_load %arg9[%get3A_1380, %get3A_1381] {strides = array<i32>} : memref<64x128xf32, #tpu.memory_space<vmem>>, vector<1x16xf32>,
        %get3A_1383 = vector.shape_cast %get3A_1382 : vector<1x16xf32> to vector<16xf32>
        %add3A_1384 = arith.addf %scan3A_1359, %get3A_1383 : vector<16xf32>
        %add3A_1385 = arith.constant 32 : i32
        %add3A_1386 = arith.addi %add3A_1385, %scan3A_1356 : i32
        %get3A_1387 = arith.index_cast %add3A_1386 : i32 to index
        %get3A_1388 = arith.constant 48 : index
        %get3A_1389 = tpu.vector_load %arg9[%get3A_1387, %get3A_1388] {strides = array<i32>} : memref<64x128xf32, #tpu.memory_space<vmem>>, vector<1x16xf32>,
        %get3A_1390 = vector.shape_cast %get3A_1389 : vector<1x16xf32> to vector<16xf32>
        %add3A_1391 = arith.addf %scan3A_1360, %get3A_1390 : vector<16xf32>
        %add3A_1392 = arith.constant 32 : i32
        %add3A_1393 = arith.addi %add3A_1392, %scan3A_1356 : i32
        %get3A_1394 = arith.index_cast %add3A_1393 : i32 to index
        %get3A_1395 = arith.constant 64 : index
        %get3A_1396 = tpu.vector_load %arg9[%get3A_1394, %get3A_1395] {strides = array<i32>} : memref<64x128xf32, #tpu.memory_space<vmem>>, vector<1x16xf32>,
        %get3A_1397 = vector.shape_cast %get3A_1396 : vector<1x16xf32> to vector<16xf32>
        %add3A_1398 = arith.addf %scan3A_1361, %get3A_1397 : vector<16xf32>
        %add3A_1399 = arith.constant 32 : i32
        %add3A_1400 = arith.addi %add3A_1399, %scan3A_1356 : i32
        %get3A_1401 = arith.index_cast %add3A_1400 : i32 to index
        %get3A_1402 = arith.constant 80 : index
        %get3A_1403 = tpu.vector_load %arg9[%get3A_1401, %get3A_1402] {strides = array<i32>} : memref<64x128xf32, #tpu.memory_space<vmem>>, vector<1x16xf32>,
        %get3A_1404 = vector.shape_cast %get3A_1403 : vector<1x16xf32> to vector<16xf32>
        %add3A_1405 = arith.addf %scan3A_1362, %get3A_1404 : vector<16xf32>
        %add3A_1406 = arith.constant 32 : i32
        %add3A_1407 = arith.addi %add3A_1406, %scan3A_1356 : i32
        %get3A_1408 = arith.index_cast %add3A_1407 : i32 to index
        %get3A_1409 = arith.constant 96 : index
        %get3A_1410 = tpu.vector_load %arg9[%get3A_1408, %get3A_1409] {strides = array<i32>} : memref<64x128xf32, #tpu.memory_space<vmem>>, vector<1x16xf32>,
        %get3A_1411 = vector.shape_cast %get3A_1410 : vector<1x16xf32> to vector<16xf32>
        %add3A_1412 = arith.addf %scan3A_1363, %get3A_1411 : vector<16xf32>
        %add3A_1413 = arith.constant 32 : i32
        %add3A_1414 = arith.addi %add3A_1413, %scan3A_1356 : i32
        %get3A_1415 = arith.index_cast %add3A_1414 : i32 to index
        %get3A_1416 = arith.constant 112 : index
        %get3A_1417 = tpu.vector_load %arg9[%get3A_1415, %get3A_1416] {strides = array<i32>} : memref<64x128xf32, #tpu.memory_space<vmem>>, vector<1x16xf32>,
        %get3A_1418 = vector.shape_cast %get3A_1417 : vector<1x16xf32> to vector<16xf32>
        %add3A_1419 = arith.addf %scan3A_1364, %get3A_1418 : vector<16xf32>
        scf.yield %add3A_1370, %add3A_1377, %add3A_1384, %add3A_1391, %add3A_1398, %add3A_1405, %add3A_1412, %add3A_1419 : vector<16xf32>, vector<16xf32>, vector<16xf32>, vector<16xf32>, vector<16xf32>, vector<16xf32>, vector<16xf32>, vector<16xf32>
      }
      %scan3A_481 = arith.constant 32 : i32
      %swap3A_482 = arith.constant 5 : i32
      %swap3A_483 = arith.index_cast %swap3A_482 : i32 to index
      %swap3A_484 = arith.constant 0 : index
      %swap3A_485 = tpu.vector_load %arg11[%swap3A_483, %swap3A_484] {strides = array<i32>} : memref<8x128xf32, #tpu.memory_space<vmem>>, vector<1x16xf32>,
      %swap3A_486 = vector.shape_cast %swap3A_485 : vector<1x16xf32> to vector<16xf32>
      %swap3A_487 = vector.shape_cast %scan3A_480#0 : vector<16xf32> to vector<1x16xf32>
      tpu.vector_store %arg11[%swap3A_483, %swap3A_484], %swap3A_487 {strides = array<i32>} : memref<8x128xf32, #tpu.memory_space<vmem>>, vector<1x16xf32>,
      %swap3A_488 = arith.constant 5 : i32
      %swap3A_489 = arith.index_cast %swap3A_488 : i32 to index
      %swap3A_490 = arith.constant 16 : index
      %swap3A_491 = tpu.vector_load %arg11[%swap3A_489, %swap3A_490] {strides = array<i32>} : memref<8x128xf32, #tpu.memory_space<vmem>>, vector<1x16xf32>,
      %swap3A_492 = vector.shape_cast %swap3A_491 : vector<1x16xf32> to vector<16xf32>
      %swap3A_493 = vector.shape_cast %scan3A_480#1 : vector<16xf32> to vector<1x16xf32>
      tpu.vector_store %arg11[%swap3A_489, %swap3A_490], %swap3A_493 {strides = array<i32>} : memref<8x128xf32, #tpu.memory_space<vmem>>, vector<1x16xf32>,
      %swap3A_494 = arith.constant 5 : i32
      %swap3A_495 = arith.index_cast %swap3A_494 : i32 to index
      %swap3A_496 = arith.constant 32 : index
      %swap3A_497 = tpu.vector_load %arg11[%swap3A_495, %swap3A_496] {strides = array<i32>} : memref<8x128xf32, #tpu.memory_space<vmem>>, vector<1x16xf32>,
      %swap3A_498 = vector.shape_cast %swap3A_497 : vector<1x16xf32> to vector<16xf32>
      %swap3A_499 = vector.shape_cast %scan3A_480#2 : vector<16xf32> to vector<1x16xf32>
      tpu.vector_store %arg11[%swap3A_495, %swap3A_496], %swap3A_499 {strides = array<i32>} : memref<8x128xf32, #tpu.memory_space<vmem>>, vector<1x16xf32>,
      %swap3A_500 = arith.constant 5 : i32
      %swap3A_501 = arith.index_cast %swap3A_500 : i32 to index
      %swap3A_502 = arith.constant 48 : index
      %swap3A_503 = tpu.vector_load %arg11[%swap3A_501, %swap3A_502] {strides = array<i32>} : memref<8x128xf32, #tpu.memory_space<vmem>>, vector<1x16xf32>,
      %swap3A_504 = vector.shape_cast %swap3A_503 : vector<1x16xf32> to vector<16xf32>
      %swap3A_505 = vector.shape_cast %scan3A_480#3 : vector<16xf32> to vector<1x16xf32>
      tpu.vector_store %arg11[%swap3A_501, %swap3A_502], %swap3A_505 {strides = array<i32>} : memref<8x128xf32, #tpu.memory_space<vmem>>, vector<1x16xf32>,
      %swap3A_506 = arith.constant 5 : i32
      %swap3A_507 = arith.index_cast %swap3A_506 : i32 to index
      %swap3A_508 = arith.constant 64 : index
      %swap3A_509 = tpu.vector_load %arg11[%swap3A_507, %swap3A_508] {strides = array<i32>} : memref<8x128xf32, #tpu.memory_space<vmem>>, vector<1x16xf32>,
      %swap3A_510 = vector.shape_cast %swap3A_509 : vector<1x16xf32> to vector<16xf32>
      %swap3A_511 = vector.shape_cast %scan3A_480#4 : vector<16xf32> to vector<1x16xf32>
      tpu.vector_store %arg11[%swap3A_507, %swap3A_508], %swap3A_511 {strides = array<i32>} : memref<8x128xf32, #tpu.memory_space<vmem>>, vector<1x16xf32>,
      %swap3A_512 = arith.constant 5 : i32
      %swap3A_513 = arith.index_cast %swap3A_512 : i32 to index
      %swap3A_514 = arith.constant 80 : index
      %swap3A_515 = tpu.vector_load %arg11[%swap3A_513, %swap3A_514] {strides = array<i32>} : memref<8x128xf32, #tpu.memory_space<vmem>>, vector<1x16xf32>,
      %swap3A_516 = vector.shape_cast %swap3A_515 : vector<1x16xf32> to vector<16xf32>
      %swap3A_517 = vector.shape_cast %scan3A_480#5 : vector<16xf32> to vector<1x16xf32>
      tpu.vector_store %arg11[%swap3A_513, %swap3A_514], %swap3A_517 {strides = array<i32>} : memref<8x128xf32, #tpu.memory_space<vmem>>, vector<1x16xf32>,
      %swap3A_518 = arith.constant 5 : i32
      %swap3A_519 = arith.index_cast %swap3A_518 : i32 to index
      %swap3A_520 = arith.constant 96 : index
      %swap3A_521 = tpu.vector_load %arg11[%swap3A_519, %swap3A_520] {strides = array<i32>} : memref<8x128xf32, #tpu.memory_space<vmem>>, vector<1x16xf32>,
      %swap3A_522 = vector.shape_cast %swap3A_521 : vector<1x16xf32> to vector<16xf32>
      %swap3A_523 = vector.shape_cast %scan3A_480#6 : vector<16xf32> to vector<1x16xf32>
      tpu.vector_store %arg11[%swap3A_519, %swap3A_520], %swap3A_523 {strides = array<i32>} : memref<8x128xf32, #tpu.memory_space<vmem>>, vector<1x16xf32>,
      %swap3A_524 = arith.constant 5 : i32
      %swap3A_525 = arith.index_cast %swap3A_524 : i32 to index
      %swap3A_526 = arith.constant 112 : index
      %swap3A_527 = tpu.vector_load %arg11[%swap3A_525, %swap3A_526] {strides = array<i32>} : memref<8x128xf32, #tpu.memory_space<vmem>>, vector<1x16xf32>,
      %swap3A_528 = vector.shape_cast %swap3A_527 : vector<1x16xf32> to vector<16xf32>
      %swap3A_529 = vector.shape_cast %scan3A_480#7 : vector<16xf32> to vector<1x16xf32>
      tpu.vector_store %arg11[%swap3A_525, %swap3A_526], %swap3A_529 {strides = array<i32>} : memref<8x128xf32, #tpu.memory_space<vmem>>, vector<1x16xf32>,
      %add3A_530 = arith.constant 4 : i32
      %add3A_531 = arith.addi %add3A_383, %add3A_530 : i32
      %lt3A_532 = arith.constant 160 : i32
      %lt3A_533 = arith.cmpi slt, %add3A_531, %lt3A_532 : i32
      %convert_element_type3A_534 = arith.extui %lt3A_533 : i1 to i32
      %cond3A_535 = arith.constant 0 : i32
      %cond3A_536 = arith.cmpi ne, %convert_element_type3A_534, %cond3A_535 : i32
      scf.if %cond3A_536 {
        %add3A_1356 = arith.constant 4 : i32
        %add3A_1357 = arith.addi %add3A_383, %add3A_1356 : i32
        %mul3A_1358 = arith.constant 64 : i32
        %mul3A_1359 = arith.muli %add3A_1357, %mul3A_1358 : i32
        %dma_start3A_1360 = tpu.memref_slice %arg6[%mul3A_1359] : memref<10240xi32, #tpu.memory_space<vmem>> -> memref<64xi32, #tpu.memory_space<vmem>>
        %dma_start3A_1361 = arith.constant 0 : i32
        %dma_start3A_1362 = arith.constant 0 : i32
        %dma_start3A_1363 = tpu.memref_slice %arg5[%dma_start3A_1361, %dma_start3A_1362] : memref<10000x128xf32, #tpu.memory_space<vmem_shared>> -> memref<10000x128xf32, #tpu.memory_space<vmem_shared>>
        tpu.enqueue_indirect_dma source(%dma_start3A_1363 : memref<10000x128xf32, #tpu.memory_space<vmem_shared>>) target(%arg9 : memref<64x128xf32, #tpu.memory_space<vmem>>) offsets(%dma_start3A_1360 : memref<64xi32, #tpu.memory_space<vmem>>) semaphore(%arg15 : memref<!tpu.dma_semaphore, #tpu.memory_space<semaphore_mem>>)
      } else {
      }
      %mul3A_537 = arith.constant 8 : i32
      %mul3A_538 = arith.muli %scan3A_52, %mul3A_537 : i32
      %add3A_539 = arith.constant 0 : i32
      %add3A_540 = arith.addi %mul3A_538, %add3A_539 : i32
      %add3A_541 = arith.constant 3 : i32
      %add3A_542 = arith.addi %add3A_540, %add3A_541 : i32
      %mul3A_543 = arith.constant 64 : i32
      %mul3A_544 = arith.muli %add3A_542, %mul3A_543 : i32
      %dma_wait3A_545 = tpu.memref_slice %arg6[%mul3A_544] : memref<10240xi32, #tpu.memory_space<vmem>> -> memref<64xi32, #tpu.memory_space<vmem>>
      %dma_wait3A_546 = arith.constant 0 : i32
      %dma_wait3A_547 = arith.constant 0 : i32
      %dma_wait3A_548 = tpu.memref_slice %arg5[%dma_wait3A_546, %dma_wait3A_547] : memref<10000x128xf32, #tpu.memory_space<vmem_shared>> -> memref<10000x128xf32, #tpu.memory_space<vmem_shared>>
      tpu.wait_indirect_dma semaphore(%arg16 : memref<!tpu.dma_semaphore, #tpu.memory_space<semaphore_mem>>) src(%dma_wait3A_548 : memref<10000x128xf32, #tpu.memory_space<vmem_shared>>) dst(%arg10 : memref<64x128xf32, #tpu.memory_space<vmem>>)
      %broadcast_in_dim3A_549 = arith.constant 0.000000e+00 : f32
      %broadcast_in_dim3A_550 = vector.broadcast %broadcast_in_dim3A_549 : f32 to vector<16xf32>
      %broadcast_in_dim3A_551 = arith.constant 0.000000e+00 : f32
      %broadcast_in_dim3A_552 = vector.broadcast %broadcast_in_dim3A_551 : f32 to vector<16xf32>
      %broadcast_in_dim3A_553 = arith.constant 0.000000e+00 : f32
      %broadcast_in_dim3A_554 = vector.broadcast %broadcast_in_dim3A_553 : f32 to vector<16xf32>
      %broadcast_in_dim3A_555 = arith.constant 0.000000e+00 : f32
      %broadcast_in_dim3A_556 = vector.broadcast %broadcast_in_dim3A_555 : f32 to vector<16xf32>
      %broadcast_in_dim3A_557 = arith.constant 0.000000e+00 : f32
      %broadcast_in_dim3A_558 = vector.broadcast %broadcast_in_dim3A_557 : f32 to vector<16xf32>
      %broadcast_in_dim3A_559 = arith.constant 0.000000e+00 : f32
      %broadcast_in_dim3A_560 = vector.broadcast %broadcast_in_dim3A_559 : f32 to vector<16xf32>
      %broadcast_in_dim3A_561 = arith.constant 0.000000e+00 : f32
      %broadcast_in_dim3A_562 = vector.broadcast %broadcast_in_dim3A_561 : f32 to vector<16xf32>
      %broadcast_in_dim3A_563 = arith.constant 0.000000e+00 : f32
      %broadcast_in_dim3A_564 = vector.broadcast %broadcast_in_dim3A_563 : f32 to vector<16xf32>
      %scan3A_565 = arith.constant 0 : i32
      %scan3A_566 = arith.constant 32 : i32
      %scan3A_567 = arith.addi %scan3A_565, %scan3A_566 : i32
      %scan3A_568 = arith.constant 1 : i32
      %scan3A_569:8 = scf.for %scan3A_1356 = %scan3A_565 to %scan3A_567 step %scan3A_568 iter_args(%scan3A_1357 = %broadcast_in_dim3A_550, %scan3A_1358 = %broadcast_in_dim3A_552, %scan3A_1359 = %broadcast_in_dim3A_554, %scan3A_1360 = %broadcast_in_dim3A_556, %scan3A_1361 = %broadcast_in_dim3A_558, %scan3A_1362 = %broadcast_in_dim3A_560, %scan3A_1363 = %broadcast_in_dim3A_562, %scan3A_1364 = %broadcast_in_dim3A_564) -> (vector<16xf32>, vector<16xf32>, vector<16xf32>, vector<16xf32>, vector<16xf32>, vector<16xf32>, vector<16xf32>, vector<16xf32>)  : i32 {
        %add3A_1365 = arith.constant 0 : i32
        %add3A_1366 = arith.addi %add3A_1365, %scan3A_1356 : i32
        %get3A = arith.index_cast %add3A_1366 : i32 to index
        %get3A_1367 = arith.constant 0 : index
        %get3A_1368 = tpu.vector_load %arg10[%get3A, %get3A_1367] {strides = array<i32>} : memref<64x128xf32, #tpu.memory_space<vmem>>, vector<1x16xf32>,
        %get3A_1369 = vector.shape_cast %get3A_1368 : vector<1x16xf32> to vector<16xf32>
        %add3A_1370 = arith.addf %scan3A_1357, %get3A_1369 : vector<16xf32>
        %add3A_1371 = arith.constant 0 : i32
        %add3A_1372 = arith.addi %add3A_1371, %scan3A_1356 : i32
        %get3A_1373 = arith.index_cast %add3A_1372 : i32 to index
        %get3A_1374 = arith.constant 16 : index
        %get3A_1375 = tpu.vector_load %arg10[%get3A_1373, %get3A_1374] {strides = array<i32>} : memref<64x128xf32, #tpu.memory_space<vmem>>, vector<1x16xf32>,
        %get3A_1376 = vector.shape_cast %get3A_1375 : vector<1x16xf32> to vector<16xf32>
        %add3A_1377 = arith.addf %scan3A_1358, %get3A_1376 : vector<16xf32>
        %add3A_1378 = arith.constant 0 : i32
        %add3A_1379 = arith.addi %add3A_1378, %scan3A_1356 : i32
        %get3A_1380 = arith.index_cast %add3A_1379 : i32 to index
        %get3A_1381 = arith.constant 32 : index
        %get3A_1382 = tpu.vector_load %arg10[%get3A_1380, %get3A_1381] {strides = array<i32>} : memref<64x128xf32, #tpu.memory_space<vmem>>, vector<1x16xf32>,
        %get3A_1383 = vector.shape_cast %get3A_1382 : vector<1x16xf32> to vector<16xf32>
        %add3A_1384 = arith.addf %scan3A_1359, %get3A_1383 : vector<16xf32>
        %add3A_1385 = arith.constant 0 : i32
        %add3A_1386 = arith.addi %add3A_1385, %scan3A_1356 : i32
        %get3A_1387 = arith.index_cast %add3A_1386 : i32 to index
        %get3A_1388 = arith.constant 48 : index
        %get3A_1389 = tpu.vector_load %arg10[%get3A_1387, %get3A_1388] {strides = array<i32>} : memref<64x128xf32, #tpu.memory_space<vmem>>, vector<1x16xf32>,
        %get3A_1390 = vector.shape_cast %get3A_1389 : vector<1x16xf32> to vector<16xf32>
        %add3A_1391 = arith.addf %scan3A_1360, %get3A_1390 : vector<16xf32>
        %add3A_1392 = arith.constant 0 : i32
        %add3A_1393 = arith.addi %add3A_1392, %scan3A_1356 : i32
        %get3A_1394 = arith.index_cast %add3A_1393 : i32 to index
        %get3A_1395 = arith.constant 64 : index
        %get3A_1396 = tpu.vector_load %arg10[%get3A_1394, %get3A_1395] {strides = array<i32>} : memref<64x128xf32, #tpu.memory_space<vmem>>, vector<1x16xf32>,
        %get3A_1397 = vector.shape_cast %get3A_1396 : vector<1x16xf32> to vector<16xf32>
        %add3A_1398 = arith.addf %scan3A_1361, %get3A_1397 : vector<16xf32>
        %add3A_1399 = arith.constant 0 : i32
        %add3A_1400 = arith.addi %add3A_1399, %scan3A_1356 : i32
        %get3A_1401 = arith.index_cast %add3A_1400 : i32 to index
        %get3A_1402 = arith.constant 80 : index
        %get3A_1403 = tpu.vector_load %arg10[%get3A_1401, %get3A_1402] {strides = array<i32>} : memref<64x128xf32, #tpu.memory_space<vmem>>, vector<1x16xf32>,
        %get3A_1404 = vector.shape_cast %get3A_1403 : vector<1x16xf32> to vector<16xf32>
        %add3A_1405 = arith.addf %scan3A_1362, %get3A_1404 : vector<16xf32>
        %add3A_1406 = arith.constant 0 : i32
        %add3A_1407 = arith.addi %add3A_1406, %scan3A_1356 : i32
        %get3A_1408 = arith.index_cast %add3A_1407 : i32 to index
        %get3A_1409 = arith.constant 96 : index
        %get3A_1410 = tpu.vector_load %arg10[%get3A_1408, %get3A_1409] {strides = array<i32>} : memref<64x128xf32, #tpu.memory_space<vmem>>, vector<1x16xf32>,
        %get3A_1411 = vector.shape_cast %get3A_1410 : vector<1x16xf32> to vector<16xf32>
        %add3A_1412 = arith.addf %scan3A_1363, %get3A_1411 : vector<16xf32>
        %add3A_1413 = arith.constant 0 : i32
        %add3A_1414 = arith.addi %add3A_1413, %scan3A_1356 : i32
        %get3A_1415 = arith.index_cast %add3A_1414 : i32 to index
        %get3A_1416 = arith.constant 112 : index
        %get3A_1417 = tpu.vector_load %arg10[%get3A_1415, %get3A_1416] {strides = array<i32>} : memref<64x128xf32, #tpu.memory_space<vmem>>, vector<1x16xf32>,
        %get3A_1418 = vector.shape_cast %get3A_1417 : vector<1x16xf32> to vector<16xf32>
        %add3A_1419 = arith.addf %scan3A_1364, %get3A_1418 : vector<16xf32>
        scf.yield %add3A_1370, %add3A_1377, %add3A_1384, %add3A_1391, %add3A_1398, %add3A_1405, %add3A_1412, %add3A_1419 : vector<16xf32>, vector<16xf32>, vector<16xf32>, vector<16xf32>, vector<16xf32>, vector<16xf32>, vector<16xf32>, vector<16xf32>
      }
      %scan3A_570 = arith.constant 32 : i32
      %swap3A_571 = arith.constant 6 : i32
      %swap3A_572 = arith.index_cast %swap3A_571 : i32 to index
      %swap3A_573 = arith.constant 0 : index
      %swap3A_574 = tpu.vector_load %arg11[%swap3A_572, %swap3A_573] {strides = array<i32>} : memref<8x128xf32, #tpu.memory_space<vmem>>, vector<1x16xf32>,
      %swap3A_575 = vector.shape_cast %swap3A_574 : vector<1x16xf32> to vector<16xf32>
      %swap3A_576 = vector.shape_cast %scan3A_569#0 : vector<16xf32> to vector<1x16xf32>
      tpu.vector_store %arg11[%swap3A_572, %swap3A_573], %swap3A_576 {strides = array<i32>} : memref<8x128xf32, #tpu.memory_space<vmem>>, vector<1x16xf32>,
      %swap3A_577 = arith.constant 6 : i32
      %swap3A_578 = arith.index_cast %swap3A_577 : i32 to index
      %swap3A_579 = arith.constant 16 : index
      %swap3A_580 = tpu.vector_load %arg11[%swap3A_578, %swap3A_579] {strides = array<i32>} : memref<8x128xf32, #tpu.memory_space<vmem>>, vector<1x16xf32>,
      %swap3A_581 = vector.shape_cast %swap3A_580 : vector<1x16xf32> to vector<16xf32>
      %swap3A_582 = vector.shape_cast %scan3A_569#1 : vector<16xf32> to vector<1x16xf32>
      tpu.vector_store %arg11[%swap3A_578, %swap3A_579], %swap3A_582 {strides = array<i32>} : memref<8x128xf32, #tpu.memory_space<vmem>>, vector<1x16xf32>,
      %swap3A_583 = arith.constant 6 : i32
      %swap3A_584 = arith.index_cast %swap3A_583 : i32 to index
      %swap3A_585 = arith.constant 32 : index
      %swap3A_586 = tpu.vector_load %arg11[%swap3A_584, %swap3A_585] {strides = array<i32>} : memref<8x128xf32, #tpu.memory_space<vmem>>, vector<1x16xf32>,
      %swap3A_587 = vector.shape_cast %swap3A_586 : vector<1x16xf32> to vector<16xf32>
      %swap3A_588 = vector.shape_cast %scan3A_569#2 : vector<16xf32> to vector<1x16xf32>
      tpu.vector_store %arg11[%swap3A_584, %swap3A_585], %swap3A_588 {strides = array<i32>} : memref<8x128xf32, #tpu.memory_space<vmem>>, vector<1x16xf32>,
      %swap3A_589 = arith.constant 6 : i32
      %swap3A_590 = arith.index_cast %swap3A_589 : i32 to index
      %swap3A_591 = arith.constant 48 : index
      %swap3A_592 = tpu.vector_load %arg11[%swap3A_590, %swap3A_591] {strides = array<i32>} : memref<8x128xf32, #tpu.memory_space<vmem>>, vector<1x16xf32>,
      %swap3A_593 = vector.shape_cast %swap3A_592 : vector<1x16xf32> to vector<16xf32>
      %swap3A_594 = vector.shape_cast %scan3A_569#3 : vector<16xf32> to vector<1x16xf32>
      tpu.vector_store %arg11[%swap3A_590, %swap3A_591], %swap3A_594 {strides = array<i32>} : memref<8x128xf32, #tpu.memory_space<vmem>>, vector<1x16xf32>,
      %swap3A_595 = arith.constant 6 : i32
      %swap3A_596 = arith.index_cast %swap3A_595 : i32 to index
      %swap3A_597 = arith.constant 64 : index
      %swap3A_598 = tpu.vector_load %arg11[%swap3A_596, %swap3A_597] {strides = array<i32>} : memref<8x128xf32, #tpu.memory_space<vmem>>, vector<1x16xf32>,
      %swap3A_599 = vector.shape_cast %swap3A_598 : vector<1x16xf32> to vector<16xf32>
      %swap3A_600 = vector.shape_cast %scan3A_569#4 : vector<16xf32> to vector<1x16xf32>
      tpu.vector_store %arg11[%swap3A_596, %swap3A_597], %swap3A_600 {strides = array<i32>} : memref<8x128xf32, #tpu.memory_space<vmem>>, vector<1x16xf32>,
      %swap3A_601 = arith.constant 6 : i32
      %swap3A_602 = arith.index_cast %swap3A_601 : i32 to index
      %swap3A_603 = arith.constant 80 : index
      %swap3A_604 = tpu.vector_load %arg11[%swap3A_602, %swap3A_603] {strides = array<i32>} : memref<8x128xf32, #tpu.memory_space<vmem>>, vector<1x16xf32>,
      %swap3A_605 = vector.shape_cast %swap3A_604 : vector<1x16xf32> to vector<16xf32>
      %swap3A_606 = vector.shape_cast %scan3A_569#5 : vector<16xf32> to vector<1x16xf32>
      tpu.vector_store %arg11[%swap3A_602, %swap3A_603], %swap3A_606 {strides = array<i32>} : memref<8x128xf32, #tpu.memory_space<vmem>>, vector<1x16xf32>,
      %swap3A_607 = arith.constant 6 : i32
      %swap3A_608 = arith.index_cast %swap3A_607 : i32 to index
      %swap3A_609 = arith.constant 96 : index
      %swap3A_610 = tpu.vector_load %arg11[%swap3A_608, %swap3A_609] {strides = array<i32>} : memref<8x128xf32, #tpu.memory_space<vmem>>, vector<1x16xf32>,
      %swap3A_611 = vector.shape_cast %swap3A_610 : vector<1x16xf32> to vector<16xf32>
      %swap3A_612 = vector.shape_cast %scan3A_569#6 : vector<16xf32> to vector<1x16xf32>
      tpu.vector_store %arg11[%swap3A_608, %swap3A_609], %swap3A_612 {strides = array<i32>} : memref<8x128xf32, #tpu.memory_space<vmem>>, vector<1x16xf32>,
      %swap3A_613 = arith.constant 6 : i32
      %swap3A_614 = arith.index_cast %swap3A_613 : i32 to index
      %swap3A_615 = arith.constant 112 : index
      %swap3A_616 = tpu.vector_load %arg11[%swap3A_614, %swap3A_615] {strides = array<i32>} : memref<8x128xf32, #tpu.memory_space<vmem>>, vector<1x16xf32>,
      %swap3A_617 = vector.shape_cast %swap3A_616 : vector<1x16xf32> to vector<16xf32>
      %swap3A_618 = vector.shape_cast %scan3A_569#7 : vector<16xf32> to vector<1x16xf32>
      tpu.vector_store %arg11[%swap3A_614, %swap3A_615], %swap3A_618 {strides = array<i32>} : memref<8x128xf32, #tpu.memory_space<vmem>>, vector<1x16xf32>,
      %broadcast_in_dim3A_619 = arith.constant 0.000000e+00 : f32
      %broadcast_in_dim3A_620 = vector.broadcast %broadcast_in_dim3A_619 : f32 to vector<16xf32>
      %broadcast_in_dim3A_621 = arith.constant 0.000000e+00 : f32
      %broadcast_in_dim3A_622 = vector.broadcast %broadcast_in_dim3A_621 : f32 to vector<16xf32>
      %broadcast_in_dim3A_623 = arith.constant 0.000000e+00 : f32
      %broadcast_in_dim3A_624 = vector.broadcast %broadcast_in_dim3A_623 : f32 to vector<16xf32>
      %broadcast_in_dim3A_625 = arith.constant 0.000000e+00 : f32
      %broadcast_in_dim3A_626 = vector.broadcast %broadcast_in_dim3A_625 : f32 to vector<16xf32>
      %broadcast_in_dim3A_627 = arith.constant 0.000000e+00 : f32
      %broadcast_in_dim3A_628 = vector.broadcast %broadcast_in_dim3A_627 : f32 to vector<16xf32>
      %broadcast_in_dim3A_629 = arith.constant 0.000000e+00 : f32
      %broadcast_in_dim3A_630 = vector.broadcast %broadcast_in_dim3A_629 : f32 to vector<16xf32>
      %broadcast_in_dim3A_631 = arith.constant 0.000000e+00 : f32
      %broadcast_in_dim3A_632 = vector.broadcast %broadcast_in_dim3A_631 : f32 to vector<16xf32>
      %broadcast_in_dim3A_633 = arith.constant 0.000000e+00 : f32
      %broadcast_in_dim3A_634 = vector.broadcast %broadcast_in_dim3A_633 : f32 to vector<16xf32>
      %scan3A_635 = arith.constant 0 : i32
      %scan3A_636 = arith.constant 32 : i32
      %scan3A_637 = arith.addi %scan3A_635, %scan3A_636 : i32
      %scan3A_638 = arith.constant 1 : i32
      %scan3A_639:8 = scf.for %scan3A_1356 = %scan3A_635 to %scan3A_637 step %scan3A_638 iter_args(%scan3A_1357 = %broadcast_in_dim3A_620, %scan3A_1358 = %broadcast_in_dim3A_622, %scan3A_1359 = %broadcast_in_dim3A_624, %scan3A_1360 = %broadcast_in_dim3A_626, %scan3A_1361 = %broadcast_in_dim3A_628, %scan3A_1362 = %broadcast_in_dim3A_630, %scan3A_1363 = %broadcast_in_dim3A_632, %scan3A_1364 = %broadcast_in_dim3A_634) -> (vector<16xf32>, vector<16xf32>, vector<16xf32>, vector<16xf32>, vector<16xf32>, vector<16xf32>, vector<16xf32>, vector<16xf32>)  : i32 {
        %add3A_1365 = arith.constant 32 : i32
        %add3A_1366 = arith.addi %add3A_1365, %scan3A_1356 : i32
        %get3A = arith.index_cast %add3A_1366 : i32 to index
        %get3A_1367 = arith.constant 0 : index
        %get3A_1368 = tpu.vector_load %arg10[%get3A, %get3A_1367] {strides = array<i32>} : memref<64x128xf32, #tpu.memory_space<vmem>>, vector<1x16xf32>,
        %get3A_1369 = vector.shape_cast %get3A_1368 : vector<1x16xf32> to vector<16xf32>
        %add3A_1370 = arith.addf %scan3A_1357, %get3A_1369 : vector<16xf32>
        %add3A_1371 = arith.constant 32 : i32
        %add3A_1372 = arith.addi %add3A_1371, %scan3A_1356 : i32
        %get3A_1373 = arith.index_cast %add3A_1372 : i32 to index
        %get3A_1374 = arith.constant 16 : index
        %get3A_1375 = tpu.vector_load %arg10[%get3A_1373, %get3A_1374] {strides = array<i32>} : memref<64x128xf32, #tpu.memory_space<vmem>>, vector<1x16xf32>,
        %get3A_1376 = vector.shape_cast %get3A_1375 : vector<1x16xf32> to vector<16xf32>
        %add3A_1377 = arith.addf %scan3A_1358, %get3A_1376 : vector<16xf32>
        %add3A_1378 = arith.constant 32 : i32
        %add3A_1379 = arith.addi %add3A_1378, %scan3A_1356 : i32
        %get3A_1380 = arith.index_cast %add3A_1379 : i32 to index
        %get3A_1381 = arith.constant 32 : index
        %get3A_1382 = tpu.vector_load %arg10[%get3A_1380, %get3A_1381] {strides = array<i32>} : memref<64x128xf32, #tpu.memory_space<vmem>>, vector<1x16xf32>,
        %get3A_1383 = vector.shape_cast %get3A_1382 : vector<1x16xf32> to vector<16xf32>
        %add3A_1384 = arith.addf %scan3A_1359, %get3A_1383 : vector<16xf32>
        %add3A_1385 = arith.constant 32 : i32
        %add3A_1386 = arith.addi %add3A_1385, %scan3A_1356 : i32
        %get3A_1387 = arith.index_cast %add3A_1386 : i32 to index
        %get3A_1388 = arith.constant 48 : index
        %get3A_1389 = tpu.vector_load %arg10[%get3A_1387, %get3A_1388] {strides = array<i32>} : memref<64x128xf32, #tpu.memory_space<vmem>>, vector<1x16xf32>,
        %get3A_1390 = vector.shape_cast %get3A_1389 : vector<1x16xf32> to vector<16xf32>
        %add3A_1391 = arith.addf %scan3A_1360, %get3A_1390 : vector<16xf32>
        %add3A_1392 = arith.constant 32 : i32
        %add3A_1393 = arith.addi %add3A_1392, %scan3A_1356 : i32
        %get3A_1394 = arith.index_cast %add3A_1393 : i32 to index
        %get3A_1395 = arith.constant 64 : index
        %get3A_1396 = tpu.vector_load %arg10[%get3A_1394, %get3A_1395] {strides = array<i32>} : memref<64x128xf32, #tpu.memory_space<vmem>>, vector<1x16xf32>,
        %get3A_1397 = vector.shape_cast %get3A_1396 : vector<1x16xf32> to vector<16xf32>
        %add3A_1398 = arith.addf %scan3A_1361, %get3A_1397 : vector<16xf32>
        %add3A_1399 = arith.constant 32 : i32
        %add3A_1400 = arith.addi %add3A_1399, %scan3A_1356 : i32
        %get3A_1401 = arith.index_cast %add3A_1400 : i32 to index
        %get3A_1402 = arith.constant 80 : index
        %get3A_1403 = tpu.vector_load %arg10[%get3A_1401, %get3A_1402] {strides = array<i32>} : memref<64x128xf32, #tpu.memory_space<vmem>>, vector<1x16xf32>,
        %get3A_1404 = vector.shape_cast %get3A_1403 : vector<1x16xf32> to vector<16xf32>
        %add3A_1405 = arith.addf %scan3A_1362, %get3A_1404 : vector<16xf32>
        %add3A_1406 = arith.constant 32 : i32
        %add3A_1407 = arith.addi %add3A_1406, %scan3A_1356 : i32
        %get3A_1408 = arith.index_cast %add3A_1407 : i32 to index
        %get3A_1409 = arith.constant 96 : index
        %get3A_1410 = tpu.vector_load %arg10[%get3A_1408, %get3A_1409] {strides = array<i32>} : memref<64x128xf32, #tpu.memory_space<vmem>>, vector<1x16xf32>,
        %get3A_1411 = vector.shape_cast %get3A_1410 : vector<1x16xf32> to vector<16xf32>
        %add3A_1412 = arith.addf %scan3A_1363, %get3A_1411 : vector<16xf32>
        %add3A_1413 = arith.constant 32 : i32
        %add3A_1414 = arith.addi %add3A_1413, %scan3A_1356 : i32
        %get3A_1415 = arith.index_cast %add3A_1414 : i32 to index
        %get3A_1416 = arith.constant 112 : index
        %get3A_1417 = tpu.vector_load %arg10[%get3A_1415, %get3A_1416] {strides = array<i32>} : memref<64x128xf32, #tpu.memory_space<vmem>>, vector<1x16xf32>,
        %get3A_1418 = vector.shape_cast %get3A_1417 : vector<1x16xf32> to vector<16xf32>
        %add3A_1419 = arith.addf %scan3A_1364, %get3A_1418 : vector<16xf32>
        scf.yield %add3A_1370, %add3A_1377, %add3A_1384, %add3A_1391, %add3A_1398, %add3A_1405, %add3A_1412, %add3A_1419 : vector<16xf32>, vector<16xf32>, vector<16xf32>, vector<16xf32>, vector<16xf32>, vector<16xf32>, vector<16xf32>, vector<16xf32>
      }
      %scan3A_640 = arith.constant 32 : i32
      %swap3A_641 = arith.constant 7 : i32
      %swap3A_642 = arith.index_cast %swap3A_641 : i32 to index
      %swap3A_643 = arith.constant 0 : index
      %swap3A_644 = tpu.vector_load %arg11[%swap3A_642, %swap3A_643] {strides = array<i32>} : memref<8x128xf32, #tpu.memory_space<vmem>>, vector<1x16xf32>,
      %swap3A_645 = vector.shape_cast %swap3A_644 : vector<1x16xf32> to vector<16xf32>
      %swap3A_646 = vector.shape_cast %scan3A_639#0 : vector<16xf32> to vector<1x16xf32>
      tpu.vector_store %arg11[%swap3A_642, %swap3A_643], %swap3A_646 {strides = array<i32>} : memref<8x128xf32, #tpu.memory_space<vmem>>, vector<1x16xf32>,
      %swap3A_647 = arith.constant 7 : i32
      %swap3A_648 = arith.index_cast %swap3A_647 : i32 to index
      %swap3A_649 = arith.constant 16 : index
      %swap3A_650 = tpu.vector_load %arg11[%swap3A_648, %swap3A_649] {strides = array<i32>} : memref<8x128xf32, #tpu.memory_space<vmem>>, vector<1x16xf32>,
      %swap3A_651 = vector.shape_cast %swap3A_650 : vector<1x16xf32> to vector<16xf32>
      %swap3A_652 = vector.shape_cast %scan3A_639#1 : vector<16xf32> to vector<1x16xf32>
      tpu.vector_store %arg11[%swap3A_648, %swap3A_649], %swap3A_652 {strides = array<i32>} : memref<8x128xf32, #tpu.memory_space<vmem>>, vector<1x16xf32>,
      %swap3A_653 = arith.constant 7 : i32
      %swap3A_654 = arith.index_cast %swap3A_653 : i32 to index
      %swap3A_655 = arith.constant 32 : index
      %swap3A_656 = tpu.vector_load %arg11[%swap3A_654, %swap3A_655] {strides = array<i32>} : memref<8x128xf32, #tpu.memory_space<vmem>>, vector<1x16xf32>,
      %swap3A_657 = vector.shape_cast %swap3A_656 : vector<1x16xf32> to vector<16xf32>
      %swap3A_658 = vector.shape_cast %scan3A_639#2 : vector<16xf32> to vector<1x16xf32>
      tpu.vector_store %arg11[%swap3A_654, %swap3A_655], %swap3A_658 {strides = array<i32>} : memref<8x128xf32, #tpu.memory_space<vmem>>, vector<1x16xf32>,
      %swap3A_659 = arith.constant 7 : i32
      %swap3A_660 = arith.index_cast %swap3A_659 : i32 to index
      %swap3A_661 = arith.constant 48 : index
      %swap3A_662 = tpu.vector_load %arg11[%swap3A_660, %swap3A_661] {strides = array<i32>} : memref<8x128xf32, #tpu.memory_space<vmem>>, vector<1x16xf32>,
      %swap3A_663 = vector.shape_cast %swap3A_662 : vector<1x16xf32> to vector<16xf32>
      %swap3A_664 = vector.shape_cast %scan3A_639#3 : vector<16xf32> to vector<1x16xf32>
      tpu.vector_store %arg11[%swap3A_660, %swap3A_661], %swap3A_664 {strides = array<i32>} : memref<8x128xf32, #tpu.memory_space<vmem>>, vector<1x16xf32>,
      %swap3A_665 = arith.constant 7 : i32
      %swap3A_666 = arith.index_cast %swap3A_665 : i32 to index
      %swap3A_667 = arith.constant 64 : index
      %swap3A_668 = tpu.vector_load %arg11[%swap3A_666, %swap3A_667] {strides = array<i32>} : memref<8x128xf32, #tpu.memory_space<vmem>>, vector<1x16xf32>,
      %swap3A_669 = vector.shape_cast %swap3A_668 : vector<1x16xf32> to vector<16xf32>
      %swap3A_670 = vector.shape_cast %scan3A_639#4 : vector<16xf32> to vector<1x16xf32>
      tpu.vector_store %arg11[%swap3A_666, %swap3A_667], %swap3A_670 {strides = array<i32>} : memref<8x128xf32, #tpu.memory_space<vmem>>, vector<1x16xf32>,
      %swap3A_671 = arith.constant 7 : i32
      %swap3A_672 = arith.index_cast %swap3A_671 : i32 to index
      %swap3A_673 = arith.constant 80 : index
      %swap3A_674 = tpu.vector_load %arg11[%swap3A_672, %swap3A_673] {strides = array<i32>} : memref<8x128xf32, #tpu.memory_space<vmem>>, vector<1x16xf32>,
      %swap3A_675 = vector.shape_cast %swap3A_674 : vector<1x16xf32> to vector<16xf32>
      %swap3A_676 = vector.shape_cast %scan3A_639#5 : vector<16xf32> to vector<1x16xf32>
      tpu.vector_store %arg11[%swap3A_672, %swap3A_673], %swap3A_676 {strides = array<i32>} : memref<8x128xf32, #tpu.memory_space<vmem>>, vector<1x16xf32>,
      %swap3A_677 = arith.constant 7 : i32
      %swap3A_678 = arith.index_cast %swap3A_677 : i32 to index
      %swap3A_679 = arith.constant 96 : index
      %swap3A_680 = tpu.vector_load %arg11[%swap3A_678, %swap3A_679] {strides = array<i32>} : memref<8x128xf32, #tpu.memory_space<vmem>>, vector<1x16xf32>,
      %swap3A_681 = vector.shape_cast %swap3A_680 : vector<1x16xf32> to vector<16xf32>
      %swap3A_682 = vector.shape_cast %scan3A_639#6 : vector<16xf32> to vector<1x16xf32>
      tpu.vector_store %arg11[%swap3A_678, %swap3A_679], %swap3A_682 {strides = array<i32>} : memref<8x128xf32, #tpu.memory_space<vmem>>, vector<1x16xf32>,
      %swap3A_683 = arith.constant 7 : i32
      %swap3A_684 = arith.index_cast %swap3A_683 : i32 to index
      %swap3A_685 = arith.constant 112 : index
      %swap3A_686 = tpu.vector_load %arg11[%swap3A_684, %swap3A_685] {strides = array<i32>} : memref<8x128xf32, #tpu.memory_space<vmem>>, vector<1x16xf32>,
      %swap3A_687 = vector.shape_cast %swap3A_686 : vector<1x16xf32> to vector<16xf32>
      %swap3A_688 = vector.shape_cast %scan3A_639#7 : vector<16xf32> to vector<1x16xf32>
      tpu.vector_store %arg11[%swap3A_684, %swap3A_685], %swap3A_688 {strides = array<i32>} : memref<8x128xf32, #tpu.memory_space<vmem>>, vector<1x16xf32>,
      %add3A_689 = arith.constant 4 : i32
      %add3A_690 = arith.addi %add3A_542, %add3A_689 : i32
      %lt3A_691 = arith.constant 160 : i32
      %lt3A_692 = arith.cmpi slt, %add3A_690, %lt3A_691 : i32
      %convert_element_type3A_693 = arith.extui %lt3A_692 : i1 to i32
      %cond3A_694 = arith.constant 0 : i32
      %cond3A_695 = arith.cmpi ne, %convert_element_type3A_693, %cond3A_694 : i32
      scf.if %cond3A_695 {
        %add3A_1356 = arith.constant 4 : i32
        %add3A_1357 = arith.addi %add3A_542, %add3A_1356 : i32
        %mul3A_1358 = arith.constant 64 : i32
        %mul3A_1359 = arith.muli %add3A_1357, %mul3A_1358 : i32
        %dma_start3A_1360 = tpu.memref_slice %arg6[%mul3A_1359] : memref<10240xi32, #tpu.memory_space<vmem>> -> memref<64xi32, #tpu.memory_space<vmem>>
        %dma_start3A_1361 = arith.constant 0 : i32
        %dma_start3A_1362 = arith.constant 0 : i32
        %dma_start3A_1363 = tpu.memref_slice %arg5[%dma_start3A_1361, %dma_start3A_1362] : memref<10000x128xf32, #tpu.memory_space<vmem_shared>> -> memref<10000x128xf32, #tpu.memory_space<vmem_shared>>
        tpu.enqueue_indirect_dma source(%dma_start3A_1363 : memref<10000x128xf32, #tpu.memory_space<vmem_shared>>) target(%arg10 : memref<64x128xf32, #tpu.memory_space<vmem>>) offsets(%dma_start3A_1360 : memref<64xi32, #tpu.memory_space<vmem>>) semaphore(%arg16 : memref<!tpu.dma_semaphore, #tpu.memory_space<semaphore_mem>>)
      } else {
      }
      %mul3A_696 = arith.constant 320 : i32
      %mul3A_697 = arith.muli %add3A, %mul3A_696 : i32
      %add3A_698 = arith.addi %mul3A_697, %add3A_57 : i32
      %dma_start3A_699 = arith.constant 0 : i32
      %dma_start3A_700 = tpu.memref_slice %arg4[%add3A_698, %dma_start3A_699] : memref<10240x128xf32, #tpu.memory_space<hbm>> -> memref<8x128xf32, #tpu.memory_space<hbm>>
      %dma_start3A_701 = arith.constant 0 : i32
      %dma_start3A_702 = tpu.memref_slice %arg4[%add3A_698, %dma_start3A_701] : memref<10240x128xf32, #tpu.memory_space<hbm>> -> memref<8x128xf32, #tpu.memory_space<hbm>>
      tpu.enqueue_dma source(%arg11 : memref<8x128xf32, #tpu.memory_space<vmem>>) target(%dma_start3A_702 : memref<8x128xf32, #tpu.memory_space<hbm>>) target_semaphore(%arg17 : memref<!tpu.dma_semaphore, #tpu.memory_space<semaphore_mem>>)
      %mul3A_703 = arith.constant 16 : i32
      %mul3A_704 = arith.muli %scan3A_52, %mul3A_703 : i32
      %add3A_705 = arith.constant 8 : i32
      %add3A_706 = arith.addi %mul3A_704, %add3A_705 : i32
      %gt3A_707 = arith.constant 0 : i32
      %gt3A_708 = arith.cmpi sgt, %scan3A_52, %gt3A_707 : i32
      %convert_element_type3A_709 = arith.extui %gt3A_708 : i1 to i32
      %cond3A_710 = arith.constant 0 : i32
      %cond3A_711 = arith.cmpi ne, %convert_element_type3A_709, %cond3A_710 : i32
      scf.if %cond3A_711 {
        %dma_wait3A_1356 = arith.constant 0 : i32
        %dma_wait3A_1357 = arith.constant 0 : i32
        %dma_wait3A_1358 = tpu.memref_slice %arg4[%dma_wait3A_1356, %dma_wait3A_1357] : memref<10240x128xf32, #tpu.memory_space<hbm>> -> memref<8x128xf32, #tpu.memory_space<hbm>>
        %dma_wait3A_1359 = arith.constant 0 : i32
        %dma_wait3A_1360 = arith.constant 0 : i32
        %dma_wait3A_1361 = tpu.memref_slice %arg4[%dma_wait3A_1359, %dma_wait3A_1360] : memref<10240x128xf32, #tpu.memory_space<hbm>> -> memref<8x128xf32, #tpu.memory_space<hbm>>
        tpu.wait_dma2 semaphore(%arg18 : memref<!tpu.dma_semaphore, #tpu.memory_space<semaphore_mem>>) src(%arg12 : memref<8x128xf32, #tpu.memory_space<vmem>>) dst(%dma_wait3A_1361 : memref<8x128xf32, #tpu.memory_space<hbm>>)
      } else {
      }
      %mul3A_712 = arith.constant 8 : i32
      %mul3A_713 = arith.muli %scan3A_52, %mul3A_712 : i32
      %add3A_714 = arith.constant 4 : i32
      %add3A_715 = arith.addi %mul3A_713, %add3A_714 : i32
      %add3A_716 = arith.constant 0 : i32
      %add3A_717 = arith.addi %add3A_715, %add3A_716 : i32
      %mul3A_718 = arith.constant 64 : i32
      %mul3A_719 = arith.muli %add3A_717, %mul3A_718 : i32
      %dma_wait3A_720 = tpu.memref_slice %arg6[%mul3A_719] : memref<10240xi32, #tpu.memory_space<vmem>> -> memref<64xi32, #tpu.memory_space<vmem>>
      %dma_wait3A_721 = arith.constant 0 : i32
      %dma_wait3A_722 = arith.constant 0 : i32
      %dma_wait3A_723 = tpu.memref_slice %arg5[%dma_wait3A_721, %dma_wait3A_722] : memref<10000x128xf32, #tpu.memory_space<vmem_shared>> -> memref<10000x128xf32, #tpu.memory_space<vmem_shared>>
      tpu.wait_indirect_dma semaphore(%arg13 : memref<!tpu.dma_semaphore, #tpu.memory_space<semaphore_mem>>) src(%dma_wait3A_723 : memref<10000x128xf32, #tpu.memory_space<vmem_shared>>) dst(%arg7 : memref<64x128xf32, #tpu.memory_space<vmem>>)
      %broadcast_in_dim3A_724 = arith.constant 0.000000e+00 : f32
      %broadcast_in_dim3A_725 = vector.broadcast %broadcast_in_dim3A_724 : f32 to vector<16xf32>
      %broadcast_in_dim3A_726 = arith.constant 0.000000e+00 : f32
      %broadcast_in_dim3A_727 = vector.broadcast %broadcast_in_dim3A_726 : f32 to vector<16xf32>
      %broadcast_in_dim3A_728 = arith.constant 0.000000e+00 : f32
      %broadcast_in_dim3A_729 = vector.broadcast %broadcast_in_dim3A_728 : f32 to vector<16xf32>
      %broadcast_in_dim3A_730 = arith.constant 0.000000e+00 : f32
      %broadcast_in_dim3A_731 = vector.broadcast %broadcast_in_dim3A_730 : f32 to vector<16xf32>
      %broadcast_in_dim3A_732 = arith.constant 0.000000e+00 : f32
      %broadcast_in_dim3A_733 = vector.broadcast %broadcast_in_dim3A_732 : f32 to vector<16xf32>
      %broadcast_in_dim3A_734 = arith.constant 0.000000e+00 : f32
      %broadcast_in_dim3A_735 = vector.broadcast %broadcast_in_dim3A_734 : f32 to vector<16xf32>
      %broadcast_in_dim3A_736 = arith.constant 0.000000e+00 : f32
      %broadcast_in_dim3A_737 = vector.broadcast %broadcast_in_dim3A_736 : f32 to vector<16xf32>
      %broadcast_in_dim3A_738 = arith.constant 0.000000e+00 : f32
      %broadcast_in_dim3A_739 = vector.broadcast %broadcast_in_dim3A_738 : f32 to vector<16xf32>
      %scan3A_740 = arith.constant 0 : i32
      %scan3A_741 = arith.constant 32 : i32
      %scan3A_742 = arith.addi %scan3A_740, %scan3A_741 : i32
      %scan3A_743 = arith.constant 1 : i32
      %scan3A_744:8 = scf.for %scan3A_1356 = %scan3A_740 to %scan3A_742 step %scan3A_743 iter_args(%scan3A_1357 = %broadcast_in_dim3A_725, %scan3A_1358 = %broadcast_in_dim3A_727, %scan3A_1359 = %broadcast_in_dim3A_729, %scan3A_1360 = %broadcast_in_dim3A_731, %scan3A_1361 = %broadcast_in_dim3A_733, %scan3A_1362 = %broadcast_in_dim3A_735, %scan3A_1363 = %broadcast_in_dim3A_737, %scan3A_1364 = %broadcast_in_dim3A_739) -> (vector<16xf32>, vector<16xf32>, vector<16xf32>, vector<16xf32>, vector<16xf32>, vector<16xf32>, vector<16xf32>, vector<16xf32>)  : i32 {
        %add3A_1365 = arith.constant 0 : i32
        %add3A_1366 = arith.addi %add3A_1365, %scan3A_1356 : i32
        %get3A = arith.index_cast %add3A_1366 : i32 to index
        %get3A_1367 = arith.constant 0 : index
        %get3A_1368 = tpu.vector_load %arg7[%get3A, %get3A_1367] {strides = array<i32>} : memref<64x128xf32, #tpu.memory_space<vmem>>, vector<1x16xf32>,
        %get3A_1369 = vector.shape_cast %get3A_1368 : vector<1x16xf32> to vector<16xf32>
        %add3A_1370 = arith.addf %scan3A_1357, %get3A_1369 : vector<16xf32>
        %add3A_1371 = arith.constant 0 : i32
        %add3A_1372 = arith.addi %add3A_1371, %scan3A_1356 : i32
        %get3A_1373 = arith.index_cast %add3A_1372 : i32 to index
        %get3A_1374 = arith.constant 16 : index
        %get3A_1375 = tpu.vector_load %arg7[%get3A_1373, %get3A_1374] {strides = array<i32>} : memref<64x128xf32, #tpu.memory_space<vmem>>, vector<1x16xf32>,
        %get3A_1376 = vector.shape_cast %get3A_1375 : vector<1x16xf32> to vector<16xf32>
        %add3A_1377 = arith.addf %scan3A_1358, %get3A_1376 : vector<16xf32>
        %add3A_1378 = arith.constant 0 : i32
        %add3A_1379 = arith.addi %add3A_1378, %scan3A_1356 : i32
        %get3A_1380 = arith.index_cast %add3A_1379 : i32 to index
        %get3A_1381 = arith.constant 32 : index
        %get3A_1382 = tpu.vector_load %arg7[%get3A_1380, %get3A_1381] {strides = array<i32>} : memref<64x128xf32, #tpu.memory_space<vmem>>, vector<1x16xf32>,
        %get3A_1383 = vector.shape_cast %get3A_1382 : vector<1x16xf32> to vector<16xf32>
        %add3A_1384 = arith.addf %scan3A_1359, %get3A_1383 : vector<16xf32>
        %add3A_1385 = arith.constant 0 : i32
        %add3A_1386 = arith.addi %add3A_1385, %scan3A_1356 : i32
        %get3A_1387 = arith.index_cast %add3A_1386 : i32 to index
        %get3A_1388 = arith.constant 48 : index
        %get3A_1389 = tpu.vector_load %arg7[%get3A_1387, %get3A_1388] {strides = array<i32>} : memref<64x128xf32, #tpu.memory_space<vmem>>, vector<1x16xf32>,
        %get3A_1390 = vector.shape_cast %get3A_1389 : vector<1x16xf32> to vector<16xf32>
        %add3A_1391 = arith.addf %scan3A_1360, %get3A_1390 : vector<16xf32>
        %add3A_1392 = arith.constant 0 : i32
        %add3A_1393 = arith.addi %add3A_1392, %scan3A_1356 : i32
        %get3A_1394 = arith.index_cast %add3A_1393 : i32 to index
        %get3A_1395 = arith.constant 64 : index
        %get3A_1396 = tpu.vector_load %arg7[%get3A_1394, %get3A_1395] {strides = array<i32>} : memref<64x128xf32, #tpu.memory_space<vmem>>, vector<1x16xf32>,
        %get3A_1397 = vector.shape_cast %get3A_1396 : vector<1x16xf32> to vector<16xf32>
        %add3A_1398 = arith.addf %scan3A_1361, %get3A_1397 : vector<16xf32>
        %add3A_1399 = arith.constant 0 : i32
        %add3A_1400 = arith.addi %add3A_1399, %scan3A_1356 : i32
        %get3A_1401 = arith.index_cast %add3A_1400 : i32 to index
        %get3A_1402 = arith.constant 80 : index
        %get3A_1403 = tpu.vector_load %arg7[%get3A_1401, %get3A_1402] {strides = array<i32>} : memref<64x128xf32, #tpu.memory_space<vmem>>, vector<1x16xf32>,
        %get3A_1404 = vector.shape_cast %get3A_1403 : vector<1x16xf32> to vector<16xf32>
        %add3A_1405 = arith.addf %scan3A_1362, %get3A_1404 : vector<16xf32>
        %add3A_1406 = arith.constant 0 : i32
        %add3A_1407 = arith.addi %add3A_1406, %scan3A_1356 : i32
        %get3A_1408 = arith.index_cast %add3A_1407 : i32 to index
        %get3A_1409 = arith.constant 96 : index
        %get3A_1410 = tpu.vector_load %arg7[%get3A_1408, %get3A_1409] {strides = array<i32>} : memref<64x128xf32, #tpu.memory_space<vmem>>, vector<1x16xf32>,
        %get3A_1411 = vector.shape_cast %get3A_1410 : vector<1x16xf32> to vector<16xf32>
        %add3A_1412 = arith.addf %scan3A_1363, %get3A_1411 : vector<16xf32>
        %add3A_1413 = arith.constant 0 : i32
        %add3A_1414 = arith.addi %add3A_1413, %scan3A_1356 : i32
        %get3A_1415 = arith.index_cast %add3A_1414 : i32 to index
        %get3A_1416 = arith.constant 112 : index
        %get3A_1417 = tpu.vector_load %arg7[%get3A_1415, %get3A_1416] {strides = array<i32>} : memref<64x128xf32, #tpu.memory_space<vmem>>, vector<1x16xf32>,
        %get3A_1418 = vector.shape_cast %get3A_1417 : vector<1x16xf32> to vector<16xf32>
        %add3A_1419 = arith.addf %scan3A_1364, %get3A_1418 : vector<16xf32>
        scf.yield %add3A_1370, %add3A_1377, %add3A_1384, %add3A_1391, %add3A_1398, %add3A_1405, %add3A_1412, %add3A_1419 : vector<16xf32>, vector<16xf32>, vector<16xf32>, vector<16xf32>, vector<16xf32>, vector<16xf32>, vector<16xf32>, vector<16xf32>
      }
      %scan3A_745 = arith.constant 32 : i32
      %swap3A_746 = arith.constant 0 : i32
      %swap3A_747 = arith.index_cast %swap3A_746 : i32 to index
      %swap3A_748 = arith.constant 0 : index
      %swap3A_749 = tpu.vector_load %arg12[%swap3A_747, %swap3A_748] {strides = array<i32>} : memref<8x128xf32, #tpu.memory_space<vmem>>, vector<1x16xf32>,
      %swap3A_750 = vector.shape_cast %swap3A_749 : vector<1x16xf32> to vector<16xf32>
      %swap3A_751 = vector.shape_cast %scan3A_744#0 : vector<16xf32> to vector<1x16xf32>
      tpu.vector_store %arg12[%swap3A_747, %swap3A_748], %swap3A_751 {strides = array<i32>} : memref<8x128xf32, #tpu.memory_space<vmem>>, vector<1x16xf32>,
      %swap3A_752 = arith.constant 0 : i32
      %swap3A_753 = arith.index_cast %swap3A_752 : i32 to index
      %swap3A_754 = arith.constant 16 : index
      %swap3A_755 = tpu.vector_load %arg12[%swap3A_753, %swap3A_754] {strides = array<i32>} : memref<8x128xf32, #tpu.memory_space<vmem>>, vector<1x16xf32>,
      %swap3A_756 = vector.shape_cast %swap3A_755 : vector<1x16xf32> to vector<16xf32>
      %swap3A_757 = vector.shape_cast %scan3A_744#1 : vector<16xf32> to vector<1x16xf32>
      tpu.vector_store %arg12[%swap3A_753, %swap3A_754], %swap3A_757 {strides = array<i32>} : memref<8x128xf32, #tpu.memory_space<vmem>>, vector<1x16xf32>,
      %swap3A_758 = arith.constant 0 : i32
      %swap3A_759 = arith.index_cast %swap3A_758 : i32 to index
      %swap3A_760 = arith.constant 32 : index
      %swap3A_761 = tpu.vector_load %arg12[%swap3A_759, %swap3A_760] {strides = array<i32>} : memref<8x128xf32, #tpu.memory_space<vmem>>, vector<1x16xf32>,
      %swap3A_762 = vector.shape_cast %swap3A_761 : vector<1x16xf32> to vector<16xf32>
      %swap3A_763 = vector.shape_cast %scan3A_744#2 : vector<16xf32> to vector<1x16xf32>
      tpu.vector_store %arg12[%swap3A_759, %swap3A_760], %swap3A_763 {strides = array<i32>} : memref<8x128xf32, #tpu.memory_space<vmem>>, vector<1x16xf32>,
      %swap3A_764 = arith.constant 0 : i32
      %swap3A_765 = arith.index_cast %swap3A_764 : i32 to index
      %swap3A_766 = arith.constant 48 : index
      %swap3A_767 = tpu.vector_load %arg12[%swap3A_765, %swap3A_766] {strides = array<i32>} : memref<8x128xf32, #tpu.memory_space<vmem>>, vector<1x16xf32>,
      %swap3A_768 = vector.shape_cast %swap3A_767 : vector<1x16xf32> to vector<16xf32>
      %swap3A_769 = vector.shape_cast %scan3A_744#3 : vector<16xf32> to vector<1x16xf32>
      tpu.vector_store %arg12[%swap3A_765, %swap3A_766], %swap3A_769 {strides = array<i32>} : memref<8x128xf32, #tpu.memory_space<vmem>>, vector<1x16xf32>,
      %swap3A_770 = arith.constant 0 : i32
      %swap3A_771 = arith.index_cast %swap3A_770 : i32 to index
      %swap3A_772 = arith.constant 64 : index
      %swap3A_773 = tpu.vector_load %arg12[%swap3A_771, %swap3A_772] {strides = array<i32>} : memref<8x128xf32, #tpu.memory_space<vmem>>, vector<1x16xf32>,
      %swap3A_774 = vector.shape_cast %swap3A_773 : vector<1x16xf32> to vector<16xf32>
      %swap3A_775 = vector.shape_cast %scan3A_744#4 : vector<16xf32> to vector<1x16xf32>
      tpu.vector_store %arg12[%swap3A_771, %swap3A_772], %swap3A_775 {strides = array<i32>} : memref<8x128xf32, #tpu.memory_space<vmem>>, vector<1x16xf32>,
      %swap3A_776 = arith.constant 0 : i32
      %swap3A_777 = arith.index_cast %swap3A_776 : i32 to index
      %swap3A_778 = arith.constant 80 : index
      %swap3A_779 = tpu.vector_load %arg12[%swap3A_777, %swap3A_778] {strides = array<i32>} : memref<8x128xf32, #tpu.memory_space<vmem>>, vector<1x16xf32>,
      %swap3A_780 = vector.shape_cast %swap3A_779 : vector<1x16xf32> to vector<16xf32>
      %swap3A_781 = vector.shape_cast %scan3A_744#5 : vector<16xf32> to vector<1x16xf32>
      tpu.vector_store %arg12[%swap3A_777, %swap3A_778], %swap3A_781 {strides = array<i32>} : memref<8x128xf32, #tpu.memory_space<vmem>>, vector<1x16xf32>,
      %swap3A_782 = arith.constant 0 : i32
      %swap3A_783 = arith.index_cast %swap3A_782 : i32 to index
      %swap3A_784 = arith.constant 96 : index
      %swap3A_785 = tpu.vector_load %arg12[%swap3A_783, %swap3A_784] {strides = array<i32>} : memref<8x128xf32, #tpu.memory_space<vmem>>, vector<1x16xf32>,
      %swap3A_786 = vector.shape_cast %swap3A_785 : vector<1x16xf32> to vector<16xf32>
      %swap3A_787 = vector.shape_cast %scan3A_744#6 : vector<16xf32> to vector<1x16xf32>
      tpu.vector_store %arg12[%swap3A_783, %swap3A_784], %swap3A_787 {strides = array<i32>} : memref<8x128xf32, #tpu.memory_space<vmem>>, vector<1x16xf32>,
      %swap3A_788 = arith.constant 0 : i32
      %swap3A_789 = arith.index_cast %swap3A_788 : i32 to index
      %swap3A_790 = arith.constant 112 : index
      %swap3A_791 = tpu.vector_load %arg12[%swap3A_789, %swap3A_790] {strides = array<i32>} : memref<8x128xf32, #tpu.memory_space<vmem>>, vector<1x16xf32>,
      %swap3A_792 = vector.shape_cast %swap3A_791 : vector<1x16xf32> to vector<16xf32>
      %swap3A_793 = vector.shape_cast %scan3A_744#7 : vector<16xf32> to vector<1x16xf32>
      tpu.vector_store %arg12[%swap3A_789, %swap3A_790], %swap3A_793 {strides = array<i32>} : memref<8x128xf32, #tpu.memory_space<vmem>>, vector<1x16xf32>,
      %broadcast_in_dim3A_794 = arith.constant 0.000000e+00 : f32
      %broadcast_in_dim3A_795 = vector.broadcast %broadcast_in_dim3A_794 : f32 to vector<16xf32>
      %broadcast_in_dim3A_796 = arith.constant 0.000000e+00 : f32
      %broadcast_in_dim3A_797 = vector.broadcast %broadcast_in_dim3A_796 : f32 to vector<16xf32>
      %broadcast_in_dim3A_798 = arith.constant 0.000000e+00 : f32
      %broadcast_in_dim3A_799 = vector.broadcast %broadcast_in_dim3A_798 : f32 to vector<16xf32>
      %broadcast_in_dim3A_800 = arith.constant 0.000000e+00 : f32
      %broadcast_in_dim3A_801 = vector.broadcast %broadcast_in_dim3A_800 : f32 to vector<16xf32>
      %broadcast_in_dim3A_802 = arith.constant 0.000000e+00 : f32
      %broadcast_in_dim3A_803 = vector.broadcast %broadcast_in_dim3A_802 : f32 to vector<16xf32>
      %broadcast_in_dim3A_804 = arith.constant 0.000000e+00 : f32
      %broadcast_in_dim3A_805 = vector.broadcast %broadcast_in_dim3A_804 : f32 to vector<16xf32>
      %broadcast_in_dim3A_806 = arith.constant 0.000000e+00 : f32
      %broadcast_in_dim3A_807 = vector.broadcast %broadcast_in_dim3A_806 : f32 to vector<16xf32>
      %broadcast_in_dim3A_808 = arith.constant 0.000000e+00 : f32
      %broadcast_in_dim3A_809 = vector.broadcast %broadcast_in_dim3A_808 : f32 to vector<16xf32>
      %scan3A_810 = arith.constant 0 : i32
      %scan3A_811 = arith.constant 32 : i32
      %scan3A_812 = arith.addi %scan3A_810, %scan3A_811 : i32
      %scan3A_813 = arith.constant 1 : i32
      %scan3A_814:8 = scf.for %scan3A_1356 = %scan3A_810 to %scan3A_812 step %scan3A_813 iter_args(%scan3A_1357 = %broadcast_in_dim3A_795, %scan3A_1358 = %broadcast_in_dim3A_797, %scan3A_1359 = %broadcast_in_dim3A_799, %scan3A_1360 = %broadcast_in_dim3A_801, %scan3A_1361 = %broadcast_in_dim3A_803, %scan3A_1362 = %broadcast_in_dim3A_805, %scan3A_1363 = %broadcast_in_dim3A_807, %scan3A_1364 = %broadcast_in_dim3A_809) -> (vector<16xf32>, vector<16xf32>, vector<16xf32>, vector<16xf32>, vector<16xf32>, vector<16xf32>, vector<16xf32>, vector<16xf32>)  : i32 {
        %add3A_1365 = arith.constant 32 : i32
        %add3A_1366 = arith.addi %add3A_1365, %scan3A_1356 : i32
        %get3A = arith.index_cast %add3A_1366 : i32 to index
        %get3A_1367 = arith.constant 0 : index
        %get3A_1368 = tpu.vector_load %arg7[%get3A, %get3A_1367] {strides = array<i32>} : memref<64x128xf32, #tpu.memory_space<vmem>>, vector<1x16xf32>,
        %get3A_1369 = vector.shape_cast %get3A_1368 : vector<1x16xf32> to vector<16xf32>
        %add3A_1370 = arith.addf %scan3A_1357, %get3A_1369 : vector<16xf32>
        %add3A_1371 = arith.constant 32 : i32
        %add3A_1372 = arith.addi %add3A_1371, %scan3A_1356 : i32
        %get3A_1373 = arith.index_cast %add3A_1372 : i32 to index
        %get3A_1374 = arith.constant 16 : index
        %get3A_1375 = tpu.vector_load %arg7[%get3A_1373, %get3A_1374] {strides = array<i32>} : memref<64x128xf32, #tpu.memory_space<vmem>>, vector<1x16xf32>,
        %get3A_1376 = vector.shape_cast %get3A_1375 : vector<1x16xf32> to vector<16xf32>
        %add3A_1377 = arith.addf %scan3A_1358, %get3A_1376 : vector<16xf32>
        %add3A_1378 = arith.constant 32 : i32
        %add3A_1379 = arith.addi %add3A_1378, %scan3A_1356 : i32
        %get3A_1380 = arith.index_cast %add3A_1379 : i32 to index
        %get3A_1381 = arith.constant 32 : index
        %get3A_1382 = tpu.vector_load %arg7[%get3A_1380, %get3A_1381] {strides = array<i32>} : memref<64x128xf32, #tpu.memory_space<vmem>>, vector<1x16xf32>,
        %get3A_1383 = vector.shape_cast %get3A_1382 : vector<1x16xf32> to vector<16xf32>
        %add3A_1384 = arith.addf %scan3A_1359, %get3A_1383 : vector<16xf32>
        %add3A_1385 = arith.constant 32 : i32
        %add3A_1386 = arith.addi %add3A_1385, %scan3A_1356 : i32
        %get3A_1387 = arith.index_cast %add3A_1386 : i32 to index
        %get3A_1388 = arith.constant 48 : index
        %get3A_1389 = tpu.vector_load %arg7[%get3A_1387, %get3A_1388] {strides = array<i32>} : memref<64x128xf32, #tpu.memory_space<vmem>>, vector<1x16xf32>,
        %get3A_1390 = vector.shape_cast %get3A_1389 : vector<1x16xf32> to vector<16xf32>
        %add3A_1391 = arith.addf %scan3A_1360, %get3A_1390 : vector<16xf32>
        %add3A_1392 = arith.constant 32 : i32
        %add3A_1393 = arith.addi %add3A_1392, %scan3A_1356 : i32
        %get3A_1394 = arith.index_cast %add3A_1393 : i32 to index
        %get3A_1395 = arith.constant 64 : index
        %get3A_1396 = tpu.vector_load %arg7[%get3A_1394, %get3A_1395] {strides = array<i32>} : memref<64x128xf32, #tpu.memory_space<vmem>>, vector<1x16xf32>,
        %get3A_1397 = vector.shape_cast %get3A_1396 : vector<1x16xf32> to vector<16xf32>
        %add3A_1398 = arith.addf %scan3A_1361, %get3A_1397 : vector<16xf32>
        %add3A_1399 = arith.constant 32 : i32
        %add3A_1400 = arith.addi %add3A_1399, %scan3A_1356 : i32
        %get3A_1401 = arith.index_cast %add3A_1400 : i32 to index
        %get3A_1402 = arith.constant 80 : index
        %get3A_1403 = tpu.vector_load %arg7[%get3A_1401, %get3A_1402] {strides = array<i32>} : memref<64x128xf32, #tpu.memory_space<vmem>>, vector<1x16xf32>,
        %get3A_1404 = vector.shape_cast %get3A_1403 : vector<1x16xf32> to vector<16xf32>
        %add3A_1405 = arith.addf %scan3A_1362, %get3A_1404 : vector<16xf32>
        %add3A_1406 = arith.constant 32 : i32
        %add3A_1407 = arith.addi %add3A_1406, %scan3A_1356 : i32
        %get3A_1408 = arith.index_cast %add3A_1407 : i32 to index
        %get3A_1409 = arith.constant 96 : index
        %get3A_1410 = tpu.vector_load %arg7[%get3A_1408, %get3A_1409] {strides = array<i32>} : memref<64x128xf32, #tpu.memory_space<vmem>>, vector<1x16xf32>,
        %get3A_1411 = vector.shape_cast %get3A_1410 : vector<1x16xf32> to vector<16xf32>
        %add3A_1412 = arith.addf %scan3A_1363, %get3A_1411 : vector<16xf32>
        %add3A_1413 = arith.constant 32 : i32
        %add3A_1414 = arith.addi %add3A_1413, %scan3A_1356 : i32
        %get3A_1415 = arith.index_cast %add3A_1414 : i32 to index
        %get3A_1416 = arith.constant 112 : index
        %get3A_1417 = tpu.vector_load %arg7[%get3A_1415, %get3A_1416] {strides = array<i32>} : memref<64x128xf32, #tpu.memory_space<vmem>>, vector<1x16xf32>,
        %get3A_1418 = vector.shape_cast %get3A_1417 : vector<1x16xf32> to vector<16xf32>
        %add3A_1419 = arith.addf %scan3A_1364, %get3A_1418 : vector<16xf32>
        scf.yield %add3A_1370, %add3A_1377, %add3A_1384, %add3A_1391, %add3A_1398, %add3A_1405, %add3A_1412, %add3A_1419 : vector<16xf32>, vector<16xf32>, vector<16xf32>, vector<16xf32>, vector<16xf32>, vector<16xf32>, vector<16xf32>, vector<16xf32>
      }
      %scan3A_815 = arith.constant 32 : i32
      %swap3A_816 = arith.constant 1 : i32
      %swap3A_817 = arith.index_cast %swap3A_816 : i32 to index
      %swap3A_818 = arith.constant 0 : index
      %swap3A_819 = tpu.vector_load %arg12[%swap3A_817, %swap3A_818] {strides = array<i32>} : memref<8x128xf32, #tpu.memory_space<vmem>>, vector<1x16xf32>,
      %swap3A_820 = vector.shape_cast %swap3A_819 : vector<1x16xf32> to vector<16xf32>
      %swap3A_821 = vector.shape_cast %scan3A_814#0 : vector<16xf32> to vector<1x16xf32>
      tpu.vector_store %arg12[%swap3A_817, %swap3A_818], %swap3A_821 {strides = array<i32>} : memref<8x128xf32, #tpu.memory_space<vmem>>, vector<1x16xf32>,
      %swap3A_822 = arith.constant 1 : i32
      %swap3A_823 = arith.index_cast %swap3A_822 : i32 to index
      %swap3A_824 = arith.constant 16 : index
      %swap3A_825 = tpu.vector_load %arg12[%swap3A_823, %swap3A_824] {strides = array<i32>} : memref<8x128xf32, #tpu.memory_space<vmem>>, vector<1x16xf32>,
      %swap3A_826 = vector.shape_cast %swap3A_825 : vector<1x16xf32> to vector<16xf32>
      %swap3A_827 = vector.shape_cast %scan3A_814#1 : vector<16xf32> to vector<1x16xf32>
      tpu.vector_store %arg12[%swap3A_823, %swap3A_824], %swap3A_827 {strides = array<i32>} : memref<8x128xf32, #tpu.memory_space<vmem>>, vector<1x16xf32>,
      %swap3A_828 = arith.constant 1 : i32
      %swap3A_829 = arith.index_cast %swap3A_828 : i32 to index
      %swap3A_830 = arith.constant 32 : index
      %swap3A_831 = tpu.vector_load %arg12[%swap3A_829, %swap3A_830] {strides = array<i32>} : memref<8x128xf32, #tpu.memory_space<vmem>>, vector<1x16xf32>,
      %swap3A_832 = vector.shape_cast %swap3A_831 : vector<1x16xf32> to vector<16xf32>
      %swap3A_833 = vector.shape_cast %scan3A_814#2 : vector<16xf32> to vector<1x16xf32>
      tpu.vector_store %arg12[%swap3A_829, %swap3A_830], %swap3A_833 {strides = array<i32>} : memref<8x128xf32, #tpu.memory_space<vmem>>, vector<1x16xf32>,
      %swap3A_834 = arith.constant 1 : i32
      %swap3A_835 = arith.index_cast %swap3A_834 : i32 to index
      %swap3A_836 = arith.constant 48 : index
      %swap3A_837 = tpu.vector_load %arg12[%swap3A_835, %swap3A_836] {strides = array<i32>} : memref<8x128xf32, #tpu.memory_space<vmem>>, vector<1x16xf32>,
      %swap3A_838 = vector.shape_cast %swap3A_837 : vector<1x16xf32> to vector<16xf32>
      %swap3A_839 = vector.shape_cast %scan3A_814#3 : vector<16xf32> to vector<1x16xf32>
      tpu.vector_store %arg12[%swap3A_835, %swap3A_836], %swap3A_839 {strides = array<i32>} : memref<8x128xf32, #tpu.memory_space<vmem>>, vector<1x16xf32>,
      %swap3A_840 = arith.constant 1 : i32
      %swap3A_841 = arith.index_cast %swap3A_840 : i32 to index
      %swap3A_842 = arith.constant 64 : index
      %swap3A_843 = tpu.vector_load %arg12[%swap3A_841, %swap3A_842] {strides = array<i32>} : memref<8x128xf32, #tpu.memory_space<vmem>>, vector<1x16xf32>,
      %swap3A_844 = vector.shape_cast %swap3A_843 : vector<1x16xf32> to vector<16xf32>
      %swap3A_845 = vector.shape_cast %scan3A_814#4 : vector<16xf32> to vector<1x16xf32>
      tpu.vector_store %arg12[%swap3A_841, %swap3A_842], %swap3A_845 {strides = array<i32>} : memref<8x128xf32, #tpu.memory_space<vmem>>, vector<1x16xf32>,
      %swap3A_846 = arith.constant 1 : i32
      %swap3A_847 = arith.index_cast %swap3A_846 : i32 to index
      %swap3A_848 = arith.constant 80 : index
      %swap3A_849 = tpu.vector_load %arg12[%swap3A_847, %swap3A_848] {strides = array<i32>} : memref<8x128xf32, #tpu.memory_space<vmem>>, vector<1x16xf32>,
      %swap3A_850 = vector.shape_cast %swap3A_849 : vector<1x16xf32> to vector<16xf32>
      %swap3A_851 = vector.shape_cast %scan3A_814#5 : vector<16xf32> to vector<1x16xf32>
      tpu.vector_store %arg12[%swap3A_847, %swap3A_848], %swap3A_851 {strides = array<i32>} : memref<8x128xf32, #tpu.memory_space<vmem>>, vector<1x16xf32>,
      %swap3A_852 = arith.constant 1 : i32
      %swap3A_853 = arith.index_cast %swap3A_852 : i32 to index
      %swap3A_854 = arith.constant 96 : index
      %swap3A_855 = tpu.vector_load %arg12[%swap3A_853, %swap3A_854] {strides = array<i32>} : memref<8x128xf32, #tpu.memory_space<vmem>>, vector<1x16xf32>,
      %swap3A_856 = vector.shape_cast %swap3A_855 : vector<1x16xf32> to vector<16xf32>
      %swap3A_857 = vector.shape_cast %scan3A_814#6 : vector<16xf32> to vector<1x16xf32>
      tpu.vector_store %arg12[%swap3A_853, %swap3A_854], %swap3A_857 {strides = array<i32>} : memref<8x128xf32, #tpu.memory_space<vmem>>, vector<1x16xf32>,
      %swap3A_858 = arith.constant 1 : i32
      %swap3A_859 = arith.index_cast %swap3A_858 : i32 to index
      %swap3A_860 = arith.constant 112 : index
      %swap3A_861 = tpu.vector_load %arg12[%swap3A_859, %swap3A_860] {strides = array<i32>} : memref<8x128xf32, #tpu.memory_space<vmem>>, vector<1x16xf32>,
      %swap3A_862 = vector.shape_cast %swap3A_861 : vector<1x16xf32> to vector<16xf32>
      %swap3A_863 = vector.shape_cast %scan3A_814#7 : vector<16xf32> to vector<1x16xf32>
      tpu.vector_store %arg12[%swap3A_859, %swap3A_860], %swap3A_863 {strides = array<i32>} : memref<8x128xf32, #tpu.memory_space<vmem>>, vector<1x16xf32>,
      %add3A_864 = arith.constant 4 : i32
      %add3A_865 = arith.addi %add3A_717, %add3A_864 : i32
      %lt3A_866 = arith.constant 160 : i32
      %lt3A_867 = arith.cmpi slt, %add3A_865, %lt3A_866 : i32
      %convert_element_type3A_868 = arith.extui %lt3A_867 : i1 to i32
      %cond3A_869 = arith.constant 0 : i32
      %cond3A_870 = arith.cmpi ne, %convert_element_type3A_868, %cond3A_869 : i32
      scf.if %cond3A_870 {
        %add3A_1356 = arith.constant 4 : i32
        %add3A_1357 = arith.addi %add3A_717, %add3A_1356 : i32
        %mul3A_1358 = arith.constant 64 : i32
        %mul3A_1359 = arith.muli %add3A_1357, %mul3A_1358 : i32
        %dma_start3A_1360 = tpu.memref_slice %arg6[%mul3A_1359] : memref<10240xi32, #tpu.memory_space<vmem>> -> memref<64xi32, #tpu.memory_space<vmem>>
        %dma_start3A_1361 = arith.constant 0 : i32
        %dma_start3A_1362 = arith.constant 0 : i32
        %dma_start3A_1363 = tpu.memref_slice %arg5[%dma_start3A_1361, %dma_start3A_1362] : memref<10000x128xf32, #tpu.memory_space<vmem_shared>> -> memref<10000x128xf32, #tpu.memory_space<vmem_shared>>
        tpu.enqueue_indirect_dma source(%dma_start3A_1363 : memref<10000x128xf32, #tpu.memory_space<vmem_shared>>) target(%arg7 : memref<64x128xf32, #tpu.memory_space<vmem>>) offsets(%dma_start3A_1360 : memref<64xi32, #tpu.memory_space<vmem>>) semaphore(%arg13 : memref<!tpu.dma_semaphore, #tpu.memory_space<semaphore_mem>>)
      } else {
      }
      %mul3A_871 = arith.constant 8 : i32
      %mul3A_872 = arith.muli %scan3A_52, %mul3A_871 : i32
      %add3A_873 = arith.constant 4 : i32
      %add3A_874 = arith.addi %mul3A_872, %add3A_873 : i32
      %add3A_875 = arith.constant 1 : i32
      %add3A_876 = arith.addi %add3A_874, %add3A_875 : i32
      %mul3A_877 = arith.constant 64 : i32
      %mul3A_878 = arith.muli %add3A_876, %mul3A_877 : i32
      %dma_wait3A_879 = tpu.memref_slice %arg6[%mul3A_878] : memref<10240xi32, #tpu.memory_space<vmem>> -> memref<64xi32, #tpu.memory_space<vmem>>
      %dma_wait3A_880 = arith.constant 0 : i32
      %dma_wait3A_881 = arith.constant 0 : i32
      %dma_wait3A_882 = tpu.memref_slice %arg5[%dma_wait3A_880, %dma_wait3A_881] : memref<10000x128xf32, #tpu.memory_space<vmem_shared>> -> memref<10000x128xf32, #tpu.memory_space<vmem_shared>>
      tpu.wait_indirect_dma semaphore(%arg14 : memref<!tpu.dma_semaphore, #tpu.memory_space<semaphore_mem>>) src(%dma_wait3A_882 : memref<10000x128xf32, #tpu.memory_space<vmem_shared>>) dst(%arg8 : memref<64x128xf32, #tpu.memory_space<vmem>>)
      %broadcast_in_dim3A_883 = arith.constant 0.000000e+00 : f32
      %broadcast_in_dim3A_884 = vector.broadcast %broadcast_in_dim3A_883 : f32 to vector<16xf32>
      %broadcast_in_dim3A_885 = arith.constant 0.000000e+00 : f32
      %broadcast_in_dim3A_886 = vector.broadcast %broadcast_in_dim3A_885 : f32 to vector<16xf32>
      %broadcast_in_dim3A_887 = arith.constant 0.000000e+00 : f32
      %broadcast_in_dim3A_888 = vector.broadcast %broadcast_in_dim3A_887 : f32 to vector<16xf32>
      %broadcast_in_dim3A_889 = arith.constant 0.000000e+00 : f32
      %broadcast_in_dim3A_890 = vector.broadcast %broadcast_in_dim3A_889 : f32 to vector<16xf32>
      %broadcast_in_dim3A_891 = arith.constant 0.000000e+00 : f32
      %broadcast_in_dim3A_892 = vector.broadcast %broadcast_in_dim3A_891 : f32 to vector<16xf32>
      %broadcast_in_dim3A_893 = arith.constant 0.000000e+00 : f32
      %broadcast_in_dim3A_894 = vector.broadcast %broadcast_in_dim3A_893 : f32 to vector<16xf32>
      %broadcast_in_dim3A_895 = arith.constant 0.000000e+00 : f32
      %broadcast_in_dim3A_896 = vector.broadcast %broadcast_in_dim3A_895 : f32 to vector<16xf32>
      %broadcast_in_dim3A_897 = arith.constant 0.000000e+00 : f32
      %broadcast_in_dim3A_898 = vector.broadcast %broadcast_in_dim3A_897 : f32 to vector<16xf32>
      %scan3A_899 = arith.constant 0 : i32
      %scan3A_900 = arith.constant 32 : i32
      %scan3A_901 = arith.addi %scan3A_899, %scan3A_900 : i32
      %scan3A_902 = arith.constant 1 : i32
      %scan3A_903:8 = scf.for %scan3A_1356 = %scan3A_899 to %scan3A_901 step %scan3A_902 iter_args(%scan3A_1357 = %broadcast_in_dim3A_884, %scan3A_1358 = %broadcast_in_dim3A_886, %scan3A_1359 = %broadcast_in_dim3A_888, %scan3A_1360 = %broadcast_in_dim3A_890, %scan3A_1361 = %broadcast_in_dim3A_892, %scan3A_1362 = %broadcast_in_dim3A_894, %scan3A_1363 = %broadcast_in_dim3A_896, %scan3A_1364 = %broadcast_in_dim3A_898) -> (vector<16xf32>, vector<16xf32>, vector<16xf32>, vector<16xf32>, vector<16xf32>, vector<16xf32>, vector<16xf32>, vector<16xf32>)  : i32 {
        %add3A_1365 = arith.constant 0 : i32
        %add3A_1366 = arith.addi %add3A_1365, %scan3A_1356 : i32
        %get3A = arith.index_cast %add3A_1366 : i32 to index
        %get3A_1367 = arith.constant 0 : index
        %get3A_1368 = tpu.vector_load %arg8[%get3A, %get3A_1367] {strides = array<i32>} : memref<64x128xf32, #tpu.memory_space<vmem>>, vector<1x16xf32>,
        %get3A_1369 = vector.shape_cast %get3A_1368 : vector<1x16xf32> to vector<16xf32>
        %add3A_1370 = arith.addf %scan3A_1357, %get3A_1369 : vector<16xf32>
        %add3A_1371 = arith.constant 0 : i32
        %add3A_1372 = arith.addi %add3A_1371, %scan3A_1356 : i32
        %get3A_1373 = arith.index_cast %add3A_1372 : i32 to index
        %get3A_1374 = arith.constant 16 : index
        %get3A_1375 = tpu.vector_load %arg8[%get3A_1373, %get3A_1374] {strides = array<i32>} : memref<64x128xf32, #tpu.memory_space<vmem>>, vector<1x16xf32>,
        %get3A_1376 = vector.shape_cast %get3A_1375 : vector<1x16xf32> to vector<16xf32>
        %add3A_1377 = arith.addf %scan3A_1358, %get3A_1376 : vector<16xf32>
        %add3A_1378 = arith.constant 0 : i32
        %add3A_1379 = arith.addi %add3A_1378, %scan3A_1356 : i32
        %get3A_1380 = arith.index_cast %add3A_1379 : i32 to index
        %get3A_1381 = arith.constant 32 : index
        %get3A_1382 = tpu.vector_load %arg8[%get3A_1380, %get3A_1381] {strides = array<i32>} : memref<64x128xf32, #tpu.memory_space<vmem>>, vector<1x16xf32>,
        %get3A_1383 = vector.shape_cast %get3A_1382 : vector<1x16xf32> to vector<16xf32>
        %add3A_1384 = arith.addf %scan3A_1359, %get3A_1383 : vector<16xf32>
        %add3A_1385 = arith.constant 0 : i32
        %add3A_1386 = arith.addi %add3A_1385, %scan3A_1356 : i32
        %get3A_1387 = arith.index_cast %add3A_1386 : i32 to index
        %get3A_1388 = arith.constant 48 : index
        %get3A_1389 = tpu.vector_load %arg8[%get3A_1387, %get3A_1388] {strides = array<i32>} : memref<64x128xf32, #tpu.memory_space<vmem>>, vector<1x16xf32>,
        %get3A_1390 = vector.shape_cast %get3A_1389 : vector<1x16xf32> to vector<16xf32>
        %add3A_1391 = arith.addf %scan3A_1360, %get3A_1390 : vector<16xf32>
        %add3A_1392 = arith.constant 0 : i32
        %add3A_1393 = arith.addi %add3A_1392, %scan3A_1356 : i32
        %get3A_1394 = arith.index_cast %add3A_1393 : i32 to index
        %get3A_1395 = arith.constant 64 : index
        %get3A_1396 = tpu.vector_load %arg8[%get3A_1394, %get3A_1395] {strides = array<i32>} : memref<64x128xf32, #tpu.memory_space<vmem>>, vector<1x16xf32>,
        %get3A_1397 = vector.shape_cast %get3A_1396 : vector<1x16xf32> to vector<16xf32>
        %add3A_1398 = arith.addf %scan3A_1361, %get3A_1397 : vector<16xf32>
        %add3A_1399 = arith.constant 0 : i32
        %add3A_1400 = arith.addi %add3A_1399, %scan3A_1356 : i32
        %get3A_1401 = arith.index_cast %add3A_1400 : i32 to index
        %get3A_1402 = arith.constant 80 : index
        %get3A_1403 = tpu.vector_load %arg8[%get3A_1401, %get3A_1402] {strides = array<i32>} : memref<64x128xf32, #tpu.memory_space<vmem>>, vector<1x16xf32>,
        %get3A_1404 = vector.shape_cast %get3A_1403 : vector<1x16xf32> to vector<16xf32>
        %add3A_1405 = arith.addf %scan3A_1362, %get3A_1404 : vector<16xf32>
        %add3A_1406 = arith.constant 0 : i32
        %add3A_1407 = arith.addi %add3A_1406, %scan3A_1356 : i32
        %get3A_1408 = arith.index_cast %add3A_1407 : i32 to index
        %get3A_1409 = arith.constant 96 : index
        %get3A_1410 = tpu.vector_load %arg8[%get3A_1408, %get3A_1409] {strides = array<i32>} : memref<64x128xf32, #tpu.memory_space<vmem>>, vector<1x16xf32>,
        %get3A_1411 = vector.shape_cast %get3A_1410 : vector<1x16xf32> to vector<16xf32>
        %add3A_1412 = arith.addf %scan3A_1363, %get3A_1411 : vector<16xf32>
        %add3A_1413 = arith.constant 0 : i32
        %add3A_1414 = arith.addi %add3A_1413, %scan3A_1356 : i32
        %get3A_1415 = arith.index_cast %add3A_1414 : i32 to index
        %get3A_1416 = arith.constant 112 : index
        %get3A_1417 = tpu.vector_load %arg8[%get3A_1415, %get3A_1416] {strides = array<i32>} : memref<64x128xf32, #tpu.memory_space<vmem>>, vector<1x16xf32>,
        %get3A_1418 = vector.shape_cast %get3A_1417 : vector<1x16xf32> to vector<16xf32>
        %add3A_1419 = arith.addf %scan3A_1364, %get3A_1418 : vector<16xf32>
        scf.yield %add3A_1370, %add3A_1377, %add3A_1384, %add3A_1391, %add3A_1398, %add3A_1405, %add3A_1412, %add3A_1419 : vector<16xf32>, vector<16xf32>, vector<16xf32>, vector<16xf32>, vector<16xf32>, vector<16xf32>, vector<16xf32>, vector<16xf32>
      }
      %scan3A_904 = arith.constant 32 : i32
      %swap3A_905 = arith.constant 2 : i32
      %swap3A_906 = arith.index_cast %swap3A_905 : i32 to index
      %swap3A_907 = arith.constant 0 : index
      %swap3A_908 = tpu.vector_load %arg12[%swap3A_906, %swap3A_907] {strides = array<i32>} : memref<8x128xf32, #tpu.memory_space<vmem>>, vector<1x16xf32>,
      %swap3A_909 = vector.shape_cast %swap3A_908 : vector<1x16xf32> to vector<16xf32>
      %swap3A_910 = vector.shape_cast %scan3A_903#0 : vector<16xf32> to vector<1x16xf32>
      tpu.vector_store %arg12[%swap3A_906, %swap3A_907], %swap3A_910 {strides = array<i32>} : memref<8x128xf32, #tpu.memory_space<vmem>>, vector<1x16xf32>,
      %swap3A_911 = arith.constant 2 : i32
      %swap3A_912 = arith.index_cast %swap3A_911 : i32 to index
      %swap3A_913 = arith.constant 16 : index
      %swap3A_914 = tpu.vector_load %arg12[%swap3A_912, %swap3A_913] {strides = array<i32>} : memref<8x128xf32, #tpu.memory_space<vmem>>, vector<1x16xf32>,
      %swap3A_915 = vector.shape_cast %swap3A_914 : vector<1x16xf32> to vector<16xf32>
      %swap3A_916 = vector.shape_cast %scan3A_903#1 : vector<16xf32> to vector<1x16xf32>
      tpu.vector_store %arg12[%swap3A_912, %swap3A_913], %swap3A_916 {strides = array<i32>} : memref<8x128xf32, #tpu.memory_space<vmem>>, vector<1x16xf32>,
      %swap3A_917 = arith.constant 2 : i32
      %swap3A_918 = arith.index_cast %swap3A_917 : i32 to index
      %swap3A_919 = arith.constant 32 : index
      %swap3A_920 = tpu.vector_load %arg12[%swap3A_918, %swap3A_919] {strides = array<i32>} : memref<8x128xf32, #tpu.memory_space<vmem>>, vector<1x16xf32>,
      %swap3A_921 = vector.shape_cast %swap3A_920 : vector<1x16xf32> to vector<16xf32>
      %swap3A_922 = vector.shape_cast %scan3A_903#2 : vector<16xf32> to vector<1x16xf32>
      tpu.vector_store %arg12[%swap3A_918, %swap3A_919], %swap3A_922 {strides = array<i32>} : memref<8x128xf32, #tpu.memory_space<vmem>>, vector<1x16xf32>,
      %swap3A_923 = arith.constant 2 : i32
      %swap3A_924 = arith.index_cast %swap3A_923 : i32 to index
      %swap3A_925 = arith.constant 48 : index
      %swap3A_926 = tpu.vector_load %arg12[%swap3A_924, %swap3A_925] {strides = array<i32>} : memref<8x128xf32, #tpu.memory_space<vmem>>, vector<1x16xf32>,
      %swap3A_927 = vector.shape_cast %swap3A_926 : vector<1x16xf32> to vector<16xf32>
      %swap3A_928 = vector.shape_cast %scan3A_903#3 : vector<16xf32> to vector<1x16xf32>
      tpu.vector_store %arg12[%swap3A_924, %swap3A_925], %swap3A_928 {strides = array<i32>} : memref<8x128xf32, #tpu.memory_space<vmem>>, vector<1x16xf32>,
      %swap3A_929 = arith.constant 2 : i32
      %swap3A_930 = arith.index_cast %swap3A_929 : i32 to index
      %swap3A_931 = arith.constant 64 : index
      %swap3A_932 = tpu.vector_load %arg12[%swap3A_930, %swap3A_931] {strides = array<i32>} : memref<8x128xf32, #tpu.memory_space<vmem>>, vector<1x16xf32>,
      %swap3A_933 = vector.shape_cast %swap3A_932 : vector<1x16xf32> to vector<16xf32>
      %swap3A_934 = vector.shape_cast %scan3A_903#4 : vector<16xf32> to vector<1x16xf32>
      tpu.vector_store %arg12[%swap3A_930, %swap3A_931], %swap3A_934 {strides = array<i32>} : memref<8x128xf32, #tpu.memory_space<vmem>>, vector<1x16xf32>,
      %swap3A_935 = arith.constant 2 : i32
      %swap3A_936 = arith.index_cast %swap3A_935 : i32 to index
      %swap3A_937 = arith.constant 80 : index
      %swap3A_938 = tpu.vector_load %arg12[%swap3A_936, %swap3A_937] {strides = array<i32>} : memref<8x128xf32, #tpu.memory_space<vmem>>, vector<1x16xf32>,
      %swap3A_939 = vector.shape_cast %swap3A_938 : vector<1x16xf32> to vector<16xf32>
      %swap3A_940 = vector.shape_cast %scan3A_903#5 : vector<16xf32> to vector<1x16xf32>
      tpu.vector_store %arg12[%swap3A_936, %swap3A_937], %swap3A_940 {strides = array<i32>} : memref<8x128xf32, #tpu.memory_space<vmem>>, vector<1x16xf32>,
      %swap3A_941 = arith.constant 2 : i32
      %swap3A_942 = arith.index_cast %swap3A_941 : i32 to index
      %swap3A_943 = arith.constant 96 : index
      %swap3A_944 = tpu.vector_load %arg12[%swap3A_942, %swap3A_943] {strides = array<i32>} : memref<8x128xf32, #tpu.memory_space<vmem>>, vector<1x16xf32>,
      %swap3A_945 = vector.shape_cast %swap3A_944 : vector<1x16xf32> to vector<16xf32>
      %swap3A_946 = vector.shape_cast %scan3A_903#6 : vector<16xf32> to vector<1x16xf32>
      tpu.vector_store %arg12[%swap3A_942, %swap3A_943], %swap3A_946 {strides = array<i32>} : memref<8x128xf32, #tpu.memory_space<vmem>>, vector<1x16xf32>,
      %swap3A_947 = arith.constant 2 : i32
      %swap3A_948 = arith.index_cast %swap3A_947 : i32 to index
      %swap3A_949 = arith.constant 112 : index
      %swap3A_950 = tpu.vector_load %arg12[%swap3A_948, %swap3A_949] {strides = array<i32>} : memref<8x128xf32, #tpu.memory_space<vmem>>, vector<1x16xf32>,
      %swap3A_951 = vector.shape_cast %swap3A_950 : vector<1x16xf32> to vector<16xf32>
      %swap3A_952 = vector.shape_cast %scan3A_903#7 : vector<16xf32> to vector<1x16xf32>
      tpu.vector_store %arg12[%swap3A_948, %swap3A_949], %swap3A_952 {strides = array<i32>} : memref<8x128xf32, #tpu.memory_space<vmem>>, vector<1x16xf32>,
      %broadcast_in_dim3A_953 = arith.constant 0.000000e+00 : f32
      %broadcast_in_dim3A_954 = vector.broadcast %broadcast_in_dim3A_953 : f32 to vector<16xf32>
      %broadcast_in_dim3A_955 = arith.constant 0.000000e+00 : f32
      %broadcast_in_dim3A_956 = vector.broadcast %broadcast_in_dim3A_955 : f32 to vector<16xf32>
      %broadcast_in_dim3A_957 = arith.constant 0.000000e+00 : f32
      %broadcast_in_dim3A_958 = vector.broadcast %broadcast_in_dim3A_957 : f32 to vector<16xf32>
      %broadcast_in_dim3A_959 = arith.constant 0.000000e+00 : f32
      %broadcast_in_dim3A_960 = vector.broadcast %broadcast_in_dim3A_959 : f32 to vector<16xf32>
      %broadcast_in_dim3A_961 = arith.constant 0.000000e+00 : f32
      %broadcast_in_dim3A_962 = vector.broadcast %broadcast_in_dim3A_961 : f32 to vector<16xf32>
      %broadcast_in_dim3A_963 = arith.constant 0.000000e+00 : f32
      %broadcast_in_dim3A_964 = vector.broadcast %broadcast_in_dim3A_963 : f32 to vector<16xf32>
      %broadcast_in_dim3A_965 = arith.constant 0.000000e+00 : f32
      %broadcast_in_dim3A_966 = vector.broadcast %broadcast_in_dim3A_965 : f32 to vector<16xf32>
      %broadcast_in_dim3A_967 = arith.constant 0.000000e+00 : f32
      %broadcast_in_dim3A_968 = vector.broadcast %broadcast_in_dim3A_967 : f32 to vector<16xf32>
      %scan3A_969 = arith.constant 0 : i32
      %scan3A_970 = arith.constant 32 : i32
      %scan3A_971 = arith.addi %scan3A_969, %scan3A_970 : i32
      %scan3A_972 = arith.constant 1 : i32
      %scan3A_973:8 = scf.for %scan3A_1356 = %scan3A_969 to %scan3A_971 step %scan3A_972 iter_args(%scan3A_1357 = %broadcast_in_dim3A_954, %scan3A_1358 = %broadcast_in_dim3A_956, %scan3A_1359 = %broadcast_in_dim3A_958, %scan3A_1360 = %broadcast_in_dim3A_960, %scan3A_1361 = %broadcast_in_dim3A_962, %scan3A_1362 = %broadcast_in_dim3A_964, %scan3A_1363 = %broadcast_in_dim3A_966, %scan3A_1364 = %broadcast_in_dim3A_968) -> (vector<16xf32>, vector<16xf32>, vector<16xf32>, vector<16xf32>, vector<16xf32>, vector<16xf32>, vector<16xf32>, vector<16xf32>)  : i32 {
        %add3A_1365 = arith.constant 32 : i32
        %add3A_1366 = arith.addi %add3A_1365, %scan3A_1356 : i32
        %get3A = arith.index_cast %add3A_1366 : i32 to index
        %get3A_1367 = arith.constant 0 : index
        %get3A_1368 = tpu.vector_load %arg8[%get3A, %get3A_1367] {strides = array<i32>} : memref<64x128xf32, #tpu.memory_space<vmem>>, vector<1x16xf32>,
        %get3A_1369 = vector.shape_cast %get3A_1368 : vector<1x16xf32> to vector<16xf32>
        %add3A_1370 = arith.addf %scan3A_1357, %get3A_1369 : vector<16xf32>
        %add3A_1371 = arith.constant 32 : i32
        %add3A_1372 = arith.addi %add3A_1371, %scan3A_1356 : i32
        %get3A_1373 = arith.index_cast %add3A_1372 : i32 to index
        %get3A_1374 = arith.constant 16 : index
        %get3A_1375 = tpu.vector_load %arg8[%get3A_1373, %get3A_1374] {strides = array<i32>} : memref<64x128xf32, #tpu.memory_space<vmem>>, vector<1x16xf32>,
        %get3A_1376 = vector.shape_cast %get3A_1375 : vector<1x16xf32> to vector<16xf32>
        %add3A_1377 = arith.addf %scan3A_1358, %get3A_1376 : vector<16xf32>
        %add3A_1378 = arith.constant 32 : i32
        %add3A_1379 = arith.addi %add3A_1378, %scan3A_1356 : i32
        %get3A_1380 = arith.index_cast %add3A_1379 : i32 to index
        %get3A_1381 = arith.constant 32 : index
        %get3A_1382 = tpu.vector_load %arg8[%get3A_1380, %get3A_1381] {strides = array<i32>} : memref<64x128xf32, #tpu.memory_space<vmem>>, vector<1x16xf32>,
        %get3A_1383 = vector.shape_cast %get3A_1382 : vector<1x16xf32> to vector<16xf32>
        %add3A_1384 = arith.addf %scan3A_1359, %get3A_1383 : vector<16xf32>
        %add3A_1385 = arith.constant 32 : i32
        %add3A_1386 = arith.addi %add3A_1385, %scan3A_1356 : i32
        %get3A_1387 = arith.index_cast %add3A_1386 : i32 to index
        %get3A_1388 = arith.constant 48 : index
        %get3A_1389 = tpu.vector_load %arg8[%get3A_1387, %get3A_1388] {strides = array<i32>} : memref<64x128xf32, #tpu.memory_space<vmem>>, vector<1x16xf32>,
        %get3A_1390 = vector.shape_cast %get3A_1389 : vector<1x16xf32> to vector<16xf32>
        %add3A_1391 = arith.addf %scan3A_1360, %get3A_1390 : vector<16xf32>
        %add3A_1392 = arith.constant 32 : i32
        %add3A_1393 = arith.addi %add3A_1392, %scan3A_1356 : i32
        %get3A_1394 = arith.index_cast %add3A_1393 : i32 to index
        %get3A_1395 = arith.constant 64 : index
        %get3A_1396 = tpu.vector_load %arg8[%get3A_1394, %get3A_1395] {strides = array<i32>} : memref<64x128xf32, #tpu.memory_space<vmem>>, vector<1x16xf32>,
        %get3A_1397 = vector.shape_cast %get3A_1396 : vector<1x16xf32> to vector<16xf32>
        %add3A_1398 = arith.addf %scan3A_1361, %get3A_1397 : vector<16xf32>
        %add3A_1399 = arith.constant 32 : i32
        %add3A_1400 = arith.addi %add3A_1399, %scan3A_1356 : i32
        %get3A_1401 = arith.index_cast %add3A_1400 : i32 to index
        %get3A_1402 = arith.constant 80 : index
        %get3A_1403 = tpu.vector_load %arg8[%get3A_1401, %get3A_1402] {strides = array<i32>} : memref<64x128xf32, #tpu.memory_space<vmem>>, vector<1x16xf32>,
        %get3A_1404 = vector.shape_cast %get3A_1403 : vector<1x16xf32> to vector<16xf32>
        %add3A_1405 = arith.addf %scan3A_1362, %get3A_1404 : vector<16xf32>
        %add3A_1406 = arith.constant 32 : i32
        %add3A_1407 = arith.addi %add3A_1406, %scan3A_1356 : i32
        %get3A_1408 = arith.index_cast %add3A_1407 : i32 to index
        %get3A_1409 = arith.constant 96 : index
        %get3A_1410 = tpu.vector_load %arg8[%get3A_1408, %get3A_1409] {strides = array<i32>} : memref<64x128xf32, #tpu.memory_space<vmem>>, vector<1x16xf32>,
        %get3A_1411 = vector.shape_cast %get3A_1410 : vector<1x16xf32> to vector<16xf32>
        %add3A_1412 = arith.addf %scan3A_1363, %get3A_1411 : vector<16xf32>
        %add3A_1413 = arith.constant 32 : i32
        %add3A_1414 = arith.addi %add3A_1413, %scan3A_1356 : i32
        %get3A_1415 = arith.index_cast %add3A_1414 : i32 to index
        %get3A_1416 = arith.constant 112 : index
        %get3A_1417 = tpu.vector_load %arg8[%get3A_1415, %get3A_1416] {strides = array<i32>} : memref<64x128xf32, #tpu.memory_space<vmem>>, vector<1x16xf32>,
        %get3A_1418 = vector.shape_cast %get3A_1417 : vector<1x16xf32> to vector<16xf32>
        %add3A_1419 = arith.addf %scan3A_1364, %get3A_1418 : vector<16xf32>
        scf.yield %add3A_1370, %add3A_1377, %add3A_1384, %add3A_1391, %add3A_1398, %add3A_1405, %add3A_1412, %add3A_1419 : vector<16xf32>, vector<16xf32>, vector<16xf32>, vector<16xf32>, vector<16xf32>, vector<16xf32>, vector<16xf32>, vector<16xf32>
      }
      %scan3A_974 = arith.constant 32 : i32
      %swap3A_975 = arith.constant 3 : i32
      %swap3A_976 = arith.index_cast %swap3A_975 : i32 to index
      %swap3A_977 = arith.constant 0 : index
      %swap3A_978 = tpu.vector_load %arg12[%swap3A_976, %swap3A_977] {strides = array<i32>} : memref<8x128xf32, #tpu.memory_space<vmem>>, vector<1x16xf32>,
      %swap3A_979 = vector.shape_cast %swap3A_978 : vector<1x16xf32> to vector<16xf32>
      %swap3A_980 = vector.shape_cast %scan3A_973#0 : vector<16xf32> to vector<1x16xf32>
      tpu.vector_store %arg12[%swap3A_976, %swap3A_977], %swap3A_980 {strides = array<i32>} : memref<8x128xf32, #tpu.memory_space<vmem>>, vector<1x16xf32>,
      %swap3A_981 = arith.constant 3 : i32
      %swap3A_982 = arith.index_cast %swap3A_981 : i32 to index
      %swap3A_983 = arith.constant 16 : index
      %swap3A_984 = tpu.vector_load %arg12[%swap3A_982, %swap3A_983] {strides = array<i32>} : memref<8x128xf32, #tpu.memory_space<vmem>>, vector<1x16xf32>,
      %swap3A_985 = vector.shape_cast %swap3A_984 : vector<1x16xf32> to vector<16xf32>
      %swap3A_986 = vector.shape_cast %scan3A_973#1 : vector<16xf32> to vector<1x16xf32>
      tpu.vector_store %arg12[%swap3A_982, %swap3A_983], %swap3A_986 {strides = array<i32>} : memref<8x128xf32, #tpu.memory_space<vmem>>, vector<1x16xf32>,
      %swap3A_987 = arith.constant 3 : i32
      %swap3A_988 = arith.index_cast %swap3A_987 : i32 to index
      %swap3A_989 = arith.constant 32 : index
      %swap3A_990 = tpu.vector_load %arg12[%swap3A_988, %swap3A_989] {strides = array<i32>} : memref<8x128xf32, #tpu.memory_space<vmem>>, vector<1x16xf32>,
      %swap3A_991 = vector.shape_cast %swap3A_990 : vector<1x16xf32> to vector<16xf32>
      %swap3A_992 = vector.shape_cast %scan3A_973#2 : vector<16xf32> to vector<1x16xf32>
      tpu.vector_store %arg12[%swap3A_988, %swap3A_989], %swap3A_992 {strides = array<i32>} : memref<8x128xf32, #tpu.memory_space<vmem>>, vector<1x16xf32>,
      %swap3A_993 = arith.constant 3 : i32
      %swap3A_994 = arith.index_cast %swap3A_993 : i32 to index
      %swap3A_995 = arith.constant 48 : index
      %swap3A_996 = tpu.vector_load %arg12[%swap3A_994, %swap3A_995] {strides = array<i32>} : memref<8x128xf32, #tpu.memory_space<vmem>>, vector<1x16xf32>,
      %swap3A_997 = vector.shape_cast %swap3A_996 : vector<1x16xf32> to vector<16xf32>
      %swap3A_998 = vector.shape_cast %scan3A_973#3 : vector<16xf32> to vector<1x16xf32>
      tpu.vector_store %arg12[%swap3A_994, %swap3A_995], %swap3A_998 {strides = array<i32>} : memref<8x128xf32, #tpu.memory_space<vmem>>, vector<1x16xf32>,
      %swap3A_999 = arith.constant 3 : i32
      %swap3A_1000 = arith.index_cast %swap3A_999 : i32 to index
      %swap3A_1001 = arith.constant 64 : index
      %swap3A_1002 = tpu.vector_load %arg12[%swap3A_1000, %swap3A_1001] {strides = array<i32>} : memref<8x128xf32, #tpu.memory_space<vmem>>, vector<1x16xf32>,
      %swap3A_1003 = vector.shape_cast %swap3A_1002 : vector<1x16xf32> to vector<16xf32>
      %swap3A_1004 = vector.shape_cast %scan3A_973#4 : vector<16xf32> to vector<1x16xf32>
      tpu.vector_store %arg12[%swap3A_1000, %swap3A_1001], %swap3A_1004 {strides = array<i32>} : memref<8x128xf32, #tpu.memory_space<vmem>>, vector<1x16xf32>,
      %swap3A_1005 = arith.constant 3 : i32
      %swap3A_1006 = arith.index_cast %swap3A_1005 : i32 to index
      %swap3A_1007 = arith.constant 80 : index
      %swap3A_1008 = tpu.vector_load %arg12[%swap3A_1006, %swap3A_1007] {strides = array<i32>} : memref<8x128xf32, #tpu.memory_space<vmem>>, vector<1x16xf32>,
      %swap3A_1009 = vector.shape_cast %swap3A_1008 : vector<1x16xf32> to vector<16xf32>
      %swap3A_1010 = vector.shape_cast %scan3A_973#5 : vector<16xf32> to vector<1x16xf32>
      tpu.vector_store %arg12[%swap3A_1006, %swap3A_1007], %swap3A_1010 {strides = array<i32>} : memref<8x128xf32, #tpu.memory_space<vmem>>, vector<1x16xf32>,
      %swap3A_1011 = arith.constant 3 : i32
      %swap3A_1012 = arith.index_cast %swap3A_1011 : i32 to index
      %swap3A_1013 = arith.constant 96 : index
      %swap3A_1014 = tpu.vector_load %arg12[%swap3A_1012, %swap3A_1013] {strides = array<i32>} : memref<8x128xf32, #tpu.memory_space<vmem>>, vector<1x16xf32>,
      %swap3A_1015 = vector.shape_cast %swap3A_1014 : vector<1x16xf32> to vector<16xf32>
      %swap3A_1016 = vector.shape_cast %scan3A_973#6 : vector<16xf32> to vector<1x16xf32>
      tpu.vector_store %arg12[%swap3A_1012, %swap3A_1013], %swap3A_1016 {strides = array<i32>} : memref<8x128xf32, #tpu.memory_space<vmem>>, vector<1x16xf32>,
      %swap3A_1017 = arith.constant 3 : i32
      %swap3A_1018 = arith.index_cast %swap3A_1017 : i32 to index
      %swap3A_1019 = arith.constant 112 : index
      %swap3A_1020 = tpu.vector_load %arg12[%swap3A_1018, %swap3A_1019] {strides = array<i32>} : memref<8x128xf32, #tpu.memory_space<vmem>>, vector<1x16xf32>,
      %swap3A_1021 = vector.shape_cast %swap3A_1020 : vector<1x16xf32> to vector<16xf32>
      %swap3A_1022 = vector.shape_cast %scan3A_973#7 : vector<16xf32> to vector<1x16xf32>
      tpu.vector_store %arg12[%swap3A_1018, %swap3A_1019], %swap3A_1022 {strides = array<i32>} : memref<8x128xf32, #tpu.memory_space<vmem>>, vector<1x16xf32>,
      %add3A_1023 = arith.constant 4 : i32
      %add3A_1024 = arith.addi %add3A_876, %add3A_1023 : i32
      %lt3A_1025 = arith.constant 160 : i32
      %lt3A_1026 = arith.cmpi slt, %add3A_1024, %lt3A_1025 : i32
      %convert_element_type3A_1027 = arith.extui %lt3A_1026 : i1 to i32
      %cond3A_1028 = arith.constant 0 : i32
      %cond3A_1029 = arith.cmpi ne, %convert_element_type3A_1027, %cond3A_1028 : i32
      scf.if %cond3A_1029 {
        %add3A_1356 = arith.constant 4 : i32
        %add3A_1357 = arith.addi %add3A_876, %add3A_1356 : i32
        %mul3A_1358 = arith.constant 64 : i32
        %mul3A_1359 = arith.muli %add3A_1357, %mul3A_1358 : i32
        %dma_start3A_1360 = tpu.memref_slice %arg6[%mul3A_1359] : memref<10240xi32, #tpu.memory_space<vmem>> -> memref<64xi32, #tpu.memory_space<vmem>>
        %dma_start3A_1361 = arith.constant 0 : i32
        %dma_start3A_1362 = arith.constant 0 : i32
        %dma_start3A_1363 = tpu.memref_slice %arg5[%dma_start3A_1361, %dma_start3A_1362] : memref<10000x128xf32, #tpu.memory_space<vmem_shared>> -> memref<10000x128xf32, #tpu.memory_space<vmem_shared>>
        tpu.enqueue_indirect_dma source(%dma_start3A_1363 : memref<10000x128xf32, #tpu.memory_space<vmem_shared>>) target(%arg8 : memref<64x128xf32, #tpu.memory_space<vmem>>) offsets(%dma_start3A_1360 : memref<64xi32, #tpu.memory_space<vmem>>) semaphore(%arg14 : memref<!tpu.dma_semaphore, #tpu.memory_space<semaphore_mem>>)
      } else {
      }
      %mul3A_1030 = arith.constant 8 : i32
      %mul3A_1031 = arith.muli %scan3A_52, %mul3A_1030 : i32
      %add3A_1032 = arith.constant 4 : i32
      %add3A_1033 = arith.addi %mul3A_1031, %add3A_1032 : i32
      %add3A_1034 = arith.constant 2 : i32
      %add3A_1035 = arith.addi %add3A_1033, %add3A_1034 : i32
      %mul3A_1036 = arith.constant 64 : i32
      %mul3A_1037 = arith.muli %add3A_1035, %mul3A_1036 : i32
      %dma_wait3A_1038 = tpu.memref_slice %arg6[%mul3A_1037] : memref<10240xi32, #tpu.memory_space<vmem>> -> memref<64xi32, #tpu.memory_space<vmem>>
      %dma_wait3A_1039 = arith.constant 0 : i32
      %dma_wait3A_1040 = arith.constant 0 : i32
      %dma_wait3A_1041 = tpu.memref_slice %arg5[%dma_wait3A_1039, %dma_wait3A_1040] : memref<10000x128xf32, #tpu.memory_space<vmem_shared>> -> memref<10000x128xf32, #tpu.memory_space<vmem_shared>>
      tpu.wait_indirect_dma semaphore(%arg15 : memref<!tpu.dma_semaphore, #tpu.memory_space<semaphore_mem>>) src(%dma_wait3A_1041 : memref<10000x128xf32, #tpu.memory_space<vmem_shared>>) dst(%arg9 : memref<64x128xf32, #tpu.memory_space<vmem>>)
      %broadcast_in_dim3A_1042 = arith.constant 0.000000e+00 : f32
      %broadcast_in_dim3A_1043 = vector.broadcast %broadcast_in_dim3A_1042 : f32 to vector<16xf32>
      %broadcast_in_dim3A_1044 = arith.constant 0.000000e+00 : f32
      %broadcast_in_dim3A_1045 = vector.broadcast %broadcast_in_dim3A_1044 : f32 to vector<16xf32>
      %broadcast_in_dim3A_1046 = arith.constant 0.000000e+00 : f32
      %broadcast_in_dim3A_1047 = vector.broadcast %broadcast_in_dim3A_1046 : f32 to vector<16xf32>
      %broadcast_in_dim3A_1048 = arith.constant 0.000000e+00 : f32
      %broadcast_in_dim3A_1049 = vector.broadcast %broadcast_in_dim3A_1048 : f32 to vector<16xf32>
      %broadcast_in_dim3A_1050 = arith.constant 0.000000e+00 : f32
      %broadcast_in_dim3A_1051 = vector.broadcast %broadcast_in_dim3A_1050 : f32 to vector<16xf32>
      %broadcast_in_dim3A_1052 = arith.constant 0.000000e+00 : f32
      %broadcast_in_dim3A_1053 = vector.broadcast %broadcast_in_dim3A_1052 : f32 to vector<16xf32>
      %broadcast_in_dim3A_1054 = arith.constant 0.000000e+00 : f32
      %broadcast_in_dim3A_1055 = vector.broadcast %broadcast_in_dim3A_1054 : f32 to vector<16xf32>
      %broadcast_in_dim3A_1056 = arith.constant 0.000000e+00 : f32
      %broadcast_in_dim3A_1057 = vector.broadcast %broadcast_in_dim3A_1056 : f32 to vector<16xf32>
      %scan3A_1058 = arith.constant 0 : i32
      %scan3A_1059 = arith.constant 32 : i32
      %scan3A_1060 = arith.addi %scan3A_1058, %scan3A_1059 : i32
      %scan3A_1061 = arith.constant 1 : i32
      %scan3A_1062:8 = scf.for %scan3A_1356 = %scan3A_1058 to %scan3A_1060 step %scan3A_1061 iter_args(%scan3A_1357 = %broadcast_in_dim3A_1043, %scan3A_1358 = %broadcast_in_dim3A_1045, %scan3A_1359 = %broadcast_in_dim3A_1047, %scan3A_1360 = %broadcast_in_dim3A_1049, %scan3A_1361 = %broadcast_in_dim3A_1051, %scan3A_1362 = %broadcast_in_dim3A_1053, %scan3A_1363 = %broadcast_in_dim3A_1055, %scan3A_1364 = %broadcast_in_dim3A_1057) -> (vector<16xf32>, vector<16xf32>, vector<16xf32>, vector<16xf32>, vector<16xf32>, vector<16xf32>, vector<16xf32>, vector<16xf32>)  : i32 {
        %add3A_1365 = arith.constant 0 : i32
        %add3A_1366 = arith.addi %add3A_1365, %scan3A_1356 : i32
        %get3A = arith.index_cast %add3A_1366 : i32 to index
        %get3A_1367 = arith.constant 0 : index
        %get3A_1368 = tpu.vector_load %arg9[%get3A, %get3A_1367] {strides = array<i32>} : memref<64x128xf32, #tpu.memory_space<vmem>>, vector<1x16xf32>,
        %get3A_1369 = vector.shape_cast %get3A_1368 : vector<1x16xf32> to vector<16xf32>
        %add3A_1370 = arith.addf %scan3A_1357, %get3A_1369 : vector<16xf32>
        %add3A_1371 = arith.constant 0 : i32
        %add3A_1372 = arith.addi %add3A_1371, %scan3A_1356 : i32
        %get3A_1373 = arith.index_cast %add3A_1372 : i32 to index
        %get3A_1374 = arith.constant 16 : index
        %get3A_1375 = tpu.vector_load %arg9[%get3A_1373, %get3A_1374] {strides = array<i32>} : memref<64x128xf32, #tpu.memory_space<vmem>>, vector<1x16xf32>,
        %get3A_1376 = vector.shape_cast %get3A_1375 : vector<1x16xf32> to vector<16xf32>
        %add3A_1377 = arith.addf %scan3A_1358, %get3A_1376 : vector<16xf32>
        %add3A_1378 = arith.constant 0 : i32
        %add3A_1379 = arith.addi %add3A_1378, %scan3A_1356 : i32
        %get3A_1380 = arith.index_cast %add3A_1379 : i32 to index
        %get3A_1381 = arith.constant 32 : index
        %get3A_1382 = tpu.vector_load %arg9[%get3A_1380, %get3A_1381] {strides = array<i32>} : memref<64x128xf32, #tpu.memory_space<vmem>>, vector<1x16xf32>,
        %get3A_1383 = vector.shape_cast %get3A_1382 : vector<1x16xf32> to vector<16xf32>
        %add3A_1384 = arith.addf %scan3A_1359, %get3A_1383 : vector<16xf32>
        %add3A_1385 = arith.constant 0 : i32
        %add3A_1386 = arith.addi %add3A_1385, %scan3A_1356 : i32
        %get3A_1387 = arith.index_cast %add3A_1386 : i32 to index
        %get3A_1388 = arith.constant 48 : index
        %get3A_1389 = tpu.vector_load %arg9[%get3A_1387, %get3A_1388] {strides = array<i32>} : memref<64x128xf32, #tpu.memory_space<vmem>>, vector<1x16xf32>,
        %get3A_1390 = vector.shape_cast %get3A_1389 : vector<1x16xf32> to vector<16xf32>
        %add3A_1391 = arith.addf %scan3A_1360, %get3A_1390 : vector<16xf32>
        %add3A_1392 = arith.constant 0 : i32
        %add3A_1393 = arith.addi %add3A_1392, %scan3A_1356 : i32
        %get3A_1394 = arith.index_cast %add3A_1393 : i32 to index
        %get3A_1395 = arith.constant 64 : index
        %get3A_1396 = tpu.vector_load %arg9[%get3A_1394, %get3A_1395] {strides = array<i32>} : memref<64x128xf32, #tpu.memory_space<vmem>>, vector<1x16xf32>,
        %get3A_1397 = vector.shape_cast %get3A_1396 : vector<1x16xf32> to vector<16xf32>
        %add3A_1398 = arith.addf %scan3A_1361, %get3A_1397 : vector<16xf32>
        %add3A_1399 = arith.constant 0 : i32
        %add3A_1400 = arith.addi %add3A_1399, %scan3A_1356 : i32
        %get3A_1401 = arith.index_cast %add3A_1400 : i32 to index
        %get3A_1402 = arith.constant 80 : index
        %get3A_1403 = tpu.vector_load %arg9[%get3A_1401, %get3A_1402] {strides = array<i32>} : memref<64x128xf32, #tpu.memory_space<vmem>>, vector<1x16xf32>,
        %get3A_1404 = vector.shape_cast %get3A_1403 : vector<1x16xf32> to vector<16xf32>
        %add3A_1405 = arith.addf %scan3A_1362, %get3A_1404 : vector<16xf32>
        %add3A_1406 = arith.constant 0 : i32
        %add3A_1407 = arith.addi %add3A_1406, %scan3A_1356 : i32
        %get3A_1408 = arith.index_cast %add3A_1407 : i32 to index
        %get3A_1409 = arith.constant 96 : index
        %get3A_1410 = tpu.vector_load %arg9[%get3A_1408, %get3A_1409] {strides = array<i32>} : memref<64x128xf32, #tpu.memory_space<vmem>>, vector<1x16xf32>,
        %get3A_1411 = vector.shape_cast %get3A_1410 : vector<1x16xf32> to vector<16xf32>
        %add3A_1412 = arith.addf %scan3A_1363, %get3A_1411 : vector<16xf32>
        %add3A_1413 = arith.constant 0 : i32
        %add3A_1414 = arith.addi %add3A_1413, %scan3A_1356 : i32
        %get3A_1415 = arith.index_cast %add3A_1414 : i32 to index
        %get3A_1416 = arith.constant 112 : index
        %get3A_1417 = tpu.vector_load %arg9[%get3A_1415, %get3A_1416] {strides = array<i32>} : memref<64x128xf32, #tpu.memory_space<vmem>>, vector<1x16xf32>,
        %get3A_1418 = vector.shape_cast %get3A_1417 : vector<1x16xf32> to vector<16xf32>
        %add3A_1419 = arith.addf %scan3A_1364, %get3A_1418 : vector<16xf32>
        scf.yield %add3A_1370, %add3A_1377, %add3A_1384, %add3A_1391, %add3A_1398, %add3A_1405, %add3A_1412, %add3A_1419 : vector<16xf32>, vector<16xf32>, vector<16xf32>, vector<16xf32>, vector<16xf32>, vector<16xf32>, vector<16xf32>, vector<16xf32>
      }
      %scan3A_1063 = arith.constant 32 : i32
      %swap3A_1064 = arith.constant 4 : i32
      %swap3A_1065 = arith.index_cast %swap3A_1064 : i32 to index
      %swap3A_1066 = arith.constant 0 : index
      %swap3A_1067 = tpu.vector_load %arg12[%swap3A_1065, %swap3A_1066] {strides = array<i32>} : memref<8x128xf32, #tpu.memory_space<vmem>>, vector<1x16xf32>,
      %swap3A_1068 = vector.shape_cast %swap3A_1067 : vector<1x16xf32> to vector<16xf32>
      %swap3A_1069 = vector.shape_cast %scan3A_1062#0 : vector<16xf32> to vector<1x16xf32>
      tpu.vector_store %arg12[%swap3A_1065, %swap3A_1066], %swap3A_1069 {strides = array<i32>} : memref<8x128xf32, #tpu.memory_space<vmem>>, vector<1x16xf32>,
      %swap3A_1070 = arith.constant 4 : i32
      %swap3A_1071 = arith.index_cast %swap3A_1070 : i32 to index
      %swap3A_1072 = arith.constant 16 : index
      %swap3A_1073 = tpu.vector_load %arg12[%swap3A_1071, %swap3A_1072] {strides = array<i32>} : memref<8x128xf32, #tpu.memory_space<vmem>>, vector<1x16xf32>,
      %swap3A_1074 = vector.shape_cast %swap3A_1073 : vector<1x16xf32> to vector<16xf32>
      %swap3A_1075 = vector.shape_cast %scan3A_1062#1 : vector<16xf32> to vector<1x16xf32>
      tpu.vector_store %arg12[%swap3A_1071, %swap3A_1072], %swap3A_1075 {strides = array<i32>} : memref<8x128xf32, #tpu.memory_space<vmem>>, vector<1x16xf32>,
      %swap3A_1076 = arith.constant 4 : i32
      %swap3A_1077 = arith.index_cast %swap3A_1076 : i32 to index
      %swap3A_1078 = arith.constant 32 : index
      %swap3A_1079 = tpu.vector_load %arg12[%swap3A_1077, %swap3A_1078] {strides = array<i32>} : memref<8x128xf32, #tpu.memory_space<vmem>>, vector<1x16xf32>,
      %swap3A_1080 = vector.shape_cast %swap3A_1079 : vector<1x16xf32> to vector<16xf32>
      %swap3A_1081 = vector.shape_cast %scan3A_1062#2 : vector<16xf32> to vector<1x16xf32>
      tpu.vector_store %arg12[%swap3A_1077, %swap3A_1078], %swap3A_1081 {strides = array<i32>} : memref<8x128xf32, #tpu.memory_space<vmem>>, vector<1x16xf32>,
      %swap3A_1082 = arith.constant 4 : i32
      %swap3A_1083 = arith.index_cast %swap3A_1082 : i32 to index
      %swap3A_1084 = arith.constant 48 : index
      %swap3A_1085 = tpu.vector_load %arg12[%swap3A_1083, %swap3A_1084] {strides = array<i32>} : memref<8x128xf32, #tpu.memory_space<vmem>>, vector<1x16xf32>,
      %swap3A_1086 = vector.shape_cast %swap3A_1085 : vector<1x16xf32> to vector<16xf32>
      %swap3A_1087 = vector.shape_cast %scan3A_1062#3 : vector<16xf32> to vector<1x16xf32>
      tpu.vector_store %arg12[%swap3A_1083, %swap3A_1084], %swap3A_1087 {strides = array<i32>} : memref<8x128xf32, #tpu.memory_space<vmem>>, vector<1x16xf32>,
      %swap3A_1088 = arith.constant 4 : i32
      %swap3A_1089 = arith.index_cast %swap3A_1088 : i32 to index
      %swap3A_1090 = arith.constant 64 : index
      %swap3A_1091 = tpu.vector_load %arg12[%swap3A_1089, %swap3A_1090] {strides = array<i32>} : memref<8x128xf32, #tpu.memory_space<vmem>>, vector<1x16xf32>,
      %swap3A_1092 = vector.shape_cast %swap3A_1091 : vector<1x16xf32> to vector<16xf32>
      %swap3A_1093 = vector.shape_cast %scan3A_1062#4 : vector<16xf32> to vector<1x16xf32>
      tpu.vector_store %arg12[%swap3A_1089, %swap3A_1090], %swap3A_1093 {strides = array<i32>} : memref<8x128xf32, #tpu.memory_space<vmem>>, vector<1x16xf32>,
      %swap3A_1094 = arith.constant 4 : i32
      %swap3A_1095 = arith.index_cast %swap3A_1094 : i32 to index
      %swap3A_1096 = arith.constant 80 : index
      %swap3A_1097 = tpu.vector_load %arg12[%swap3A_1095, %swap3A_1096] {strides = array<i32>} : memref<8x128xf32, #tpu.memory_space<vmem>>, vector<1x16xf32>,
      %swap3A_1098 = vector.shape_cast %swap3A_1097 : vector<1x16xf32> to vector<16xf32>
      %swap3A_1099 = vector.shape_cast %scan3A_1062#5 : vector<16xf32> to vector<1x16xf32>
      tpu.vector_store %arg12[%swap3A_1095, %swap3A_1096], %swap3A_1099 {strides = array<i32>} : memref<8x128xf32, #tpu.memory_space<vmem>>, vector<1x16xf32>,
      %swap3A_1100 = arith.constant 4 : i32
      %swap3A_1101 = arith.index_cast %swap3A_1100 : i32 to index
      %swap3A_1102 = arith.constant 96 : index
      %swap3A_1103 = tpu.vector_load %arg12[%swap3A_1101, %swap3A_1102] {strides = array<i32>} : memref<8x128xf32, #tpu.memory_space<vmem>>, vector<1x16xf32>,
      %swap3A_1104 = vector.shape_cast %swap3A_1103 : vector<1x16xf32> to vector<16xf32>
      %swap3A_1105 = vector.shape_cast %scan3A_1062#6 : vector<16xf32> to vector<1x16xf32>
      tpu.vector_store %arg12[%swap3A_1101, %swap3A_1102], %swap3A_1105 {strides = array<i32>} : memref<8x128xf32, #tpu.memory_space<vmem>>, vector<1x16xf32>,
      %swap3A_1106 = arith.constant 4 : i32
      %swap3A_1107 = arith.index_cast %swap3A_1106 : i32 to index
      %swap3A_1108 = arith.constant 112 : index
      %swap3A_1109 = tpu.vector_load %arg12[%swap3A_1107, %swap3A_1108] {strides = array<i32>} : memref<8x128xf32, #tpu.memory_space<vmem>>, vector<1x16xf32>,
      %swap3A_1110 = vector.shape_cast %swap3A_1109 : vector<1x16xf32> to vector<16xf32>
      %swap3A_1111 = vector.shape_cast %scan3A_1062#7 : vector<16xf32> to vector<1x16xf32>
      tpu.vector_store %arg12[%swap3A_1107, %swap3A_1108], %swap3A_1111 {strides = array<i32>} : memref<8x128xf32, #tpu.memory_space<vmem>>, vector<1x16xf32>,
      %broadcast_in_dim3A_1112 = arith.constant 0.000000e+00 : f32
      %broadcast_in_dim3A_1113 = vector.broadcast %broadcast_in_dim3A_1112 : f32 to vector<16xf32>
      %broadcast_in_dim3A_1114 = arith.constant 0.000000e+00 : f32
      %broadcast_in_dim3A_1115 = vector.broadcast %broadcast_in_dim3A_1114 : f32 to vector<16xf32>
      %broadcast_in_dim3A_1116 = arith.constant 0.000000e+00 : f32
      %broadcast_in_dim3A_1117 = vector.broadcast %broadcast_in_dim3A_1116 : f32 to vector<16xf32>
      %broadcast_in_dim3A_1118 = arith.constant 0.000000e+00 : f32
      %broadcast_in_dim3A_1119 = vector.broadcast %broadcast_in_dim3A_1118 : f32 to vector<16xf32>
      %broadcast_in_dim3A_1120 = arith.constant 0.000000e+00 : f32
      %broadcast_in_dim3A_1121 = vector.broadcast %broadcast_in_dim3A_1120 : f32 to vector<16xf32>
      %broadcast_in_dim3A_1122 = arith.constant 0.000000e+00 : f32
      %broadcast_in_dim3A_1123 = vector.broadcast %broadcast_in_dim3A_1122 : f32 to vector<16xf32>
      %broadcast_in_dim3A_1124 = arith.constant 0.000000e+00 : f32
      %broadcast_in_dim3A_1125 = vector.broadcast %broadcast_in_dim3A_1124 : f32 to vector<16xf32>
      %broadcast_in_dim3A_1126 = arith.constant 0.000000e+00 : f32
      %broadcast_in_dim3A_1127 = vector.broadcast %broadcast_in_dim3A_1126 : f32 to vector<16xf32>
      %scan3A_1128 = arith.constant 0 : i32
      %scan3A_1129 = arith.constant 32 : i32
      %scan3A_1130 = arith.addi %scan3A_1128, %scan3A_1129 : i32
      %scan3A_1131 = arith.constant 1 : i32
      %scan3A_1132:8 = scf.for %scan3A_1356 = %scan3A_1128 to %scan3A_1130 step %scan3A_1131 iter_args(%scan3A_1357 = %broadcast_in_dim3A_1113, %scan3A_1358 = %broadcast_in_dim3A_1115, %scan3A_1359 = %broadcast_in_dim3A_1117, %scan3A_1360 = %broadcast_in_dim3A_1119, %scan3A_1361 = %broadcast_in_dim3A_1121, %scan3A_1362 = %broadcast_in_dim3A_1123, %scan3A_1363 = %broadcast_in_dim3A_1125, %scan3A_1364 = %broadcast_in_dim3A_1127) -> (vector<16xf32>, vector<16xf32>, vector<16xf32>, vector<16xf32>, vector<16xf32>, vector<16xf32>, vector<16xf32>, vector<16xf32>)  : i32 {
        %add3A_1365 = arith.constant 32 : i32
        %add3A_1366 = arith.addi %add3A_1365, %scan3A_1356 : i32
        %get3A = arith.index_cast %add3A_1366 : i32 to index
        %get3A_1367 = arith.constant 0 : index
        %get3A_1368 = tpu.vector_load %arg9[%get3A, %get3A_1367] {strides = array<i32>} : memref<64x128xf32, #tpu.memory_space<vmem>>, vector<1x16xf32>,
        %get3A_1369 = vector.shape_cast %get3A_1368 : vector<1x16xf32> to vector<16xf32>
        %add3A_1370 = arith.addf %scan3A_1357, %get3A_1369 : vector<16xf32>
        %add3A_1371 = arith.constant 32 : i32
        %add3A_1372 = arith.addi %add3A_1371, %scan3A_1356 : i32
        %get3A_1373 = arith.index_cast %add3A_1372 : i32 to index
        %get3A_1374 = arith.constant 16 : index
        %get3A_1375 = tpu.vector_load %arg9[%get3A_1373, %get3A_1374] {strides = array<i32>} : memref<64x128xf32, #tpu.memory_space<vmem>>, vector<1x16xf32>,
        %get3A_1376 = vector.shape_cast %get3A_1375 : vector<1x16xf32> to vector<16xf32>
        %add3A_1377 = arith.addf %scan3A_1358, %get3A_1376 : vector<16xf32>
        %add3A_1378 = arith.constant 32 : i32
        %add3A_1379 = arith.addi %add3A_1378, %scan3A_1356 : i32
        %get3A_1380 = arith.index_cast %add3A_1379 : i32 to index
        %get3A_1381 = arith.constant 32 : index
        %get3A_1382 = tpu.vector_load %arg9[%get3A_1380, %get3A_1381] {strides = array<i32>} : memref<64x128xf32, #tpu.memory_space<vmem>>, vector<1x16xf32>,
        %get3A_1383 = vector.shape_cast %get3A_1382 : vector<1x16xf32> to vector<16xf32>
        %add3A_1384 = arith.addf %scan3A_1359, %get3A_1383 : vector<16xf32>
        %add3A_1385 = arith.constant 32 : i32
        %add3A_1386 = arith.addi %add3A_1385, %scan3A_1356 : i32
        %get3A_1387 = arith.index_cast %add3A_1386 : i32 to index
        %get3A_1388 = arith.constant 48 : index
        %get3A_1389 = tpu.vector_load %arg9[%get3A_1387, %get3A_1388] {strides = array<i32>} : memref<64x128xf32, #tpu.memory_space<vmem>>, vector<1x16xf32>,
        %get3A_1390 = vector.shape_cast %get3A_1389 : vector<1x16xf32> to vector<16xf32>
        %add3A_1391 = arith.addf %scan3A_1360, %get3A_1390 : vector<16xf32>
        %add3A_1392 = arith.constant 32 : i32
        %add3A_1393 = arith.addi %add3A_1392, %scan3A_1356 : i32
        %get3A_1394 = arith.index_cast %add3A_1393 : i32 to index
        %get3A_1395 = arith.constant 64 : index
        %get3A_1396 = tpu.vector_load %arg9[%get3A_1394, %get3A_1395] {strides = array<i32>} : memref<64x128xf32, #tpu.memory_space<vmem>>, vector<1x16xf32>,
        %get3A_1397 = vector.shape_cast %get3A_1396 : vector<1x16xf32> to vector<16xf32>
        %add3A_1398 = arith.addf %scan3A_1361, %get3A_1397 : vector<16xf32>
        %add3A_1399 = arith.constant 32 : i32
        %add3A_1400 = arith.addi %add3A_1399, %scan3A_1356 : i32
        %get3A_1401 = arith.index_cast %add3A_1400 : i32 to index
        %get3A_1402 = arith.constant 80 : index
        %get3A_1403 = tpu.vector_load %arg9[%get3A_1401, %get3A_1402] {strides = array<i32>} : memref<64x128xf32, #tpu.memory_space<vmem>>, vector<1x16xf32>,
        %get3A_1404 = vector.shape_cast %get3A_1403 : vector<1x16xf32> to vector<16xf32>
        %add3A_1405 = arith.addf %scan3A_1362, %get3A_1404 : vector<16xf32>
        %add3A_1406 = arith.constant 32 : i32
        %add3A_1407 = arith.addi %add3A_1406, %scan3A_1356 : i32
        %get3A_1408 = arith.index_cast %add3A_1407 : i32 to index
        %get3A_1409 = arith.constant 96 : index
        %get3A_1410 = tpu.vector_load %arg9[%get3A_1408, %get3A_1409] {strides = array<i32>} : memref<64x128xf32, #tpu.memory_space<vmem>>, vector<1x16xf32>,
        %get3A_1411 = vector.shape_cast %get3A_1410 : vector<1x16xf32> to vector<16xf32>
        %add3A_1412 = arith.addf %scan3A_1363, %get3A_1411 : vector<16xf32>
        %add3A_1413 = arith.constant 32 : i32
        %add3A_1414 = arith.addi %add3A_1413, %scan3A_1356 : i32
        %get3A_1415 = arith.index_cast %add3A_1414 : i32 to index
        %get3A_1416 = arith.constant 112 : index
        %get3A_1417 = tpu.vector_load %arg9[%get3A_1415, %get3A_1416] {strides = array<i32>} : memref<64x128xf32, #tpu.memory_space<vmem>>, vector<1x16xf32>,
        %get3A_1418 = vector.shape_cast %get3A_1417 : vector<1x16xf32> to vector<16xf32>
        %add3A_1419 = arith.addf %scan3A_1364, %get3A_1418 : vector<16xf32>
        scf.yield %add3A_1370, %add3A_1377, %add3A_1384, %add3A_1391, %add3A_1398, %add3A_1405, %add3A_1412, %add3A_1419 : vector<16xf32>, vector<16xf32>, vector<16xf32>, vector<16xf32>, vector<16xf32>, vector<16xf32>, vector<16xf32>, vector<16xf32>
      }
      %scan3A_1133 = arith.constant 32 : i32
      %swap3A_1134 = arith.constant 5 : i32
      %swap3A_1135 = arith.index_cast %swap3A_1134 : i32 to index
      %swap3A_1136 = arith.constant 0 : index
      %swap3A_1137 = tpu.vector_load %arg12[%swap3A_1135, %swap3A_1136] {strides = array<i32>} : memref<8x128xf32, #tpu.memory_space<vmem>>, vector<1x16xf32>,
      %swap3A_1138 = vector.shape_cast %swap3A_1137 : vector<1x16xf32> to vector<16xf32>
      %swap3A_1139 = vector.shape_cast %scan3A_1132#0 : vector<16xf32> to vector<1x16xf32>
      tpu.vector_store %arg12[%swap3A_1135, %swap3A_1136], %swap3A_1139 {strides = array<i32>} : memref<8x128xf32, #tpu.memory_space<vmem>>, vector<1x16xf32>,
      %swap3A_1140 = arith.constant 5 : i32
      %swap3A_1141 = arith.index_cast %swap3A_1140 : i32 to index
      %swap3A_1142 = arith.constant 16 : index
      %swap3A_1143 = tpu.vector_load %arg12[%swap3A_1141, %swap3A_1142] {strides = array<i32>} : memref<8x128xf32, #tpu.memory_space<vmem>>, vector<1x16xf32>,
      %swap3A_1144 = vector.shape_cast %swap3A_1143 : vector<1x16xf32> to vector<16xf32>
      %swap3A_1145 = vector.shape_cast %scan3A_1132#1 : vector<16xf32> to vector<1x16xf32>
      tpu.vector_store %arg12[%swap3A_1141, %swap3A_1142], %swap3A_1145 {strides = array<i32>} : memref<8x128xf32, #tpu.memory_space<vmem>>, vector<1x16xf32>,
      %swap3A_1146 = arith.constant 5 : i32
      %swap3A_1147 = arith.index_cast %swap3A_1146 : i32 to index
      %swap3A_1148 = arith.constant 32 : index
      %swap3A_1149 = tpu.vector_load %arg12[%swap3A_1147, %swap3A_1148] {strides = array<i32>} : memref<8x128xf32, #tpu.memory_space<vmem>>, vector<1x16xf32>,
      %swap3A_1150 = vector.shape_cast %swap3A_1149 : vector<1x16xf32> to vector<16xf32>
      %swap3A_1151 = vector.shape_cast %scan3A_1132#2 : vector<16xf32> to vector<1x16xf32>
      tpu.vector_store %arg12[%swap3A_1147, %swap3A_1148], %swap3A_1151 {strides = array<i32>} : memref<8x128xf32, #tpu.memory_space<vmem>>, vector<1x16xf32>,
      %swap3A_1152 = arith.constant 5 : i32
      %swap3A_1153 = arith.index_cast %swap3A_1152 : i32 to index
      %swap3A_1154 = arith.constant 48 : index
      %swap3A_1155 = tpu.vector_load %arg12[%swap3A_1153, %swap3A_1154] {strides = array<i32>} : memref<8x128xf32, #tpu.memory_space<vmem>>, vector<1x16xf32>,
      %swap3A_1156 = vector.shape_cast %swap3A_1155 : vector<1x16xf32> to vector<16xf32>
      %swap3A_1157 = vector.shape_cast %scan3A_1132#3 : vector<16xf32> to vector<1x16xf32>
      tpu.vector_store %arg12[%swap3A_1153, %swap3A_1154], %swap3A_1157 {strides = array<i32>} : memref<8x128xf32, #tpu.memory_space<vmem>>, vector<1x16xf32>,
      %swap3A_1158 = arith.constant 5 : i32
      %swap3A_1159 = arith.index_cast %swap3A_1158 : i32 to index
      %swap3A_1160 = arith.constant 64 : index
      %swap3A_1161 = tpu.vector_load %arg12[%swap3A_1159, %swap3A_1160] {strides = array<i32>} : memref<8x128xf32, #tpu.memory_space<vmem>>, vector<1x16xf32>,
      %swap3A_1162 = vector.shape_cast %swap3A_1161 : vector<1x16xf32> to vector<16xf32>
      %swap3A_1163 = vector.shape_cast %scan3A_1132#4 : vector<16xf32> to vector<1x16xf32>
      tpu.vector_store %arg12[%swap3A_1159, %swap3A_1160], %swap3A_1163 {strides = array<i32>} : memref<8x128xf32, #tpu.memory_space<vmem>>, vector<1x16xf32>,
      %swap3A_1164 = arith.constant 5 : i32
      %swap3A_1165 = arith.index_cast %swap3A_1164 : i32 to index
      %swap3A_1166 = arith.constant 80 : index
      %swap3A_1167 = tpu.vector_load %arg12[%swap3A_1165, %swap3A_1166] {strides = array<i32>} : memref<8x128xf32, #tpu.memory_space<vmem>>, vector<1x16xf32>,
      %swap3A_1168 = vector.shape_cast %swap3A_1167 : vector<1x16xf32> to vector<16xf32>
      %swap3A_1169 = vector.shape_cast %scan3A_1132#5 : vector<16xf32> to vector<1x16xf32>
      tpu.vector_store %arg12[%swap3A_1165, %swap3A_1166], %swap3A_1169 {strides = array<i32>} : memref<8x128xf32, #tpu.memory_space<vmem>>, vector<1x16xf32>,
      %swap3A_1170 = arith.constant 5 : i32
      %swap3A_1171 = arith.index_cast %swap3A_1170 : i32 to index
      %swap3A_1172 = arith.constant 96 : index
      %swap3A_1173 = tpu.vector_load %arg12[%swap3A_1171, %swap3A_1172] {strides = array<i32>} : memref<8x128xf32, #tpu.memory_space<vmem>>, vector<1x16xf32>,
      %swap3A_1174 = vector.shape_cast %swap3A_1173 : vector<1x16xf32> to vector<16xf32>
      %swap3A_1175 = vector.shape_cast %scan3A_1132#6 : vector<16xf32> to vector<1x16xf32>
      tpu.vector_store %arg12[%swap3A_1171, %swap3A_1172], %swap3A_1175 {strides = array<i32>} : memref<8x128xf32, #tpu.memory_space<vmem>>, vector<1x16xf32>,
      %swap3A_1176 = arith.constant 5 : i32
      %swap3A_1177 = arith.index_cast %swap3A_1176 : i32 to index
      %swap3A_1178 = arith.constant 112 : index
      %swap3A_1179 = tpu.vector_load %arg12[%swap3A_1177, %swap3A_1178] {strides = array<i32>} : memref<8x128xf32, #tpu.memory_space<vmem>>, vector<1x16xf32>,
      %swap3A_1180 = vector.shape_cast %swap3A_1179 : vector<1x16xf32> to vector<16xf32>
      %swap3A_1181 = vector.shape_cast %scan3A_1132#7 : vector<16xf32> to vector<1x16xf32>
      tpu.vector_store %arg12[%swap3A_1177, %swap3A_1178], %swap3A_1181 {strides = array<i32>} : memref<8x128xf32, #tpu.memory_space<vmem>>, vector<1x16xf32>,
      %add3A_1182 = arith.constant 4 : i32
      %add3A_1183 = arith.addi %add3A_1035, %add3A_1182 : i32
      %lt3A_1184 = arith.constant 160 : i32
      %lt3A_1185 = arith.cmpi slt, %add3A_1183, %lt3A_1184 : i32
      %convert_element_type3A_1186 = arith.extui %lt3A_1185 : i1 to i32
      %cond3A_1187 = arith.constant 0 : i32
      %cond3A_1188 = arith.cmpi ne, %convert_element_type3A_1186, %cond3A_1187 : i32
      scf.if %cond3A_1188 {
        %add3A_1356 = arith.constant 4 : i32
        %add3A_1357 = arith.addi %add3A_1035, %add3A_1356 : i32
        %mul3A_1358 = arith.constant 64 : i32
        %mul3A_1359 = arith.muli %add3A_1357, %mul3A_1358 : i32
        %dma_start3A_1360 = tpu.memref_slice %arg6[%mul3A_1359] : memref<10240xi32, #tpu.memory_space<vmem>> -> memref<64xi32, #tpu.memory_space<vmem>>
        %dma_start3A_1361 = arith.constant 0 : i32
        %dma_start3A_1362 = arith.constant 0 : i32
        %dma_start3A_1363 = tpu.memref_slice %arg5[%dma_start3A_1361, %dma_start3A_1362] : memref<10000x128xf32, #tpu.memory_space<vmem_shared>> -> memref<10000x128xf32, #tpu.memory_space<vmem_shared>>
        tpu.enqueue_indirect_dma source(%dma_start3A_1363 : memref<10000x128xf32, #tpu.memory_space<vmem_shared>>) target(%arg9 : memref<64x128xf32, #tpu.memory_space<vmem>>) offsets(%dma_start3A_1360 : memref<64xi32, #tpu.memory_space<vmem>>) semaphore(%arg15 : memref<!tpu.dma_semaphore, #tpu.memory_space<semaphore_mem>>)
      } else {
      }
      %mul3A_1189 = arith.constant 8 : i32
      %mul3A_1190 = arith.muli %scan3A_52, %mul3A_1189 : i32
      %add3A_1191 = arith.constant 4 : i32
      %add3A_1192 = arith.addi %mul3A_1190, %add3A_1191 : i32
      %add3A_1193 = arith.constant 3 : i32
      %add3A_1194 = arith.addi %add3A_1192, %add3A_1193 : i32
      %mul3A_1195 = arith.constant 64 : i32
      %mul3A_1196 = arith.muli %add3A_1194, %mul3A_1195 : i32
      %dma_wait3A_1197 = tpu.memref_slice %arg6[%mul3A_1196] : memref<10240xi32, #tpu.memory_space<vmem>> -> memref<64xi32, #tpu.memory_space<vmem>>
      %dma_wait3A_1198 = arith.constant 0 : i32
      %dma_wait3A_1199 = arith.constant 0 : i32
      %dma_wait3A_1200 = tpu.memref_slice %arg5[%dma_wait3A_1198, %dma_wait3A_1199] : memref<10000x128xf32, #tpu.memory_space<vmem_shared>> -> memref<10000x128xf32, #tpu.memory_space<vmem_shared>>
      tpu.wait_indirect_dma semaphore(%arg16 : memref<!tpu.dma_semaphore, #tpu.memory_space<semaphore_mem>>) src(%dma_wait3A_1200 : memref<10000x128xf32, #tpu.memory_space<vmem_shared>>) dst(%arg10 : memref<64x128xf32, #tpu.memory_space<vmem>>)
      %broadcast_in_dim3A_1201 = arith.constant 0.000000e+00 : f32
      %broadcast_in_dim3A_1202 = vector.broadcast %broadcast_in_dim3A_1201 : f32 to vector<16xf32>
      %broadcast_in_dim3A_1203 = arith.constant 0.000000e+00 : f32
      %broadcast_in_dim3A_1204 = vector.broadcast %broadcast_in_dim3A_1203 : f32 to vector<16xf32>
      %broadcast_in_dim3A_1205 = arith.constant 0.000000e+00 : f32
      %broadcast_in_dim3A_1206 = vector.broadcast %broadcast_in_dim3A_1205 : f32 to vector<16xf32>
      %broadcast_in_dim3A_1207 = arith.constant 0.000000e+00 : f32
      %broadcast_in_dim3A_1208 = vector.broadcast %broadcast_in_dim3A_1207 : f32 to vector<16xf32>
      %broadcast_in_dim3A_1209 = arith.constant 0.000000e+00 : f32
      %broadcast_in_dim3A_1210 = vector.broadcast %broadcast_in_dim3A_1209 : f32 to vector<16xf32>
      %broadcast_in_dim3A_1211 = arith.constant 0.000000e+00 : f32
      %broadcast_in_dim3A_1212 = vector.broadcast %broadcast_in_dim3A_1211 : f32 to vector<16xf32>
      %broadcast_in_dim3A_1213 = arith.constant 0.000000e+00 : f32
      %broadcast_in_dim3A_1214 = vector.broadcast %broadcast_in_dim3A_1213 : f32 to vector<16xf32>
      %broadcast_in_dim3A_1215 = arith.constant 0.000000e+00 : f32
      %broadcast_in_dim3A_1216 = vector.broadcast %broadcast_in_dim3A_1215 : f32 to vector<16xf32>
      %scan3A_1217 = arith.constant 0 : i32
      %scan3A_1218 = arith.constant 32 : i32
      %scan3A_1219 = arith.addi %scan3A_1217, %scan3A_1218 : i32
      %scan3A_1220 = arith.constant 1 : i32
      %scan3A_1221:8 = scf.for %scan3A_1356 = %scan3A_1217 to %scan3A_1219 step %scan3A_1220 iter_args(%scan3A_1357 = %broadcast_in_dim3A_1202, %scan3A_1358 = %broadcast_in_dim3A_1204, %scan3A_1359 = %broadcast_in_dim3A_1206, %scan3A_1360 = %broadcast_in_dim3A_1208, %scan3A_1361 = %broadcast_in_dim3A_1210, %scan3A_1362 = %broadcast_in_dim3A_1212, %scan3A_1363 = %broadcast_in_dim3A_1214, %scan3A_1364 = %broadcast_in_dim3A_1216) -> (vector<16xf32>, vector<16xf32>, vector<16xf32>, vector<16xf32>, vector<16xf32>, vector<16xf32>, vector<16xf32>, vector<16xf32>)  : i32 {
        %add3A_1365 = arith.constant 0 : i32
        %add3A_1366 = arith.addi %add3A_1365, %scan3A_1356 : i32
        %get3A = arith.index_cast %add3A_1366 : i32 to index
        %get3A_1367 = arith.constant 0 : index
        %get3A_1368 = tpu.vector_load %arg10[%get3A, %get3A_1367] {strides = array<i32>} : memref<64x128xf32, #tpu.memory_space<vmem>>, vector<1x16xf32>,
        %get3A_1369 = vector.shape_cast %get3A_1368 : vector<1x16xf32> to vector<16xf32>
        %add3A_1370 = arith.addf %scan3A_1357, %get3A_1369 : vector<16xf32>
        %add3A_1371 = arith.constant 0 : i32
        %add3A_1372 = arith.addi %add3A_1371, %scan3A_1356 : i32
        %get3A_1373 = arith.index_cast %add3A_1372 : i32 to index
        %get3A_1374 = arith.constant 16 : index
        %get3A_1375 = tpu.vector_load %arg10[%get3A_1373, %get3A_1374] {strides = array<i32>} : memref<64x128xf32, #tpu.memory_space<vmem>>, vector<1x16xf32>,
        %get3A_1376 = vector.shape_cast %get3A_1375 : vector<1x16xf32> to vector<16xf32>
        %add3A_1377 = arith.addf %scan3A_1358, %get3A_1376 : vector<16xf32>
        %add3A_1378 = arith.constant 0 : i32
        %add3A_1379 = arith.addi %add3A_1378, %scan3A_1356 : i32
        %get3A_1380 = arith.index_cast %add3A_1379 : i32 to index
        %get3A_1381 = arith.constant 32 : index
        %get3A_1382 = tpu.vector_load %arg10[%get3A_1380, %get3A_1381] {strides = array<i32>} : memref<64x128xf32, #tpu.memory_space<vmem>>, vector<1x16xf32>,
        %get3A_1383 = vector.shape_cast %get3A_1382 : vector<1x16xf32> to vector<16xf32>
        %add3A_1384 = arith.addf %scan3A_1359, %get3A_1383 : vector<16xf32>
        %add3A_1385 = arith.constant 0 : i32
        %add3A_1386 = arith.addi %add3A_1385, %scan3A_1356 : i32
        %get3A_1387 = arith.index_cast %add3A_1386 : i32 to index
        %get3A_1388 = arith.constant 48 : index
        %get3A_1389 = tpu.vector_load %arg10[%get3A_1387, %get3A_1388] {strides = array<i32>} : memref<64x128xf32, #tpu.memory_space<vmem>>, vector<1x16xf32>,
        %get3A_1390 = vector.shape_cast %get3A_1389 : vector<1x16xf32> to vector<16xf32>
        %add3A_1391 = arith.addf %scan3A_1360, %get3A_1390 : vector<16xf32>
        %add3A_1392 = arith.constant 0 : i32
        %add3A_1393 = arith.addi %add3A_1392, %scan3A_1356 : i32
        %get3A_1394 = arith.index_cast %add3A_1393 : i32 to index
        %get3A_1395 = arith.constant 64 : index
        %get3A_1396 = tpu.vector_load %arg10[%get3A_1394, %get3A_1395] {strides = array<i32>} : memref<64x128xf32, #tpu.memory_space<vmem>>, vector<1x16xf32>,
        %get3A_1397 = vector.shape_cast %get3A_1396 : vector<1x16xf32> to vector<16xf32>
        %add3A_1398 = arith.addf %scan3A_1361, %get3A_1397 : vector<16xf32>
        %add3A_1399 = arith.constant 0 : i32
        %add3A_1400 = arith.addi %add3A_1399, %scan3A_1356 : i32
        %get3A_1401 = arith.index_cast %add3A_1400 : i32 to index
        %get3A_1402 = arith.constant 80 : index
        %get3A_1403 = tpu.vector_load %arg10[%get3A_1401, %get3A_1402] {strides = array<i32>} : memref<64x128xf32, #tpu.memory_space<vmem>>, vector<1x16xf32>,
        %get3A_1404 = vector.shape_cast %get3A_1403 : vector<1x16xf32> to vector<16xf32>
        %add3A_1405 = arith.addf %scan3A_1362, %get3A_1404 : vector<16xf32>
        %add3A_1406 = arith.constant 0 : i32
        %add3A_1407 = arith.addi %add3A_1406, %scan3A_1356 : i32
        %get3A_1408 = arith.index_cast %add3A_1407 : i32 to index
        %get3A_1409 = arith.constant 96 : index
        %get3A_1410 = tpu.vector_load %arg10[%get3A_1408, %get3A_1409] {strides = array<i32>} : memref<64x128xf32, #tpu.memory_space<vmem>>, vector<1x16xf32>,
        %get3A_1411 = vector.shape_cast %get3A_1410 : vector<1x16xf32> to vector<16xf32>
        %add3A_1412 = arith.addf %scan3A_1363, %get3A_1411 : vector<16xf32>
        %add3A_1413 = arith.constant 0 : i32
        %add3A_1414 = arith.addi %add3A_1413, %scan3A_1356 : i32
        %get3A_1415 = arith.index_cast %add3A_1414 : i32 to index
        %get3A_1416 = arith.constant 112 : index
        %get3A_1417 = tpu.vector_load %arg10[%get3A_1415, %get3A_1416] {strides = array<i32>} : memref<64x128xf32, #tpu.memory_space<vmem>>, vector<1x16xf32>,
        %get3A_1418 = vector.shape_cast %get3A_1417 : vector<1x16xf32> to vector<16xf32>
        %add3A_1419 = arith.addf %scan3A_1364, %get3A_1418 : vector<16xf32>
        scf.yield %add3A_1370, %add3A_1377, %add3A_1384, %add3A_1391, %add3A_1398, %add3A_1405, %add3A_1412, %add3A_1419 : vector<16xf32>, vector<16xf32>, vector<16xf32>, vector<16xf32>, vector<16xf32>, vector<16xf32>, vector<16xf32>, vector<16xf32>
      }
      %scan3A_1222 = arith.constant 32 : i32
      %swap3A_1223 = arith.constant 6 : i32
      %swap3A_1224 = arith.index_cast %swap3A_1223 : i32 to index
      %swap3A_1225 = arith.constant 0 : index
      %swap3A_1226 = tpu.vector_load %arg12[%swap3A_1224, %swap3A_1225] {strides = array<i32>} : memref<8x128xf32, #tpu.memory_space<vmem>>, vector<1x16xf32>,
      %swap3A_1227 = vector.shape_cast %swap3A_1226 : vector<1x16xf32> to vector<16xf32>
      %swap3A_1228 = vector.shape_cast %scan3A_1221#0 : vector<16xf32> to vector<1x16xf32>
      tpu.vector_store %arg12[%swap3A_1224, %swap3A_1225], %swap3A_1228 {strides = array<i32>} : memref<8x128xf32, #tpu.memory_space<vmem>>, vector<1x16xf32>,
      %swap3A_1229 = arith.constant 6 : i32
      %swap3A_1230 = arith.index_cast %swap3A_1229 : i32 to index
      %swap3A_1231 = arith.constant 16 : index
      %swap3A_1232 = tpu.vector_load %arg12[%swap3A_1230, %swap3A_1231] {strides = array<i32>} : memref<8x128xf32, #tpu.memory_space<vmem>>, vector<1x16xf32>,
      %swap3A_1233 = vector.shape_cast %swap3A_1232 : vector<1x16xf32> to vector<16xf32>
      %swap3A_1234 = vector.shape_cast %scan3A_1221#1 : vector<16xf32> to vector<1x16xf32>
      tpu.vector_store %arg12[%swap3A_1230, %swap3A_1231], %swap3A_1234 {strides = array<i32>} : memref<8x128xf32, #tpu.memory_space<vmem>>, vector<1x16xf32>,
      %swap3A_1235 = arith.constant 6 : i32
      %swap3A_1236 = arith.index_cast %swap3A_1235 : i32 to index
      %swap3A_1237 = arith.constant 32 : index
      %swap3A_1238 = tpu.vector_load %arg12[%swap3A_1236, %swap3A_1237] {strides = array<i32>} : memref<8x128xf32, #tpu.memory_space<vmem>>, vector<1x16xf32>,
      %swap3A_1239 = vector.shape_cast %swap3A_1238 : vector<1x16xf32> to vector<16xf32>
      %swap3A_1240 = vector.shape_cast %scan3A_1221#2 : vector<16xf32> to vector<1x16xf32>
      tpu.vector_store %arg12[%swap3A_1236, %swap3A_1237], %swap3A_1240 {strides = array<i32>} : memref<8x128xf32, #tpu.memory_space<vmem>>, vector<1x16xf32>,
      %swap3A_1241 = arith.constant 6 : i32
      %swap3A_1242 = arith.index_cast %swap3A_1241 : i32 to index
      %swap3A_1243 = arith.constant 48 : index
      %swap3A_1244 = tpu.vector_load %arg12[%swap3A_1242, %swap3A_1243] {strides = array<i32>} : memref<8x128xf32, #tpu.memory_space<vmem>>, vector<1x16xf32>,
      %swap3A_1245 = vector.shape_cast %swap3A_1244 : vector<1x16xf32> to vector<16xf32>
      %swap3A_1246 = vector.shape_cast %scan3A_1221#3 : vector<16xf32> to vector<1x16xf32>
      tpu.vector_store %arg12[%swap3A_1242, %swap3A_1243], %swap3A_1246 {strides = array<i32>} : memref<8x128xf32, #tpu.memory_space<vmem>>, vector<1x16xf32>,
      %swap3A_1247 = arith.constant 6 : i32
      %swap3A_1248 = arith.index_cast %swap3A_1247 : i32 to index
      %swap3A_1249 = arith.constant 64 : index
      %swap3A_1250 = tpu.vector_load %arg12[%swap3A_1248, %swap3A_1249] {strides = array<i32>} : memref<8x128xf32, #tpu.memory_space<vmem>>, vector<1x16xf32>,
      %swap3A_1251 = vector.shape_cast %swap3A_1250 : vector<1x16xf32> to vector<16xf32>
      %swap3A_1252 = vector.shape_cast %scan3A_1221#4 : vector<16xf32> to vector<1x16xf32>
      tpu.vector_store %arg12[%swap3A_1248, %swap3A_1249], %swap3A_1252 {strides = array<i32>} : memref<8x128xf32, #tpu.memory_space<vmem>>, vector<1x16xf32>,
      %swap3A_1253 = arith.constant 6 : i32
      %swap3A_1254 = arith.index_cast %swap3A_1253 : i32 to index
      %swap3A_1255 = arith.constant 80 : index
      %swap3A_1256 = tpu.vector_load %arg12[%swap3A_1254, %swap3A_1255] {strides = array<i32>} : memref<8x128xf32, #tpu.memory_space<vmem>>, vector<1x16xf32>,
      %swap3A_1257 = vector.shape_cast %swap3A_1256 : vector<1x16xf32> to vector<16xf32>
      %swap3A_1258 = vector.shape_cast %scan3A_1221#5 : vector<16xf32> to vector<1x16xf32>
      tpu.vector_store %arg12[%swap3A_1254, %swap3A_1255], %swap3A_1258 {strides = array<i32>} : memref<8x128xf32, #tpu.memory_space<vmem>>, vector<1x16xf32>,
      %swap3A_1259 = arith.constant 6 : i32
      %swap3A_1260 = arith.index_cast %swap3A_1259 : i32 to index
      %swap3A_1261 = arith.constant 96 : index
      %swap3A_1262 = tpu.vector_load %arg12[%swap3A_1260, %swap3A_1261] {strides = array<i32>} : memref<8x128xf32, #tpu.memory_space<vmem>>, vector<1x16xf32>,
      %swap3A_1263 = vector.shape_cast %swap3A_1262 : vector<1x16xf32> to vector<16xf32>
      %swap3A_1264 = vector.shape_cast %scan3A_1221#6 : vector<16xf32> to vector<1x16xf32>
      tpu.vector_store %arg12[%swap3A_1260, %swap3A_1261], %swap3A_1264 {strides = array<i32>} : memref<8x128xf32, #tpu.memory_space<vmem>>, vector<1x16xf32>,
      %swap3A_1265 = arith.constant 6 : i32
      %swap3A_1266 = arith.index_cast %swap3A_1265 : i32 to index
      %swap3A_1267 = arith.constant 112 : index
      %swap3A_1268 = tpu.vector_load %arg12[%swap3A_1266, %swap3A_1267] {strides = array<i32>} : memref<8x128xf32, #tpu.memory_space<vmem>>, vector<1x16xf32>,
      %swap3A_1269 = vector.shape_cast %swap3A_1268 : vector<1x16xf32> to vector<16xf32>
      %swap3A_1270 = vector.shape_cast %scan3A_1221#7 : vector<16xf32> to vector<1x16xf32>
      tpu.vector_store %arg12[%swap3A_1266, %swap3A_1267], %swap3A_1270 {strides = array<i32>} : memref<8x128xf32, #tpu.memory_space<vmem>>, vector<1x16xf32>,
      %broadcast_in_dim3A_1271 = arith.constant 0.000000e+00 : f32
      %broadcast_in_dim3A_1272 = vector.broadcast %broadcast_in_dim3A_1271 : f32 to vector<16xf32>
      %broadcast_in_dim3A_1273 = arith.constant 0.000000e+00 : f32
      %broadcast_in_dim3A_1274 = vector.broadcast %broadcast_in_dim3A_1273 : f32 to vector<16xf32>
      %broadcast_in_dim3A_1275 = arith.constant 0.000000e+00 : f32
      %broadcast_in_dim3A_1276 = vector.broadcast %broadcast_in_dim3A_1275 : f32 to vector<16xf32>
      %broadcast_in_dim3A_1277 = arith.constant 0.000000e+00 : f32
      %broadcast_in_dim3A_1278 = vector.broadcast %broadcast_in_dim3A_1277 : f32 to vector<16xf32>
      %broadcast_in_dim3A_1279 = arith.constant 0.000000e+00 : f32
      %broadcast_in_dim3A_1280 = vector.broadcast %broadcast_in_dim3A_1279 : f32 to vector<16xf32>
      %broadcast_in_dim3A_1281 = arith.constant 0.000000e+00 : f32
      %broadcast_in_dim3A_1282 = vector.broadcast %broadcast_in_dim3A_1281 : f32 to vector<16xf32>
      %broadcast_in_dim3A_1283 = arith.constant 0.000000e+00 : f32
      %broadcast_in_dim3A_1284 = vector.broadcast %broadcast_in_dim3A_1283 : f32 to vector<16xf32>
      %broadcast_in_dim3A_1285 = arith.constant 0.000000e+00 : f32
      %broadcast_in_dim3A_1286 = vector.broadcast %broadcast_in_dim3A_1285 : f32 to vector<16xf32>
      %scan3A_1287 = arith.constant 0 : i32
      %scan3A_1288 = arith.constant 32 : i32
      %scan3A_1289 = arith.addi %scan3A_1287, %scan3A_1288 : i32
      %scan3A_1290 = arith.constant 1 : i32
      %scan3A_1291:8 = scf.for %scan3A_1356 = %scan3A_1287 to %scan3A_1289 step %scan3A_1290 iter_args(%scan3A_1357 = %broadcast_in_dim3A_1272, %scan3A_1358 = %broadcast_in_dim3A_1274, %scan3A_1359 = %broadcast_in_dim3A_1276, %scan3A_1360 = %broadcast_in_dim3A_1278, %scan3A_1361 = %broadcast_in_dim3A_1280, %scan3A_1362 = %broadcast_in_dim3A_1282, %scan3A_1363 = %broadcast_in_dim3A_1284, %scan3A_1364 = %broadcast_in_dim3A_1286) -> (vector<16xf32>, vector<16xf32>, vector<16xf32>, vector<16xf32>, vector<16xf32>, vector<16xf32>, vector<16xf32>, vector<16xf32>)  : i32 {
        %add3A_1365 = arith.constant 32 : i32
        %add3A_1366 = arith.addi %add3A_1365, %scan3A_1356 : i32
        %get3A = arith.index_cast %add3A_1366 : i32 to index
        %get3A_1367 = arith.constant 0 : index
        %get3A_1368 = tpu.vector_load %arg10[%get3A, %get3A_1367] {strides = array<i32>} : memref<64x128xf32, #tpu.memory_space<vmem>>, vector<1x16xf32>,
        %get3A_1369 = vector.shape_cast %get3A_1368 : vector<1x16xf32> to vector<16xf32>
        %add3A_1370 = arith.addf %scan3A_1357, %get3A_1369 : vector<16xf32>
        %add3A_1371 = arith.constant 32 : i32
        %add3A_1372 = arith.addi %add3A_1371, %scan3A_1356 : i32
        %get3A_1373 = arith.index_cast %add3A_1372 : i32 to index
        %get3A_1374 = arith.constant 16 : index
        %get3A_1375 = tpu.vector_load %arg10[%get3A_1373, %get3A_1374] {strides = array<i32>} : memref<64x128xf32, #tpu.memory_space<vmem>>, vector<1x16xf32>,
        %get3A_1376 = vector.shape_cast %get3A_1375 : vector<1x16xf32> to vector<16xf32>
        %add3A_1377 = arith.addf %scan3A_1358, %get3A_1376 : vector<16xf32>
        %add3A_1378 = arith.constant 32 : i32
        %add3A_1379 = arith.addi %add3A_1378, %scan3A_1356 : i32
        %get3A_1380 = arith.index_cast %add3A_1379 : i32 to index
        %get3A_1381 = arith.constant 32 : index
        %get3A_1382 = tpu.vector_load %arg10[%get3A_1380, %get3A_1381] {strides = array<i32>} : memref<64x128xf32, #tpu.memory_space<vmem>>, vector<1x16xf32>,
        %get3A_1383 = vector.shape_cast %get3A_1382 : vector<1x16xf32> to vector<16xf32>
        %add3A_1384 = arith.addf %scan3A_1359, %get3A_1383 : vector<16xf32>
        %add3A_1385 = arith.constant 32 : i32
        %add3A_1386 = arith.addi %add3A_1385, %scan3A_1356 : i32
        %get3A_1387 = arith.index_cast %add3A_1386 : i32 to index
        %get3A_1388 = arith.constant 48 : index
        %get3A_1389 = tpu.vector_load %arg10[%get3A_1387, %get3A_1388] {strides = array<i32>} : memref<64x128xf32, #tpu.memory_space<vmem>>, vector<1x16xf32>,
        %get3A_1390 = vector.shape_cast %get3A_1389 : vector<1x16xf32> to vector<16xf32>
        %add3A_1391 = arith.addf %scan3A_1360, %get3A_1390 : vector<16xf32>
        %add3A_1392 = arith.constant 32 : i32
        %add3A_1393 = arith.addi %add3A_1392, %scan3A_1356 : i32
        %get3A_1394 = arith.index_cast %add3A_1393 : i32 to index
        %get3A_1395 = arith.constant 64 : index
        %get3A_1396 = tpu.vector_load %arg10[%get3A_1394, %get3A_1395] {strides = array<i32>} : memref<64x128xf32, #tpu.memory_space<vmem>>, vector<1x16xf32>,
        %get3A_1397 = vector.shape_cast %get3A_1396 : vector<1x16xf32> to vector<16xf32>
        %add3A_1398 = arith.addf %scan3A_1361, %get3A_1397 : vector<16xf32>
        %add3A_1399 = arith.constant 32 : i32
        %add3A_1400 = arith.addi %add3A_1399, %scan3A_1356 : i32
        %get3A_1401 = arith.index_cast %add3A_1400 : i32 to index
        %get3A_1402 = arith.constant 80 : index
        %get3A_1403 = tpu.vector_load %arg10[%get3A_1401, %get3A_1402] {strides = array<i32>} : memref<64x128xf32, #tpu.memory_space<vmem>>, vector<1x16xf32>,
        %get3A_1404 = vector.shape_cast %get3A_1403 : vector<1x16xf32> to vector<16xf32>
        %add3A_1405 = arith.addf %scan3A_1362, %get3A_1404 : vector<16xf32>
        %add3A_1406 = arith.constant 32 : i32
        %add3A_1407 = arith.addi %add3A_1406, %scan3A_1356 : i32
        %get3A_1408 = arith.index_cast %add3A_1407 : i32 to index
        %get3A_1409 = arith.constant 96 : index
        %get3A_1410 = tpu.vector_load %arg10[%get3A_1408, %get3A_1409] {strides = array<i32>} : memref<64x128xf32, #tpu.memory_space<vmem>>, vector<1x16xf32>,
        %get3A_1411 = vector.shape_cast %get3A_1410 : vector<1x16xf32> to vector<16xf32>
        %add3A_1412 = arith.addf %scan3A_1363, %get3A_1411 : vector<16xf32>
        %add3A_1413 = arith.constant 32 : i32
        %add3A_1414 = arith.addi %add3A_1413, %scan3A_1356 : i32
        %get3A_1415 = arith.index_cast %add3A_1414 : i32 to index
        %get3A_1416 = arith.constant 112 : index
        %get3A_1417 = tpu.vector_load %arg10[%get3A_1415, %get3A_1416] {strides = array<i32>} : memref<64x128xf32, #tpu.memory_space<vmem>>, vector<1x16xf32>,
        %get3A_1418 = vector.shape_cast %get3A_1417 : vector<1x16xf32> to vector<16xf32>
        %add3A_1419 = arith.addf %scan3A_1364, %get3A_1418 : vector<16xf32>
        scf.yield %add3A_1370, %add3A_1377, %add3A_1384, %add3A_1391, %add3A_1398, %add3A_1405, %add3A_1412, %add3A_1419 : vector<16xf32>, vector<16xf32>, vector<16xf32>, vector<16xf32>, vector<16xf32>, vector<16xf32>, vector<16xf32>, vector<16xf32>
      }
      %scan3A_1292 = arith.constant 32 : i32
      %swap3A_1293 = arith.constant 7 : i32
      %swap3A_1294 = arith.index_cast %swap3A_1293 : i32 to index
      %swap3A_1295 = arith.constant 0 : index
      %swap3A_1296 = tpu.vector_load %arg12[%swap3A_1294, %swap3A_1295] {strides = array<i32>} : memref<8x128xf32, #tpu.memory_space<vmem>>, vector<1x16xf32>,
      %swap3A_1297 = vector.shape_cast %swap3A_1296 : vector<1x16xf32> to vector<16xf32>
      %swap3A_1298 = vector.shape_cast %scan3A_1291#0 : vector<16xf32> to vector<1x16xf32>
      tpu.vector_store %arg12[%swap3A_1294, %swap3A_1295], %swap3A_1298 {strides = array<i32>} : memref<8x128xf32, #tpu.memory_space<vmem>>, vector<1x16xf32>,
      %swap3A_1299 = arith.constant 7 : i32
      %swap3A_1300 = arith.index_cast %swap3A_1299 : i32 to index
      %swap3A_1301 = arith.constant 16 : index
      %swap3A_1302 = tpu.vector_load %arg12[%swap3A_1300, %swap3A_1301] {strides = array<i32>} : memref<8x128xf32, #tpu.memory_space<vmem>>, vector<1x16xf32>,
      %swap3A_1303 = vector.shape_cast %swap3A_1302 : vector<1x16xf32> to vector<16xf32>
      %swap3A_1304 = vector.shape_cast %scan3A_1291#1 : vector<16xf32> to vector<1x16xf32>
      tpu.vector_store %arg12[%swap3A_1300, %swap3A_1301], %swap3A_1304 {strides = array<i32>} : memref<8x128xf32, #tpu.memory_space<vmem>>, vector<1x16xf32>,
      %swap3A_1305 = arith.constant 7 : i32
      %swap3A_1306 = arith.index_cast %swap3A_1305 : i32 to index
      %swap3A_1307 = arith.constant 32 : index
      %swap3A_1308 = tpu.vector_load %arg12[%swap3A_1306, %swap3A_1307] {strides = array<i32>} : memref<8x128xf32, #tpu.memory_space<vmem>>, vector<1x16xf32>,
      %swap3A_1309 = vector.shape_cast %swap3A_1308 : vector<1x16xf32> to vector<16xf32>
      %swap3A_1310 = vector.shape_cast %scan3A_1291#2 : vector<16xf32> to vector<1x16xf32>
      tpu.vector_store %arg12[%swap3A_1306, %swap3A_1307], %swap3A_1310 {strides = array<i32>} : memref<8x128xf32, #tpu.memory_space<vmem>>, vector<1x16xf32>,
      %swap3A_1311 = arith.constant 7 : i32
      %swap3A_1312 = arith.index_cast %swap3A_1311 : i32 to index
      %swap3A_1313 = arith.constant 48 : index
      %swap3A_1314 = tpu.vector_load %arg12[%swap3A_1312, %swap3A_1313] {strides = array<i32>} : memref<8x128xf32, #tpu.memory_space<vmem>>, vector<1x16xf32>,
      %swap3A_1315 = vector.shape_cast %swap3A_1314 : vector<1x16xf32> to vector<16xf32>
      %swap3A_1316 = vector.shape_cast %scan3A_1291#3 : vector<16xf32> to vector<1x16xf32>
      tpu.vector_store %arg12[%swap3A_1312, %swap3A_1313], %swap3A_1316 {strides = array<i32>} : memref<8x128xf32, #tpu.memory_space<vmem>>, vector<1x16xf32>,
      %swap3A_1317 = arith.constant 7 : i32
      %swap3A_1318 = arith.index_cast %swap3A_1317 : i32 to index
      %swap3A_1319 = arith.constant 64 : index
      %swap3A_1320 = tpu.vector_load %arg12[%swap3A_1318, %swap3A_1319] {strides = array<i32>} : memref<8x128xf32, #tpu.memory_space<vmem>>, vector<1x16xf32>,
      %swap3A_1321 = vector.shape_cast %swap3A_1320 : vector<1x16xf32> to vector<16xf32>
      %swap3A_1322 = vector.shape_cast %scan3A_1291#4 : vector<16xf32> to vector<1x16xf32>
      tpu.vector_store %arg12[%swap3A_1318, %swap3A_1319], %swap3A_1322 {strides = array<i32>} : memref<8x128xf32, #tpu.memory_space<vmem>>, vector<1x16xf32>,
      %swap3A_1323 = arith.constant 7 : i32
      %swap3A_1324 = arith.index_cast %swap3A_1323 : i32 to index
      %swap3A_1325 = arith.constant 80 : index
      %swap3A_1326 = tpu.vector_load %arg12[%swap3A_1324, %swap3A_1325] {strides = array<i32>} : memref<8x128xf32, #tpu.memory_space<vmem>>, vector<1x16xf32>,
      %swap3A_1327 = vector.shape_cast %swap3A_1326 : vector<1x16xf32> to vector<16xf32>
      %swap3A_1328 = vector.shape_cast %scan3A_1291#5 : vector<16xf32> to vector<1x16xf32>
      tpu.vector_store %arg12[%swap3A_1324, %swap3A_1325], %swap3A_1328 {strides = array<i32>} : memref<8x128xf32, #tpu.memory_space<vmem>>, vector<1x16xf32>,
      %swap3A_1329 = arith.constant 7 : i32
      %swap3A_1330 = arith.index_cast %swap3A_1329 : i32 to index
      %swap3A_1331 = arith.constant 96 : index
      %swap3A_1332 = tpu.vector_load %arg12[%swap3A_1330, %swap3A_1331] {strides = array<i32>} : memref<8x128xf32, #tpu.memory_space<vmem>>, vector<1x16xf32>,
      %swap3A_1333 = vector.shape_cast %swap3A_1332 : vector<1x16xf32> to vector<16xf32>
      %swap3A_1334 = vector.shape_cast %scan3A_1291#6 : vector<16xf32> to vector<1x16xf32>
      tpu.vector_store %arg12[%swap3A_1330, %swap3A_1331], %swap3A_1334 {strides = array<i32>} : memref<8x128xf32, #tpu.memory_space<vmem>>, vector<1x16xf32>,
      %swap3A_1335 = arith.constant 7 : i32
      %swap3A_1336 = arith.index_cast %swap3A_1335 : i32 to index
      %swap3A_1337 = arith.constant 112 : index
      %swap3A_1338 = tpu.vector_load %arg12[%swap3A_1336, %swap3A_1337] {strides = array<i32>} : memref<8x128xf32, #tpu.memory_space<vmem>>, vector<1x16xf32>,
      %swap3A_1339 = vector.shape_cast %swap3A_1338 : vector<1x16xf32> to vector<16xf32>
      %swap3A_1340 = vector.shape_cast %scan3A_1291#7 : vector<16xf32> to vector<1x16xf32>
      tpu.vector_store %arg12[%swap3A_1336, %swap3A_1337], %swap3A_1340 {strides = array<i32>} : memref<8x128xf32, #tpu.memory_space<vmem>>, vector<1x16xf32>,
      %add3A_1341 = arith.constant 4 : i32
      %add3A_1342 = arith.addi %add3A_1194, %add3A_1341 : i32
      %lt3A_1343 = arith.constant 160 : i32
      %lt3A_1344 = arith.cmpi slt, %add3A_1342, %lt3A_1343 : i32
      %convert_element_type3A_1345 = arith.extui %lt3A_1344 : i1 to i32
      %cond3A_1346 = arith.constant 0 : i32
      %cond3A_1347 = arith.cmpi ne, %convert_element_type3A_1345, %cond3A_1346 : i32
      scf.if %cond3A_1347 {
        %add3A_1356 = arith.constant 4 : i32
        %add3A_1357 = arith.addi %add3A_1194, %add3A_1356 : i32
        %mul3A_1358 = arith.constant 64 : i32
        %mul3A_1359 = arith.muli %add3A_1357, %mul3A_1358 : i32
        %dma_start3A_1360 = tpu.memref_slice %arg6[%mul3A_1359] : memref<10240xi32, #tpu.memory_space<vmem>> -> memref<64xi32, #tpu.memory_space<vmem>>
        %dma_start3A_1361 = arith.constant 0 : i32
        %dma_start3A_1362 = arith.constant 0 : i32
        %dma_start3A_1363 = tpu.memref_slice %arg5[%dma_start3A_1361, %dma_start3A_1362] : memref<10000x128xf32, #tpu.memory_space<vmem_shared>> -> memref<10000x128xf32, #tpu.memory_space<vmem_shared>>
        tpu.enqueue_indirect_dma source(%dma_start3A_1363 : memref<10000x128xf32, #tpu.memory_space<vmem_shared>>) target(%arg10 : memref<64x128xf32, #tpu.memory_space<vmem>>) offsets(%dma_start3A_1360 : memref<64xi32, #tpu.memory_space<vmem>>) semaphore(%arg16 : memref<!tpu.dma_semaphore, #tpu.memory_space<semaphore_mem>>)
      } else {
      }
      %mul3A_1348 = arith.constant 320 : i32
      %mul3A_1349 = arith.muli %add3A, %mul3A_1348 : i32
      %add3A_1350 = arith.addi %mul3A_1349, %add3A_706 : i32
      %dma_start3A_1351 = arith.constant 0 : i32
      %dma_start3A_1352 = tpu.memref_slice %arg4[%add3A_1350, %dma_start3A_1351] : memref<10240x128xf32, #tpu.memory_space<hbm>> -> memref<8x128xf32, #tpu.memory_space<hbm>>
      %dma_start3A_1353 = arith.constant 0 : i32
      %dma_start3A_1354 = tpu.memref_slice %arg4[%add3A_1350, %dma_start3A_1353] : memref<10240x128xf32, #tpu.memory_space<hbm>> -> memref<8x128xf32, #tpu.memory_space<hbm>>
      tpu.enqueue_dma source(%arg12 : memref<8x128xf32, #tpu.memory_space<vmem>>) target(%dma_start3A_1354 : memref<8x128xf32, #tpu.memory_space<hbm>>) target_semaphore(%arg18 : memref<!tpu.dma_semaphore, #tpu.memory_space<semaphore_mem>>)
      %scan3A_1355 = arith.constant 0 : i32
      scf.yield %scan3A_1355 : i32
    }
    %scan3A_40 = arith.constant 20 : i32
    %dma_wait3A = arith.constant 0 : i32
    %dma_wait3A_41 = arith.constant 0 : i32
    %dma_wait3A_42 = tpu.memref_slice %arg4[%dma_wait3A, %dma_wait3A_41] : memref<10240x128xf32, #tpu.memory_space<hbm>> -> memref<8x128xf32, #tpu.memory_space<hbm>>
    %dma_wait3A_43 = arith.constant 0 : i32
    %dma_wait3A_44 = arith.constant 0 : i32
    %dma_wait3A_45 = tpu.memref_slice %arg4[%dma_wait3A_43, %dma_wait3A_44] : memref<10240x128xf32, #tpu.memory_space<hbm>> -> memref<8x128xf32, #tpu.memory_space<hbm>>
    tpu.wait_dma2 semaphore(%arg17 : memref<!tpu.dma_semaphore, #tpu.memory_space<semaphore_mem>>) src(%arg11 : memref<8x128xf32, #tpu.memory_space<vmem>>) dst(%dma_wait3A_45 : memref<8x128xf32, #tpu.memory_space<hbm>>)
    %dma_wait3A_46 = arith.constant 0 : i32
    %dma_wait3A_47 = arith.constant 0 : i32
    %dma_wait3A_48 = tpu.memref_slice %arg4[%dma_wait3A_46, %dma_wait3A_47] : memref<10240x128xf32, #tpu.memory_space<hbm>> -> memref<8x128xf32, #tpu.memory_space<hbm>>
    %dma_wait3A_49 = arith.constant 0 : i32
    %dma_wait3A_50 = arith.constant 0 : i32
    %dma_wait3A_51 = tpu.memref_slice %arg4[%dma_wait3A_49, %dma_wait3A_50] : memref<10240x128xf32, #tpu.memory_space<hbm>> -> memref<8x128xf32, #tpu.memory_space<hbm>>
    tpu.wait_dma2 semaphore(%arg18 : memref<!tpu.dma_semaphore, #tpu.memory_space<semaphore_mem>>) src(%arg12 : memref<8x128xf32, #tpu.memory_space<vmem>>) dst(%dma_wait3A_51 : memref<8x128xf32, #tpu.memory_space<hbm>>)
    return
  }
}

module attributes {stable_mosaic.version = 14 : i64} {
  func.func @body(%arg0: i32, %arg1: memref<2000x128xf32, #tpu.memory_space<vmem>>, %arg2: memref<2000x128xf32, #tpu.memory_space<vmem>>, %arg3: memref<128x128xf32, #tpu.memory_space<vmem>>, %arg4: memref<128x128xf32, #tpu.memory_space<vmem>>, %arg5: memref<128x128xf32, #tpu.memory_space<vmem>>, %arg6: memref<128x128xf32, #tpu.memory_space<vmem>>, %arg7: memref<1x128xf32, #tpu.memory_space<vmem>>, %arg8: memref<2000x128xf32, #tpu.memory_space<vmem>>) attributes {dimension_semantics = [#tpu.dimension_semantics<arbitrary>], iteration_bounds = array<i64: 5>, scalar_prefetch = 0 : i64, scratch_operands = 0 : i64, tpu.core_type = #tpu.core_type<tc>, window_params = [{transform_indices = @transform_0, window_bounds = array<i64: 2000, 128>}, {transform_indices = @transform_1, window_bounds = array<i64: 2000, 128>}, {pipeline_mode = #tpu.pipeline_mode<synchronous>, transform_indices = @transform_2, window_bounds = array<i64: 128, 128>}, {pipeline_mode = #tpu.pipeline_mode<synchronous>, transform_indices = @transform_3, window_bounds = array<i64: 128, 128>}, {pipeline_mode = #tpu.pipeline_mode<synchronous>, transform_indices = @transform_4, window_bounds = array<i64: 128, 128>}, {pipeline_mode = #tpu.pipeline_mode<synchronous>, transform_indices = @transform_5, window_bounds = array<i64: 128, 128>}, {pipeline_mode = #tpu.pipeline_mode<synchronous>, transform_indices = @transform_6, window_bounds = array<i64: 1, 128>}, {transform_indices = @transform_7, window_bounds = array<i64: 2000, 128>}]} {
    %get3A = arith.constant 0 : index
    %get3A_0 = arith.constant 0 : index
    %get3A_1 = vector.load %arg3[%get3A, %get3A_0] : memref<128x128xf32, #tpu.memory_space<vmem>>, vector<128x128xf32>
    %get3A_2 = arith.constant 0 : index
    %get3A_3 = arith.constant 0 : index
    %get3A_4 = vector.load %arg6[%get3A_2, %get3A_3] : memref<128x128xf32, #tpu.memory_space<vmem>>, vector<128x128xf32>
    %transpose3A = tpu.transpose %get3A_4, [1, 0] : vector<128x128xf32> -> vector<128x128xf32>
    %dot_general3A = arith.constant dense<0.000000e+00> : vector<128x128xf32>
    %dot_general3A_5 = tpu.matmul %get3A_1, %transpose3A, %dot_general3A {dimension_numbers = #tpu.dot_dimension_numbers<[1], [0], [0], [1], [0, 0, 1, 1], [], []>, transpose_lhs_hint = false} : vector<128x128xf32>, vector<128x128xf32>, vector<128x128xf32> -> vector<128x128xf32>
    %mul3A = arith.constant 3.125000e-02 : f32
    %mul3A_6 = vector.broadcast %mul3A : f32 to vector<128x128xf32>
    %mul3A_7 = arith.mulf %dot_general3A_5, %mul3A_6 : vector<128x128xf32>
    %get3A_8 = arith.constant 0 : index
    %get3A_9 = arith.constant 0 : index
    %get3A_10 = vector.load %arg4[%get3A_8, %get3A_9] : memref<128x128xf32, #tpu.memory_space<vmem>>, vector<128x128xf32>
    %get3A_11 = arith.constant 0 : index
    %get3A_12 = arith.constant 0 : index
    %get3A_13 = vector.load %arg5[%get3A_11, %get3A_12] : memref<128x128xf32, #tpu.memory_space<vmem>>, vector<128x128xf32>
    %transpose3A_14 = tpu.transpose %get3A_13, [1, 0] : vector<128x128xf32> -> vector<128x128xf32>
    %dot_general3A_15 = arith.constant dense<0.000000e+00> : vector<128x128xf32>
    %dot_general3A_16 = tpu.matmul %get3A_10, %transpose3A_14, %dot_general3A_15 {dimension_numbers = #tpu.dot_dimension_numbers<[1], [0], [0], [1], [0, 0, 1, 1], [], []>, transpose_lhs_hint = false} : vector<128x128xf32>, vector<128x128xf32>, vector<128x128xf32> -> vector<128x128xf32>
    %get3A_17 = arith.constant 0 : index
    %get3A_18 = arith.constant 0 : index
    %get3A_19 = vector.load %arg1[%get3A_17, %get3A_18] : memref<2000x128xf32, #tpu.memory_space<vmem>>, vector<2000x128xf32>
    %dot_general3A_20 = arith.constant dense<0.000000e+00> : vector<2000x128xf32>
    %dot_general3A_21 = tpu.matmul %get3A_19, %mul3A_7, %dot_general3A_20 {dimension_numbers = #tpu.dot_dimension_numbers<[1], [0], [0], [1], [0, 0, 1, 1], [], []>, transpose_lhs_hint = false} : vector<2000x128xf32>, vector<128x128xf32>, vector<2000x128xf32> -> vector<2000x128xf32>
    %get3A_22 = arith.constant 0 : index
    %get3A_23 = arith.constant 0 : index
    %get3A_24 = vector.load %arg2[%get3A_22, %get3A_23] : memref<2000x128xf32, #tpu.memory_space<vmem>>, vector<2000x128xf32>
    %dot_general3A_25 = arith.constant dense<0.000000e+00> : vector<2000x128xf32>
    %dot_general3A_26 = tpu.matmul %get3A_24, %dot_general3A_16, %dot_general3A_25 {dimension_numbers = #tpu.dot_dimension_numbers<[1], [0], [0], [1], [0, 0, 1, 1], [], []>, transpose_lhs_hint = false} : vector<2000x128xf32>, vector<128x128xf32>, vector<2000x128xf32> -> vector<2000x128xf32>
    %add3A = arith.addf %dot_general3A_21, %dot_general3A_26 : vector<2000x128xf32>
    %get3A_27 = arith.constant 0 : index
    %get3A_28 = arith.constant 0 : index
    %get3A_29 = vector.load %arg7[%get3A_27, %get3A_28] : memref<1x128xf32, #tpu.memory_space<vmem>>, vector<1x128xf32>
    %add3A_30 = vector.broadcast %get3A_29 : vector<1x128xf32> to vector<2000x128xf32>
    %add3A_31 = arith.addf %add3A, %add3A_30 : vector<2000x128xf32>
    %gt3A = arith.constant 0.000000e+00 : f32
    %gt3A_32 = vector.broadcast %gt3A : f32 to vector<2000x128xf32>
    %gt3A_33 = arith.cmpf ogt, %add3A_31, %gt3A_32 : vector<2000x128xf32>
    %min3A = arith.constant 0.000000e+00 : f32
    %min3A_34 = vector.broadcast %min3A : f32 to vector<2000x128xf32>
    %min3A_35 = arith.minimumf %add3A_31, %min3A_34 : vector<2000x128xf32>
    %exp3A = math.exp %min3A_35 : vector<2000x128xf32>
    %sub3A = arith.constant 1.000000e+00 : f32
    %sub3A_36 = vector.broadcast %sub3A : f32 to vector<2000x128xf32>
    %sub3A_37 = arith.subf %exp3A, %sub3A_36 : vector<2000x128xf32>
    %select_n3A = arith.select %gt3A_33, %add3A_31, %sub3A_37 : vector<2000x128xi1>, vector<2000x128xf32>
    %swap3A = arith.constant 0 : index
    %swap3A_38 = arith.constant 0 : index
    %swap3A_39 = vector.load %arg8[%swap3A, %swap3A_38] : memref<2000x128xf32, #tpu.memory_space<vmem>>, vector<2000x128xf32>
    tpu.vector_store %arg8[%swap3A, %swap3A_38], %select_n3A {strides = array<i32>} : memref<2000x128xf32, #tpu.memory_space<vmem>>, vector<2000x128xf32>,
    return
  }
  func.func @transform_0(%arg0: i32) -> (i32, i32) {
    %c0_i32 = arith.constant 0 : i32
    %c0_i32_0 = arith.constant 0 : i32
    return %arg0, %c0_i32 : i32, i32
  }
  func.func @transform_1(%arg0: i32) -> (i32, i32) {
    %c0_i32 = arith.constant 0 : i32
    %c0_i32_0 = arith.constant 0 : i32
    return %arg0, %c0_i32 : i32, i32
  }
  func.func @transform_2(%arg0: i32) -> (i32, i32) {
    %c0_i32 = arith.constant 0 : i32
    %c0_i32_0 = arith.constant 0 : i32
    %c0_i32_1 = arith.constant 0 : i32
    return %c0_i32, %c0_i32_0 : i32, i32
  }
  func.func @transform_3(%arg0: i32) -> (i32, i32) {
    %c0_i32 = arith.constant 0 : i32
    %c0_i32_0 = arith.constant 0 : i32
    %c0_i32_1 = arith.constant 0 : i32
    return %c0_i32, %c0_i32_0 : i32, i32
  }
  func.func @transform_4(%arg0: i32) -> (i32, i32) {
    %c0_i32 = arith.constant 0 : i32
    %c0_i32_0 = arith.constant 0 : i32
    %c0_i32_1 = arith.constant 0 : i32
    return %c0_i32, %c0_i32_0 : i32, i32
  }
  func.func @transform_5(%arg0: i32) -> (i32, i32) {
    %c0_i32 = arith.constant 0 : i32
    %c0_i32_0 = arith.constant 0 : i32
    %c0_i32_1 = arith.constant 0 : i32
    return %c0_i32, %c0_i32_0 : i32, i32
  }
  func.func @transform_6(%arg0: i32) -> (i32, i32) {
    %c0_i32 = arith.constant 0 : i32
    %c0_i32_0 = arith.constant 0 : i32
    %c0_i32_1 = arith.constant 0 : i32
    return %c0_i32, %c0_i32_0 : i32, i32
  }
  func.func @transform_7(%arg0: i32) -> (i32, i32) {
    %c0_i32 = arith.constant 0 : i32
    %c0_i32_0 = arith.constant 0 : i32
    return %arg0, %c0_i32 : i32, i32
  }
}

</mosaic_0001>

<sc_bundles>
// kernel: kernel.4.cloned.1.call-start
scs
__scs_entry_jumppad:
0x0: {  	(pc) =	sbr.rel $0x88, $3  }
0x1: {  	(tag) =	ssettag $0x0;
	lr =	simm.s32 $0x1  }
0x2: {  	[smem:$0x3F9B] =	sst lr;
	_ =	strace $0xD0000000  }
0x3: {  	_ = 	snop  }
0x4: {  	_ = 	snop  }
0x5: {  	_ = 	snop  }
0x6: {  	_ = 	snop  }
0x7: {  	_ = 	snop  }
__scs_overlays_trampoline_lowered:
0x8: {  	[smem:$0x3FAA] =	sst s0  }
0x9: {  	[smem:$0x3FAB] =	sst s1  }
0xa: {  	[smem:$0x3FAC] =	sst s2  }
0xb: {  	[smem:$0x3FAD] =	sst s3  }
0xc: {  	[smem:$0x3FAE] =	sst s4  }
0xd: {  	[smem:$0x3FAF] =	sst s5  }
0xe: {  	[smem:$0x3FB0] =	sst s6  }
0xf: {  	[smem:$0x3FB1] =	sst s7  }
0x10: {  	[smem:$0x3FB2] =	sst s8  }
0x11: {  	[smem:$0x3FB3] =	sst s9;
	s0 =	simm.s32 @!p0 $0x0  }
0x12: {  	s1 =	sld [smem:$0x3F99];
	s0 =	simm.s32 @p0 $0x1  }
0x13: {  	[smem:$0x3FB4] =	sst s0;
	s0 =	simm.s32 @!p1 $0x0  }
0x14: {  	s2 =	sld [smem:$0x3F98];
	s0 =	simm.s32 @p1 $0x1  }
0x15: {  	[smem:$0x3FB5] =	sst s0;
	s0 =	simm.s32 @!p2 $0x0  }
0x16: {  	s3 =	sld [smem:$0x3FDB];
	s0 =	simm.s32 @p2 $0x1  }
0x17: {  	s4 =	simm.s32 $0x1BF5;
	[smem:$0x3FB7] =	sst s0  }
0x18: {  	s0 =	sld [smem:$0x3F9A];
	_ =	swait.ge [sflag:s4], $0x0  }
0x19: {  	s7 =	sld [smem:$0x3F9B]  }
0x1a: {  	s8 =	sadd.s32 $0xFFFFE003, lr  }
0x1b: {  	s9 =	sadd.s32 $0xFFFFFEF7, lr;
	s5 =	simm.s32 $0xFFFFFFFF;
	p2 =	slt.u32 s8, $0xFFFFF086  }
0x1c: {  	p1 =	slt.u32 s9, $0xF7A;
	s5 =	simm.s32 @!p2 $0x0  }
0x1d: {  	s5 =	simm.s32 @p1 $0x1;
	p0 =	seq.s32 s7, s2  }
0x1e: {  	s7 =	smul.u32 @!p0 $0xF7A, s2;
	p2 =	seq.s32 @!p0 s5, $0x0  }
0x1f: {  	s9 =	smul.u32 $0xF7A, s1;
	s8 =	simm.s32 @!p0 $0x1BF5;
	p2 =	por !p2, p0  }
0x20: {  	[sflag:s8] =	ssyncset.s32 @!p0 $0xFFFFF086;
	s6 =	sadd.s32 @!p0 s3, s7;
	s7 =	simm.s32 @!p0 $0x108  }
0x21: {  	s3 =	sadd.s32 s3, s9;
	s6 =	sadd.s32 @!p0 $0x88, s6;
	s7 =	simm.s32 @p2 $0x1082  }
0x22: {  	[simem:s7], [sflag:s8] =	dma.local @!p0 [hbm:s6], $0xF7A  }
0x23: {  	s9 =	sor.u32 $0xD0000000, s2;
	s6 =	simm.s32 $0x108;
	_ =	swait.ge @!p0 [sflag:s8], $0x0  }
0x24: {  	s3 =	sadd.s32 $0x88, s3;
	s6 =	simm.s32 @!p1 $0x1082;
	[sflag:s4] =	ssyncset.s32 $0xFFFFF086  }
0x25: {  	[simem:s6], [sflag:s4] =	dma.local [hbm:s3], $0xF7A  }
0x26: {  	[smem:$0x3F9B] =	sst s1;
	(tag) =	ssettag s2;
	_ =	strace s9  }
0x27: {  	s1 =	sld [smem:$0x3FAB]  }
0x28: {  	s2 =	sld [smem:$0x3FAC]  }
0x29: {  	s4 =	sld [smem:$0x3FAE]  }
0x2a: {  	p0 =	seq.s32 s5, $0x0;
	s5 =	sld [smem:$0x3FAF]  }
0x2b: {  	s6 =	sld [smem:$0x3FB0]  }
0x2c: {  	s7 =	sld [smem:$0x3FB1]  }
0x2d: {  	s3 =	simm.s32 $0x108;
	s8 =	sld [smem:$0x3FB2]  }
0x2e: {  	s3 =	simm.s32 @!p0 $0x1082;
	s9 =	sld [smem:$0x3FB3]  }
0x2f: {  	lr =	sadd.s32 s0, s3;
	s0 =	sld [smem:$0x3FAA]  }
0x30: {  	s3 =	sld [smem:$0x3FAD]  }
0x31: {  	[smem:$0x3FB6] =	sst s10  }
0x32: {  	s10 =	sld [smem:$0x3FB4];
	_ =	sdelay $0x3  }
0x33: {  	p0 =	seq.s32 s10, $0x1;
	s10 =	sld [smem:$0x3FB6];
	_ =	sdelay $0x3  }
0x34: {  	[smem:$0x3FB6] =	sst s10  }
0x35: {  	s10 =	sld [smem:$0x3FB5];
	_ =	sdelay $0x3  }
0x36: {  	p1 =	seq.s32 s10, $0x1;
	s10 =	sld [smem:$0x3FB6];
	_ =	sdelay $0x3  }
0x37: {  	[smem:$0x3FB6] =	sst s10  }
0x38: {  	s10 =	sld [smem:$0x3FB7]  }
0x39: {  	_ = 	snop;
	(pc) =	sbr.ind lr, $3  }
0x3a: {  	_ = 	snop  }
0x3b: {  	_ = 	snop  }
0x3c: {  	p2 =	seq.s32 s10, $0x1;
	s10 =	sld [smem:$0x3FB6]  }
0x3d: {  	_ =	shalt  }
0x3e: {  	_ =	shalt  }
0x3f: {  	_ =	shalt  }
0x40: {  	_ =	shalt  }
0x41: {  	_ =	shalt  }
0x42: {  	_ =	shalt  }
0x43: {  	_ =	shalt  }
0x44: {  	_ =	shalt  }
0x45: {  	_ =	shalt  }
0x46: {  	_ =	shalt  }
0x47: {  	_ =	shalt  }
0x48: {  	_ =	shalt  }
0x49: {  	_ =	shalt  }
0x4a: {  	_ =	shalt  }
0x4b: {  	_ =	shalt  }
0x4c: {  	_ =	shalt  }
0x4d: {  	_ =	shalt  }
0x4e: {  	_ =	shalt  }
0x4f: {  	_ =	shalt  }
0x50: {  	_ =	shalt  }
0x51: {  	_ =	shalt  }
0x52: {  	_ =	shalt  }
0x53: {  	_ =	shalt  }
0x54: {  	_ =	shalt  }
0x55: {  	_ =	shalt  }
0x56: {  	_ =	shalt  }
0x57: {  	_ =	shalt  }
0x58: {  	_ =	shalt  }
0x59: {  	_ =	shalt  }
0x5a: {  	_ =	shalt  }
0x5b: {  	_ =	shalt  }
0x5c: {  	_ =	shalt  }
0x5d: {  	_ =	shalt  }
0x5e: {  	_ =	shalt  }
0x5f: {  	_ =	shalt  }
0x60: {  	_ =	shalt  }
0x61: {  	_ =	shalt  }
0x62: {  	_ =	shalt  }
0x63: {  	_ =	shalt  }
0x64: {  	_ =	shalt  }
0x65: {  	_ =	shalt  }
0x66: {  	_ =	shalt  }
0x67: {  	_ =	shalt  }
0x68: {  	_ =	shalt  }
0x69: {  	_ =	shalt  }
0x6a: {  	_ =	shalt  }
0x6b: {  	_ =	shalt  }
0x6c: {  	_ =	shalt  }
0x6d: {  	_ =	shalt  }
0x6e: {  	_ =	shalt  }
0x6f: {  	_ =	shalt  }
0x70: {  	_ =	shalt  }
0x71: {  	_ =	shalt  }
0x72: {  	_ =	shalt  }
0x73: {  	_ =	shalt  }
0x74: {  	_ =	shalt  }
0x75: {  	_ =	shalt  }
0x76: {  	_ =	shalt  }
0x77: {  	_ =	shalt  }
0x78: {  	_ =	shalt  }
0x79: {  	_ =	shalt  }
0x7a: {  	_ =	shalt  }
0x7b: {  	_ =	shalt  }
0x7c: {  	_ =	shalt  }
0x7d: {  	_ =	shalt  }
0x7e: {  	_ =	shalt  }
0x7f: {  	_ =	shalt  }
0x80: {  	_ =	shalt  }
0x81: {  	_ =	shalt  }
0x82: {  	_ =	shalt  }
0x83: {  	_ =	shalt  }
0x84: {  	_ =	shalt  }
0x85: {  	_ =	shalt  }
0x86: {  	_ =	shalt  }
0x87: {  	_ =	shalt  }
.Lfunc_end0:
.L_simem_size_0:
called_computation_lowered:
.L_overlay_start_0:
0x88: {  	s2 =	sld [smem:$0x3FD9]  }
0x89: {  	s3 =	sld [smem:$0x3FFE];
	_ =	sdelay $0x1  }
0x8a: {  	s1 =	srdreg.scid  }
0x8b: {  	s0 =	sand.u32 $0x1, s1  }
0x8c: {  	s17 =	sshll.u32 s0, $0xA;
	s2 =	sadd.s32 s3, s2  }
0x8d: {  	s2 =	sadd.s32 s2, s17  }
0x8e: {  	[smem:$0x3FC2] =	sst s2  }
0x8f: {  	_ = 	snop  }
0x90: {  	s2 =	sld [smem:$0x3FC9]  }
0x91: {  	s18 =	sld [smem:$0x3FC8];
	(tm) =	ssettm $0x1  }
0x92: {  	s4 =	sld [smem:$0x3FFB];
	_ =	sdelay $0x3  }
0x93: {  	_ =	strace s4  }
0x94: {  	s4 =	sld [smem:$0x3FFC];
	_ =	sdelay $0x3  }
0x95: {  	_ =	strace s4  }
0x96: {  	s4 =	sld [smem:$0x3FFD];
	_ =	sdelay $0x3  }
0x97: {  	_ =	strace s4  }
0x98: {  	_ =	strace $0x8FFFFFFF  }
0x99: {  	s19 =	sld [smem:$0x3FDB];
	_ =	sdelay $0x1  }
0x9a: {  	s5 =	simm.s32 $_scs_section_size  }
0x9b: {  	s6 =	simm.s32 $_size__tile_overlayer_lowered;
	s7 =	simm.s32 $_tile_overlayer_lowered  }
0x9c: {  	s22 =	simm.s32 $0x1BFF;
	s21 =	sshll.u32 s7, $0x1;
	s4 =	sadd.s32 s5, s19  }
0x9d: {  	s8 =	simm.s32 $0x0;
	s20 =	sshll.u32 s6, $0x1;
	s6 =	sadd.s32 s21, s4  }
0x9e: {  	[timem:s8], [sflag:s22] =	dma.local [hbm:s6], s20  }
0x9f: {  	_ =	swait.ge [sflag:s22], s20  }
0xa0: {  	s5 =	ssub.s32 $0x0, s20;
	[sflag:s22] =	ssyncset.done $0x0  }
0xa1: {  	[sflag:s22] =	ssyncadd.s32 s5;
	_ =	sdelay $0x1  }
0xa2: {  	s23 =	simm.s32 $0x1B8B  }
0xa3: {  	_ =	swait.ge [sflag:s23], $0x1  }
0xa4: {  	[sflag:s23] =	ssyncset.done $0x0  }
0xa5: {  	s25 =	simm.s32 $0x1B8E;
	s24 =	sld [smem:$0x3FFE];
	[sflag:s23] =	ssyncadd.s32 $0xFFFFFFFF  }
0xa6: {  	s26 =	simm.s32 $execute0_lowered;
	[smem:$0x3FD2] =	sst s25  }
0xa7: {  	s6 =	sshll.u32 s26, $0x1;
	_ =	strace $0x80000046;
	[dreg:$0x1] =	wrdreg $0xFFFFFFFF  }
0xa8: {  	s28 =	simm.s32 $_size_execute0_lowered;
	s4 =	sadd.s32 s4, s6;
	[dreg:$0x0] =	wrdreg $0x0  }
0xa9: {  	s6 =	sshll.u32 s28, $0x1;
	[dreg:$0x2] =	wrdreg s4  }
0xaa: {  	[dreg:$0x3] =	wrdreg s6  }
0xab: {  	[dreg:$0x4] =	wrdreg $0xC0  }
0xac: {  	_ =	task [dreg:s8], $0x5FFFF  }
0xad: {  	[dreg:$0x1] =	wrdreg $0xFFFFFFFF  }
0xae: {  	[dreg:$0x0] =	wrdreg $0x60  }
0xaf: {  	[dreg:$0x2] =	wrdreg s2  }
0xb0: {  	[dreg:$0x3] =	wrdreg s18  }
0xb1: {  	[dreg:$0x4] =	wrdreg s24  }
0xb2: {  	[dreg:$0x5] =	wrdreg $0x0  }
0xb3: {  	[dreg:$0x6] =	wrdreg $0x9  }
0xb4: {  	_ =	task.clear_ibuf [dreg:s8], $0x7FFFF;
	_ =	strace $0x90000046  }
0xb5: {  	s29 =	simm.s32 $0x9;
	_ =	strace $0x80000048  }
0xb6: {  	_ =	swait.ge [sflag:s29], $0x1  }
0xb7: {  	[sflag:s29] =	ssyncadd.s32 $0xFFFFFFFF  }
0xb8: {  	_ =	strace $0x90000048  }
0xb9: {  	_ =	sfence  }
0xba: {  	s30 =	sld [smem:$0x0];
	_ =	sdelay $0x2  }
0xbb: {  	s31 =	sshll.u32 s1, $0xD;
	s1 =	sshrl.u32 s1, $0x2  }
0xbc: {  	s3 =	sand.u32 $0x4000, s31;
	s1 =	sadd.s32 s1, s30  }
0xbd: {  	s0 =	sor.u32 s3, s0;
	s1 =	sshll.u32 s1, $0x11  }
0xbe: {  	s0 =	sor.u32 s1, s0  }
0xbf: {  	s0 =	sadd.s32 $0x8F2B, s0  }
0xc0: {  	[sflag:s0] =	ssyncadd.remote.s32 $0x1  }
0xc1: {  	_ =	sfence.sel $0xFFFF  }
0xc2: {  	[dreg:$0x0] =	wrdreg $0xFFFFFFFF;
	(pc) =	sbr.abs _section_cstart, $3  }
0xc3: {  	[dreg:$0x1] =	wrdreg $0xFFFFFFFF  }
0xc4: {  	_ =	task.clear_ibuf [dreg:s8], $0x2FFFF;
	_ =	strace $0x9FFFFFFF  }
0xc5: {  	(tm) =	ssettm $0x7FFFFFFF  }
tec
execute0_lowered:
.L_overlay_start_1:
0x0: {  	(tag) =	ssettag $0x1  }
0x1: {  	s0 =	rddreg [dreg:$0x0]  }
0x2: {  	s8 =	rddreg [dreg:$0x1]  }
0x3: {  	s3 =	rddreg [dreg:$0x2]  }
0x4: {  	s1 =	rddreg [dreg:$0x3];
	s2 =	simm.s32 $0x0;
	s4 =	srdreg.scid  }
0x5: {  	s9 =	stileid.u32;
	s13 =	simm.s32 $0x7;
	s16 =	simm.s32 $0x40  }
0x6: {  	s17 =	simm.s32 $0x16080;
	s19 =	simm.s32 $0x18080;
	s28 =	simm.s32 $0x4  }
0x7: {  	s29 =	simm.s32 $0x1E080;
	s30 =	simm.s32 $0x1E480;
	s31 =	simm.s32 $0x5  }
0x8: {  	s18 =	simm.s32 $0x0;
	[smem:$0x7FF] =	sst s2;
	s4 =	sand.u32 $0x1, s4  }
0x9: {  	s6 =	smul.u32 $0x4E000, s9;
	s3 =	sadd.s32 $0x1000, s3;
	s10 =	sshll.u32 s9, $0x1  }
0xa: {  	s22 =	smul.u32 $0x2700, s9;
	s24 =	sshll.u32 s9, $0x6;
	s14 =	sadd.s32 $0x138000, s1  }
0xb: {  	s26 =	sadd.s32 $0x9B00, s8;
	p0 =	sne.s32 s9, $0x0;
	_ =	strace $0x80000047  }
0xc: {  	s5 =	ssub.s32 $0x2, s4;
	s15 =	sor.u32 s4, s10;
	[dreg:$0x7] =	wrdreg s26  }
0xd: {  	s14 =	sshrl.u32 @!p0 s14, $0x3;
	s26 =	simm.s32 $0x3;
	s7 =	sshrl.u32 s5, $0x1  }
0xe: {  	s21 =	sshrl.u32 s6, $0x2;
	s10 =	smul.u32 $0x500, s15;
	s23 =	sadd.s32 s0, s22  }
0xf: {  	s6 =	sor.u32 $0x1C07, s24;
	p1 =	seq.s32 s15, $0x1F;
	s24 =	simm.s32 $0x1  }
0x10: {  	s11 =	ssub.s32 s5, s7;
	s12 =	sadd.s32 s21, s1;
	[dreg:$0x5] =	wrdreg s23  }
0x11: {  	s5 =	smul.u32 $0x140, s15;
	s7 =	sadd.s32 $0x27000, s0;
	s15 =	simm.s32 $0x13880  }
0x12: {  	s21 =	simm.s32 $0x1A080;
	s23 =	simm.s32 $0x1C080;
	s0 =	simm.s32 $0x6  }
0x13: {  	s25 =	sadd.s32 s8, s10;
	s11 =	smax.u32 s11, $0x1;
	s12 =	sshrl.u32 s12, $0x3  }
0x14: {  	v0 =	vimm.s32 $0x0;
	[dreg:$0x6] =	wrdreg s25;
	s10 =	sor.u32 $0x8, s5;
	s25 =	simm.s32 $0x2  }
.LBB2_1:
0x15: {  	s4 =	rddreg [dreg:$0x5]  }
0x16: {  	[spmem:s12], [sflag:s6] =	dma.local [hbm:s4], $0x2700  }
0x17: {  	_ =	swait.ge [sflag:s13], $0x2700  }
0x18: {  	[sflag:s13] =	ssyncset.done $0x0  }
.Ltmp0:
0x19: {  	s8 =	simm.s32 @!p0 $0x7;
	[sflag:s13] =	ssyncadd.s32 $0xFFFFD900;
	(pc) =	sbr.rel @!p1 .LBB2_2-.Ltmp0, $4  }
0x1a: {  	[spmem:s14], [sflag:s6] =	dma.local @!p0 [hbm:s7], $0x100  }
0x1b: {  	_ =	swait.ge @!p0 [sflag:s8], $0x100  }
0x1c: {  	[sflag:s8] =	ssyncset.done @!p0 $0x0  }
0x1d: {  	[sflag:s8] =	ssyncadd.s32 @!p0 $0xFFFFFF00  }
0x1e: {  	s9 =	simm.s32 $0x0;
	s4 =	rddreg [dreg:$0x7]  }
0x1f: {  	[tilespmem:s15], [sflag:$0x7] =	stream.linear.gather [hbm4b:s4+s9], $0xA00, $0x38;
	[tilespmem:$0x1E880] =	vst v63  }
0x20: {  	_ =	swait.ge [sflag:s13], $0xA00  }
0x21: {  	[sflag:s13] =	ssyncset.done $0x0  }
0x22: {  	s8 =	simm.s32 $0x10;
	s9 =	sand.u32 $0x1FF0, s9;
	[sflag:s13] =	ssyncadd.s32 $0xFFFFF600  }
.LBB2_4:
0x23: {  	p2 =	sne.s32 s8, $0x1DF0;
	[tilespmem:s9+$0x14280] =	vst v0;
	s9 =	smov.u32 s8;
	s8 =	sadd.s32 $0x10, s8  }
.Ltmp1:
0x24: {  	(pc) =	sbr.rel @p2 .LBB2_4-.Ltmp1, $2  }
0x25: {  	_ =	sdelay $0x2  }
0x26: {  	s9 =	sand.u32 $0x1FF0, s9  }
.Ltmp2:
0x27: {  	(pc) =	sbr.rel .LBB2_6-.Ltmp2, $2  }
0x28: {  	_ =	sdelay $0x2  }
0x29: {  	[tilespmem:s9+$0x14280] =	vst v0  }
.LBB2_2:
0x2a: {  	s4 =	rddreg [dreg:$0x6]  }
0x2b: {  	[tilespmem:s15], [sflag:$0x7] =	stream.linear.gather [hbm4b:s4+s2], $0x2800, $0x38;
	[tilespmem:$0x1E880] =	vst v63  }
0x2c: {  	_ =	swait.ge [sflag:s13], $0x2800  }
0x2d: {  	[sflag:s13] =	ssyncset.done $0x0  }
0x2e: {  	[sflag:s13] =	ssyncadd.s32 $0xFFFFD800  }
.LBB2_6:
0x2f: {  	[bflag:$0x0] =	sbarrier.arrive $0xFFFF  }
0x30: {  	[tilespmem:s17], [sflag:$0x1] =	stream.indirect.gather [spmem:s1], $0x80, s15, s16, $0xb8;
	[tilespmem:$0x1E880] =	vst v63  }
0x31: {  	s4 =	simm.s32 $0x138C0  }
0x32: {  	[tilespmem:s19], [sflag:$0x2] =	stream.indirect.gather [spmem:s1], $0x80, s4, s16, $0xb8;
	[tilespmem:$0x1E880] =	vst v63  }
0x33: {  	s20 =	simm.s32 $0x13900  }
0x34: {  	[tilespmem:s21], [sflag:$0x3] =	stream.indirect.gather [spmem:s1], $0x80, s20, s16, $0xb8;
	[tilespmem:$0x1E880] =	vst v63  }
0x35: {  	s22 =	simm.s32 $0x13940;
	s20 =	simm.s32 $0x0  }
0x36: {  	[tilespmem:s23], [sflag:$0x4] =	stream.indirect.gather [spmem:s1], $0x80, s22, s16, $0xb8;
	[tilespmem:$0x1E880] =	vst v63  }
.LBB2_7:
0x37: {  	p2 =	seq.s32 s20, $0x0  }
0x38: {  	s8 =	simm.s32 @!p2 $0x5  }
0x39: {  	_ =	swait.ge @!p2 [sflag:s8], $0x400  }
0x3a: {  	[sflag:s8] =	ssyncset.done @!p2 $0x0  }
0x3b: {  	[sflag:s8] =	ssyncadd.s32 @!p2 $0xFFFFFC00  }
0x3c: {  	_ =	swait.ge [sflag:s24], $0x2000  }
0x3d: {  	[sflag:s24] =	ssyncset.done $0x0  }
0x3e: {  	s15 =	simm.s32 $0x0;
	[sflag:s24] =	ssyncadd.s32 $0xFFFFE000  }
0x3f: {  	v1 =	vld [tilespmem:s15+$0x160F0]  }
0x40: {  	v3 =	vld [tilespmem:s15+$0x16080]  }
0x41: {  	v4 =	vld [tilespmem:s15+$0x16090]  }
0x42: {  	v12 =	vld [tilespmem:s15+$0x160A0]  }
0x43: {  	v10 =	vld [tilespmem:s15+$0x160B0]  }
0x44: {  	v2 =	vimm.f32 $0.0e+00;
	v6 =	vimm.f32 $0.0e+00;
	v7 =	vld [tilespmem:s15+$0x160C0]  }
0x45: {  	v11 =	vimm.f32 $0.0e+00;
	v8 =	vimm.f32 $0.0e+00;
	v9 =	vld [tilespmem:s15+$0x160D0];
	v1 =	vadd.f32 v1, v2  }
0x46: {  	s22 =	sshll.u32 s20, $0x4;
	s9 =	simm.s32 $0x400;
	s8 =	simm.s32 $0x80;
	v13 =	vld [tilespmem:s15+$0x160E0];
	v5 =	vadd.f32 v3, v2;
	v4 =	vadd.f32 v4, v2;
	v3 =	vimm.f32 $0.0e+00  }
.LBB2_8:
0x47: {  	p3 =	sne.s32 s9, $0x3E00;
	v14 =	vld [tilespmem:s8+$0x160F0];
	v2 =	vadd.f32 v12, v2  }
0x48: {  	v15 =	vld [tilespmem:s8+$0x16080];
	v6 =	vadd.f32 v10, v6  }
0x49: {  	v16 =	vld [tilespmem:s8+$0x16090];
	v11 =	vadd.f32 v7, v11  }
.Ltmp3:
0x4a: {  	v12 =	vld [tilespmem:s8+$0x160A0];
	v8 =	vadd.f32 v9, v8;
	(pc) =	sbr.rel @p3 .LBB2_8-.Ltmp3, $4  }
0x4b: {  	v10 =	vld [tilespmem:s8+$0x160B0];
	v3 =	vadd.f32 v13, v3  }
0x4c: {  	v7 =	vld [tilespmem:s8+$0x160C0];
	v1 =	vadd.f32 v14, v1  }
0x4d: {  	v5 =	vadd.f32 v15, v5;
	v9 =	vld [tilespmem:s8+$0x160D0]  }
0x4e: {  	v4 =	vadd.f32 v16, v4;
	v13 =	vld [tilespmem:s8+$0x160E0];
	s8 =	sshra.s32 s9, $0x2;
	s9 =	sadd.s32 $0x200, s9  }
0x4f: {  	v15 =	vld [tilespmem:s8+$0x16080]  }
0x50: {  	v16 =	vld [tilespmem:s8+$0x16090]  }
0x51: {  	v17 =	vld [tilespmem:s8+$0x160A0]  }
0x52: {  	v18 =	vld [tilespmem:s8+$0x160B0]  }
0x53: {  	v14 =	vld [tilespmem:s8+$0x160F0];
	v2 =	vadd.f32 v12, v2  }
0x54: {  	v6 =	vadd.f32 v10, v6;
	v10 =	vld [tilespmem:s8+$0x160E0];
	v5 =	vadd.f32 v15, v5  }
0x55: {  	v19 =	vld [tilespmem:s8+$0x160C0];
	v4 =	vadd.f32 v16, v4  }
0x56: {  	v12 =	vld [tilespmem:s8+$0x160D0];
	v2 =	vadd.f32 v17, v2;
	[tilespmem:$0x1E080] =	vst v5  }
0x57: {  	v3 =	vadd.f32 v13, v3;
	v6 =	vadd.f32 v18, v6;
	[tilespmem:$0x1E090] =	vst v4  }
0x58: {  	v7 =	vadd.f32 v7, v11;
	v1 =	vadd.f32 v14, v1;
	[tilespmem:$0x1E0A0] =	vst v2  }
0x59: {  	v3 =	vadd.f32 v10, v3;
	v5 =	vadd.f32 v9, v8;
	[tilespmem:$0x1E0B0] =	vst v6  }
0x5a: {  	v4 =	vadd.f32 v19, v7;
	[tilespmem:$0x1E0F0] =	vst v1  }
0x5b: {  	[tilespmem:$0x1E0E0] =	vst v3;
	v2 =	vadd.f32 v12, v5  }
0x5c: {  	[tilespmem:$0x1E0C0] =	vst v4  }
0x5d: {  	s15 =	simm.s32 $0x0;
	[tilespmem:$0x1E0D0] =	vst v2  }
0x5e: {  	v1 =	vld [tilespmem:s15+$0x170F0]  }
0x5f: {  	v3 =	vld [tilespmem:s15+$0x17080]  }
0x60: {  	v4 =	vld [tilespmem:s15+$0x17090]  }
0x61: {  	v12 =	vld [tilespmem:s15+$0x170A0]  }
0x62: {  	v11 =	vld [tilespmem:s15+$0x170B0]  }
0x63: {  	v7 =	vimm.f32 $0.0e+00;
	v2 =	vimm.f32 $0.0e+00;
	v8 =	vld [tilespmem:s15+$0x170C0]  }
0x64: {  	v9 =	vimm.f32 $0.0e+00;
	v5 =	vimm.f32 $0.0e+00;
	v10 =	vld [tilespmem:s15+$0x170D0];
	v1 =	vadd.f32 v1, v2  }
0x65: {  	s9 =	simm.s32 $0x400;
	s8 =	simm.s32 $0x80;
	v13 =	vld [tilespmem:s15+$0x170E0];
	v6 =	vadd.f32 v3, v2;
	v4 =	vadd.f32 v4, v2;
	v3 =	vimm.f32 $0.0e+00  }
.LBB2_10:
0x66: {  	p3 =	sne.s32 s9, $0x3E00;
	v14 =	vld [tilespmem:s8+$0x170F0];
	v2 =	vadd.f32 v12, v2  }
0x67: {  	v15 =	vld [tilespmem:s8+$0x17080];
	v7 =	vadd.f32 v11, v7  }
0x68: {  	v16 =	vld [tilespmem:s8+$0x17090];
	v9 =	vadd.f32 v8, v9  }
.Ltmp4:
0x69: {  	v12 =	vld [tilespmem:s8+$0x170A0];
	v5 =	vadd.f32 v10, v5;
	(pc) =	sbr.rel @p3 .LBB2_10-.Ltmp4, $4  }
0x6a: {  	v11 =	vld [tilespmem:s8+$0x170B0];
	v3 =	vadd.f32 v13, v3  }
0x6b: {  	v8 =	vld [tilespmem:s8+$0x170C0];
	v1 =	vadd.f32 v14, v1  }
0x6c: {  	v6 =	vadd.f32 v15, v6;
	v10 =	vld [tilespmem:s8+$0x170D0]  }
0x6d: {  	v4 =	vadd.f32 v16, v4;
	v13 =	vld [tilespmem:s8+$0x170E0];
	s8 =	sshra.s32 s9, $0x2;
	s9 =	sadd.s32 $0x200, s9  }
0x6e: {  	v15 =	vld [tilespmem:s8+$0x17080]  }
0x6f: {  	v16 =	vld [tilespmem:s8+$0x17090]  }
0x70: {  	v17 =	vld [tilespmem:s8+$0x170A0]  }
0x71: {  	v14 =	vld [tilespmem:s8+$0x170F0]  }
0x72: {  	v7 =	vadd.f32 v11, v7;
	v11 =	vld [tilespmem:s8+$0x170E0]  }
0x73: {  	v18 =	vld [tilespmem:s8+$0x170B0];
	v2 =	vadd.f32 v12, v2;
	v6 =	vadd.f32 v15, v6  }
0x74: {  	v19 =	vld [tilespmem:s8+$0x170C0];
	v4 =	vadd.f32 v16, v4  }
0x75: {  	v12 =	vld [tilespmem:s8+$0x170D0];
	v3 =	vadd.f32 v13, v3;
	v2 =	vadd.f32 v17, v2;
	[tilespmem:$0x1E100] =	vst v6  }
0x76: {  	v1 =	vadd.f32 v14, v1;
	[tilespmem:$0x1E110] =	vst v4  }
0x77: {  	v8 =	vadd.f32 v8, v9;
	v3 =	vadd.f32 v11, v3;
	[tilespmem:$0x1E120] =	vst v2  }
0x78: {  	v5 =	vadd.f32 v10, v5;
	v6 =	vadd.f32 v18, v7;
	[tilespmem:$0x1E170] =	vst v1  }
0x79: {  	v4 =	vadd.f32 v19, v8;
	[tilespmem:$0x1E160] =	vst v3  }
0x7a: {  	s15 =	sshll.u32 s20, $0x9;
	v2 =	vadd.f32 v12, v5;
	[tilespmem:$0x1E130] =	vst v6  }
0x7b: {  	s8 =	sand.u32 $0x3FFFFE00, s15;
	[tilespmem:$0x1E140] =	vst v4  }
0x7c: {  	s9 =	sadd.s32 $0x13980, s8;
	[tilespmem:$0x1E150] =	vst v2  }
0x7d: {  	[tilespmem:s17], [sflag:$0x1] =	stream.indirect.gather [spmem:s1], $0x80, s9, s16, $0xb8;
	[tilespmem:$0x1E880] =	vst v63  }
0x7e: {  	_ =	swait.ge [sflag:s25], $0x2000  }
0x7f: {  	[sflag:s25] =	ssyncset.done $0x0  }
0x80: {  	s4 =	simm.s32 $0x0;
	[sflag:s25] =	ssyncadd.s32 $0xFFFFE000  }
0x81: {  	v1 =	vld [tilespmem:s4+$0x180F0]  }
0x82: {  	v3 =	vld [tilespmem:s4+$0x18080]  }
0x83: {  	v4 =	vld [tilespmem:s4+$0x18090]  }
0x84: {  	v12 =	vld [tilespmem:s4+$0x180A0]  }
0x85: {  	v11 =	vld [tilespmem:s4+$0x180B0]  }
0x86: {  	v9 =	vimm.f32 $0.0e+00;
	v2 =	vimm.f32 $0.0e+00;
	v8 =	vld [tilespmem:s4+$0x180C0]  }
0x87: {  	v7 =	vimm.f32 $0.0e+00;
	v5 =	vimm.f32 $0.0e+00;
	v10 =	vld [tilespmem:s4+$0x180D0];
	v1 =	vadd.f32 v1, v2  }
0x88: {  	s15 =	simm.s32 $0x400;
	s9 =	simm.s32 $0x80;
	v13 =	vld [tilespmem:s4+$0x180E0];
	v6 =	vadd.f32 v3, v2;
	v4 =	vadd.f32 v4, v2;
	v3 =	vimm.f32 $0.0e+00  }
.LBB2_12:
0x89: {  	p3 =	sne.s32 s15, $0x3E00;
	v14 =	vld [tilespmem:s9+$0x180F0];
	v2 =	vadd.f32 v12, v2  }
0x8a: {  	v15 =	vld [tilespmem:s9+$0x18080];
	v7 =	vadd.f32 v11, v7  }
0x8b: {  	v16 =	vld [tilespmem:s9+$0x18090];
	v9 =	vadd.f32 v8, v9  }
.Ltmp5:
0x8c: {  	v12 =	vld [tilespmem:s9+$0x180A0];
	v5 =	vadd.f32 v10, v5;
	(pc) =	sbr.rel @p3 .LBB2_12-.Ltmp5, $4  }
0x8d: {  	v11 =	vld [tilespmem:s9+$0x180B0];
	v3 =	vadd.f32 v13, v3  }
0x8e: {  	v8 =	vld [tilespmem:s9+$0x180C0];
	v1 =	vadd.f32 v14, v1  }
0x8f: {  	v6 =	vadd.f32 v15, v6;
	v10 =	vld [tilespmem:s9+$0x180D0]  }
0x90: {  	v4 =	vadd.f32 v16, v4;
	v13 =	vld [tilespmem:s9+$0x180E0];
	s9 =	sshra.s32 s15, $0x2;
	s15 =	sadd.s32 $0x200, s15  }
0x91: {  	v15 =	vld [tilespmem:s9+$0x18080]  }
0x92: {  	v16 =	vld [tilespmem:s9+$0x18090]  }
0x93: {  	v17 =	vld [tilespmem:s9+$0x180A0]  }
0x94: {  	v14 =	vld [tilespmem:s9+$0x180F0]  }
0x95: {  	v7 =	vadd.f32 v11, v7;
	v11 =	vld [tilespmem:s9+$0x180E0]  }
0x96: {  	v18 =	vld [tilespmem:s9+$0x180B0];
	v2 =	vadd.f32 v12, v2;
	v6 =	vadd.f32 v15, v6  }
0x97: {  	v19 =	vld [tilespmem:s9+$0x180C0];
	v4 =	vadd.f32 v16, v4  }
0x98: {  	v12 =	vld [tilespmem:s9+$0x180D0];
	v3 =	vadd.f32 v13, v3;
	v2 =	vadd.f32 v17, v2;
	[tilespmem:$0x1E180] =	vst v6  }
0x99: {  	v1 =	vadd.f32 v14, v1;
	[tilespmem:$0x1E190] =	vst v4  }
0x9a: {  	v8 =	vadd.f32 v8, v9;
	v3 =	vadd.f32 v11, v3;
	[tilespmem:$0x1E1A0] =	vst v2  }
0x9b: {  	v5 =	vadd.f32 v10, v5;
	v6 =	vadd.f32 v18, v7;
	[tilespmem:$0x1E1F0] =	vst v1  }
0x9c: {  	v4 =	vadd.f32 v19, v8;
	[tilespmem:$0x1E1E0] =	vst v3  }
0x9d: {  	v2 =	vadd.f32 v12, v5;
	[tilespmem:$0x1E1B0] =	vst v6  }
0x9e: {  	[tilespmem:$0x1E1C0] =	vst v4  }
0x9f: {  	s4 =	simm.s32 $0x0;
	[tilespmem:$0x1E1D0] =	vst v2  }
0xa0: {  	v1 =	vld [tilespmem:s4+$0x190F0]  }
0xa1: {  	v3 =	vld [tilespmem:s4+$0x19080]  }
0xa2: {  	v4 =	vld [tilespmem:s4+$0x19090]  }
0xa3: {  	v12 =	vld [tilespmem:s4+$0x190A0]  }
0xa4: {  	v11 =	vld [tilespmem:s4+$0x190B0]  }
0xa5: {  	v9 =	vimm.f32 $0.0e+00;
	v2 =	vimm.f32 $0.0e+00;
	v8 =	vld [tilespmem:s4+$0x190C0]  }
0xa6: {  	v7 =	vimm.f32 $0.0e+00;
	v5 =	vimm.f32 $0.0e+00;
	v10 =	vld [tilespmem:s4+$0x190D0];
	v1 =	vadd.f32 v1, v2  }
0xa7: {  	s15 =	simm.s32 $0x400;
	s9 =	simm.s32 $0x80;
	v13 =	vld [tilespmem:s4+$0x190E0];
	v6 =	vadd.f32 v3, v2;
	v4 =	vadd.f32 v4, v2;
	v3 =	vimm.f32 $0.0e+00  }
.LBB2_14:
0xa8: {  	p3 =	sne.s32 s15, $0x3E00;
	v14 =	vld [tilespmem:s9+$0x190F0];
	v2 =	vadd.f32 v12, v2  }
0xa9: {  	v15 =	vld [tilespmem:s9+$0x19080];
	v7 =	vadd.f32 v11, v7  }
0xaa: {  	v16 =	vld [tilespmem:s9+$0x19090];
	v9 =	vadd.f32 v8, v9  }
.Ltmp6:
0xab: {  	v12 =	vld [tilespmem:s9+$0x190A0];
	v5 =	vadd.f32 v10, v5;
	(pc) =	sbr.rel @p3 .LBB2_14-.Ltmp6, $4  }
0xac: {  	v11 =	vld [tilespmem:s9+$0x190B0];
	v3 =	vadd.f32 v13, v3  }
0xad: {  	v8 =	vld [tilespmem:s9+$0x190C0];
	v1 =	vadd.f32 v14, v1  }
0xae: {  	v6 =	vadd.f32 v15, v6;
	v10 =	vld [tilespmem:s9+$0x190D0]  }
0xaf: {  	v4 =	vadd.f32 v16, v4;
	v13 =	vld [tilespmem:s9+$0x190E0];
	s9 =	sshra.s32 s15, $0x2;
	s15 =	sadd.s32 $0x200, s15  }
0xb0: {  	v15 =	vld [tilespmem:s9+$0x19080]  }
0xb1: {  	v16 =	vld [tilespmem:s9+$0x19090]  }
0xb2: {  	v17 =	vld [tilespmem:s9+$0x190A0]  }
0xb3: {  	v14 =	vld [tilespmem:s9+$0x190F0]  }
0xb4: {  	v7 =	vadd.f32 v11, v7;
	v11 =	vld [tilespmem:s9+$0x190E0]  }
0xb5: {  	v18 =	vld [tilespmem:s9+$0x190B0];
	v2 =	vadd.f32 v12, v2;
	v6 =	vadd.f32 v15, v6  }
0xb6: {  	v19 =	vld [tilespmem:s9+$0x190C0];
	v4 =	vadd.f32 v16, v4  }
0xb7: {  	v12 =	vld [tilespmem:s9+$0x190D0];
	v3 =	vadd.f32 v13, v3;
	v2 =	vadd.f32 v17, v2;
	[tilespmem:$0x1E200] =	vst v6  }
0xb8: {  	v1 =	vadd.f32 v14, v1;
	[tilespmem:$0x1E210] =	vst v4  }
0xb9: {  	v8 =	vadd.f32 v8, v9;
	v3 =	vadd.f32 v11, v3;
	[tilespmem:$0x1E220] =	vst v2  }
0xba: {  	v5 =	vadd.f32 v10, v5;
	v6 =	vadd.f32 v18, v7;
	[tilespmem:$0x1E270] =	vst v1  }
0xbb: {  	v4 =	vadd.f32 v19, v8;
	[tilespmem:$0x1E260] =	vst v3  }
0xbc: {  	v2 =	vadd.f32 v12, v5;
	[tilespmem:$0x1E230] =	vst v6  }
0xbd: {  	[tilespmem:$0x1E240] =	vst v4  }
0xbe: {  	s4 =	sadd.s32 $0x139C0, s8;
	[tilespmem:$0x1E250] =	vst v2  }
0xbf: {  	[tilespmem:s19], [sflag:$0x2] =	stream.indirect.gather [spmem:s1], $0x80, s4, s16, $0xb8;
	[tilespmem:$0x1E880] =	vst v63  }
0xc0: {  	_ =	swait.ge [sflag:s26], $0x2000  }
0xc1: {  	[sflag:s26] =	ssyncset.done $0x0  }
0xc2: {  	s4 =	simm.s32 $0x0;
	[sflag:s26] =	ssyncadd.s32 $0xFFFFE000  }
0xc3: {  	v1 =	vld [tilespmem:s4+$0x1A0F0]  }
0xc4: {  	v3 =	vld [tilespmem:s4+$0x1A080]  }
0xc5: {  	v4 =	vld [tilespmem:s4+$0x1A090]  }
0xc6: {  	v12 =	vld [tilespmem:s4+$0x1A0A0]  }
0xc7: {  	v11 =	vld [tilespmem:s4+$0x1A0B0]  }
0xc8: {  	v9 =	vimm.f32 $0.0e+00;
	v2 =	vimm.f32 $0.0e+00;
	v8 =	vld [tilespmem:s4+$0x1A0C0]  }
0xc9: {  	v7 =	vimm.f32 $0.0e+00;
	v5 =	vimm.f32 $0.0e+00;
	v10 =	vld [tilespmem:s4+$0x1A0D0];
	v1 =	vadd.f32 v1, v2  }
0xca: {  	s15 =	simm.s32 $0x400;
	s9 =	simm.s32 $0x80;
	v13 =	vld [tilespmem:s4+$0x1A0E0];
	v6 =	vadd.f32 v3, v2;
	v4 =	vadd.f32 v4, v2;
	v3 =	vimm.f32 $0.0e+00  }
.LBB2_16:
0xcb: {  	p3 =	sne.s32 s15, $0x3E00;
	v14 =	vld [tilespmem:s9+$0x1A0F0];
	v2 =	vadd.f32 v12, v2  }
0xcc: {  	v15 =	vld [tilespmem:s9+$0x1A080];
	v7 =	vadd.f32 v11, v7  }
0xcd: {  	v16 =	vld [tilespmem:s9+$0x1A090];
	v9 =	vadd.f32 v8, v9  }
.Ltmp7:
0xce: {  	v12 =	vld [tilespmem:s9+$0x1A0A0];
	v5 =	vadd.f32 v10, v5;
	(pc) =	sbr.rel @p3 .LBB2_16-.Ltmp7, $4  }
0xcf: {  	v11 =	vld [tilespmem:s9+$0x1A0B0];
	v3 =	vadd.f32 v13, v3  }
0xd0: {  	v8 =	vld [tilespmem:s9+$0x1A0C0];
	v1 =	vadd.f32 v14, v1  }
0xd1: {  	v6 =	vadd.f32 v15, v6;
	v10 =	vld [tilespmem:s9+$0x1A0D0]  }
0xd2: {  	v4 =	vadd.f32 v16, v4;
	v13 =	vld [tilespmem:s9+$0x1A0E0];
	s9 =	sshra.s32 s15, $0x2;
	s15 =	sadd.s32 $0x200, s15  }
0xd3: {  	v15 =	vld [tilespmem:s9+$0x1A080]  }
0xd4: {  	v16 =	vld [tilespmem:s9+$0x1A090]  }
0xd5: {  	v17 =	vld [tilespmem:s9+$0x1A0A0]  }
0xd6: {  	v14 =	vld [tilespmem:s9+$0x1A0F0]  }
0xd7: {  	v7 =	vadd.f32 v11, v7;
	v11 =	vld [tilespmem:s9+$0x1A0E0]  }
0xd8: {  	v18 =	vld [tilespmem:s9+$0x1A0B0];
	v2 =	vadd.f32 v12, v2;
	v6 =	vadd.f32 v15, v6  }
0xd9: {  	v19 =	vld [tilespmem:s9+$0x1A0C0];
	v4 =	vadd.f32 v16, v4  }
0xda: {  	v12 =	vld [tilespmem:s9+$0x1A0D0];
	v3 =	vadd.f32 v13, v3;
	v2 =	vadd.f32 v17, v2;
	[tilespmem:$0x1E280] =	vst v6  }
0xdb: {  	v1 =	vadd.f32 v14, v1;
	[tilespmem:$0x1E290] =	vst v4  }
0xdc: {  	v8 =	vadd.f32 v8, v9;
	v3 =	vadd.f32 v11, v3;
	[tilespmem:$0x1E2A0] =	vst v2  }
0xdd: {  	v5 =	vadd.f32 v10, v5;
	v6 =	vadd.f32 v18, v7;
	[tilespmem:$0x1E2F0] =	vst v1  }
0xde: {  	v4 =	vadd.f32 v19, v8;
	[tilespmem:$0x1E2E0] =	vst v3  }
0xdf: {  	v2 =	vadd.f32 v12, v5;
	[tilespmem:$0x1E2B0] =	vst v6  }
0xe0: {  	[tilespmem:$0x1E2C0] =	vst v4  }
0xe1: {  	s4 =	simm.s32 $0x0;
	[tilespmem:$0x1E2D0] =	vst v2  }
0xe2: {  	v1 =	vld [tilespmem:s4+$0x1B0F0]  }
0xe3: {  	v3 =	vld [tilespmem:s4+$0x1B080]  }
0xe4: {  	v4 =	vld [tilespmem:s4+$0x1B090]  }
0xe5: {  	v12 =	vld [tilespmem:s4+$0x1B0A0]  }
0xe6: {  	v11 =	vld [tilespmem:s4+$0x1B0B0]  }
0xe7: {  	v9 =	vimm.f32 $0.0e+00;
	v2 =	vimm.f32 $0.0e+00;
	v8 =	vld [tilespmem:s4+$0x1B0C0]  }
0xe8: {  	v7 =	vimm.f32 $0.0e+00;
	v5 =	vimm.f32 $0.0e+00;
	v10 =	vld [tilespmem:s4+$0x1B0D0];
	v1 =	vadd.f32 v1, v2  }
0xe9: {  	s15 =	simm.s32 $0x400;
	s9 =	simm.s32 $0x80;
	v13 =	vld [tilespmem:s4+$0x1B0E0];
	v6 =	vadd.f32 v3, v2;
	v4 =	vadd.f32 v4, v2;
	v3 =	vimm.f32 $0.0e+00  }
.LBB2_18:
0xea: {  	p3 =	sne.s32 s15, $0x3E00;
	v14 =	vld [tilespmem:s9+$0x1B0F0];
	v2 =	vadd.f32 v12, v2  }
0xeb: {  	v15 =	vld [tilespmem:s9+$0x1B080];
	v7 =	vadd.f32 v11, v7  }
0xec: {  	v16 =	vld [tilespmem:s9+$0x1B090];
	v9 =	vadd.f32 v8, v9  }
.Ltmp8:
0xed: {  	v12 =	vld [tilespmem:s9+$0x1B0A0];
	v5 =	vadd.f32 v10, v5;
	(pc) =	sbr.rel @p3 .LBB2_18-.Ltmp8, $4  }
0xee: {  	v11 =	vld [tilespmem:s9+$0x1B0B0];
	v3 =	vadd.f32 v13, v3  }
0xef: {  	v8 =	vld [tilespmem:s9+$0x1B0C0];
	v1 =	vadd.f32 v14, v1  }
0xf0: {  	v6 =	vadd.f32 v15, v6;
	v10 =	vld [tilespmem:s9+$0x1B0D0]  }
0xf1: {  	v4 =	vadd.f32 v16, v4;
	v13 =	vld [tilespmem:s9+$0x1B0E0];
	s9 =	sshra.s32 s15, $0x2;
	s15 =	sadd.s32 $0x200, s15  }
0xf2: {  	v15 =	vld [tilespmem:s9+$0x1B080]  }
0xf3: {  	v16 =	vld [tilespmem:s9+$0x1B090]  }
0xf4: {  	v17 =	vld [tilespmem:s9+$0x1B0A0]  }
0xf5: {  	v14 =	vld [tilespmem:s9+$0x1B0F0]  }
0xf6: {  	v7 =	vadd.f32 v11, v7;
	v11 =	vld [tilespmem:s9+$0x1B0E0]  }
0xf7: {  	v18 =	vld [tilespmem:s9+$0x1B0B0];
	v2 =	vadd.f32 v12, v2;
	v6 =	vadd.f32 v15, v6  }
0xf8: {  	v19 =	vld [tilespmem:s9+$0x1B0C0];
	v4 =	vadd.f32 v16, v4  }
0xf9: {  	v12 =	vld [tilespmem:s9+$0x1B0D0];
	v3 =	vadd.f32 v13, v3;
	v2 =	vadd.f32 v17, v2;
	[tilespmem:$0x1E300] =	vst v6  }
0xfa: {  	v1 =	vadd.f32 v14, v1;
	[tilespmem:$0x1E310] =	vst v4  }
0xfb: {  	v8 =	vadd.f32 v8, v9;
	v3 =	vadd.f32 v11, v3;
	[tilespmem:$0x1E320] =	vst v2  }
0xfc: {  	v5 =	vadd.f32 v10, v5;
	v6 =	vadd.f32 v18, v7;
	[tilespmem:$0x1E370] =	vst v1  }
0xfd: {  	v4 =	vadd.f32 v19, v8;
	[tilespmem:$0x1E360] =	vst v3  }
0xfe: {  	v2 =	vadd.f32 v12, v5;
	[tilespmem:$0x1E330] =	vst v6  }
0xff: {  	[tilespmem:$0x1E340] =	vst v4  }
0x100: {  	s4 =	sadd.s32 $0x13A00, s8;
	[tilespmem:$0x1E350] =	vst v2  }
0x101: {  	[tilespmem:s21], [sflag:$0x3] =	stream.indirect.gather [spmem:s1], $0x80, s4, s16, $0xb8;
	[tilespmem:$0x1E880] =	vst v63  }
0x102: {  	_ =	swait.ge [sflag:s28], $0x2000  }
0x103: {  	[sflag:s28] =	ssyncset.done $0x0  }
0x104: {  	s4 =	simm.s32 $0x0;
	[sflag:s28] =	ssyncadd.s32 $0xFFFFE000  }
0x105: {  	v1 =	vld [tilespmem:s4+$0x1C0F0]  }
0x106: {  	v3 =	vld [tilespmem:s4+$0x1C080]  }
0x107: {  	v4 =	vld [tilespmem:s4+$0x1C090]  }
0x108: {  	v12 =	vld [tilespmem:s4+$0x1C0A0]  }
0x109: {  	v11 =	vld [tilespmem:s4+$0x1C0B0]  }
0x10a: {  	v9 =	vimm.f32 $0.0e+00;
	v2 =	vimm.f32 $0.0e+00;
	v8 =	vld [tilespmem:s4+$0x1C0C0]  }
0x10b: {  	v7 =	vimm.f32 $0.0e+00;
	v5 =	vimm.f32 $0.0e+00;
	v10 =	vld [tilespmem:s4+$0x1C0D0];
	v1 =	vadd.f32 v1, v2  }
0x10c: {  	s15 =	simm.s32 $0x400;
	s9 =	simm.s32 $0x80;
	v13 =	vld [tilespmem:s4+$0x1C0E0];
	v6 =	vadd.f32 v3, v2;
	v4 =	vadd.f32 v4, v2;
	v3 =	vimm.f32 $0.0e+00  }
.LBB2_20:
0x10d: {  	p3 =	sne.s32 s15, $0x3E00;
	v14 =	vld [tilespmem:s9+$0x1C0F0];
	v2 =	vadd.f32 v12, v2  }
0x10e: {  	v15 =	vld [tilespmem:s9+$0x1C080];
	v7 =	vadd.f32 v11, v7  }
0x10f: {  	v16 =	vld [tilespmem:s9+$0x1C090];
	v9 =	vadd.f32 v8, v9  }
.Ltmp9:
0x110: {  	v12 =	vld [tilespmem:s9+$0x1C0A0];
	v5 =	vadd.f32 v10, v5;
	(pc) =	sbr.rel @p3 .LBB2_20-.Ltmp9, $4  }
0x111: {  	v11 =	vld [tilespmem:s9+$0x1C0B0];
	v3 =	vadd.f32 v13, v3  }
0x112: {  	v8 =	vld [tilespmem:s9+$0x1C0C0];
	v1 =	vadd.f32 v14, v1  }
0x113: {  	v6 =	vadd.f32 v15, v6;
	v10 =	vld [tilespmem:s9+$0x1C0D0]  }
0x114: {  	v4 =	vadd.f32 v16, v4;
	v13 =	vld [tilespmem:s9+$0x1C0E0];
	s9 =	sshra.s32 s15, $0x2;
	s15 =	sadd.s32 $0x200, s15  }
0x115: {  	v15 =	vld [tilespmem:s9+$0x1C080]  }
0x116: {  	v16 =	vld [tilespmem:s9+$0x1C090]  }
0x117: {  	v17 =	vld [tilespmem:s9+$0x1C0A0]  }
0x118: {  	v14 =	vld [tilespmem:s9+$0x1C0F0]  }
0x119: {  	v7 =	vadd.f32 v11, v7;
	v11 =	vld [tilespmem:s9+$0x1C0E0]  }
0x11a: {  	v18 =	vld [tilespmem:s9+$0x1C0B0];
	v2 =	vadd.f32 v12, v2;
	v6 =	vadd.f32 v15, v6  }
0x11b: {  	v19 =	vld [tilespmem:s9+$0x1C0C0];
	v4 =	vadd.f32 v16, v4  }
0x11c: {  	v12 =	vld [tilespmem:s9+$0x1C0D0];
	v3 =	vadd.f32 v13, v3;
	v2 =	vadd.f32 v17, v2;
	[tilespmem:$0x1E380] =	vst v6  }
0x11d: {  	v1 =	vadd.f32 v14, v1;
	[tilespmem:$0x1E390] =	vst v4  }
0x11e: {  	v8 =	vadd.f32 v8, v9;
	v3 =	vadd.f32 v11, v3;
	[tilespmem:$0x1E3A0] =	vst v2  }
0x11f: {  	v5 =	vadd.f32 v10, v5;
	v6 =	vadd.f32 v18, v7;
	[tilespmem:$0x1E3F0] =	vst v1  }
0x120: {  	v4 =	vadd.f32 v19, v8;
	[tilespmem:$0x1E3E0] =	vst v3  }
0x121: {  	v2 =	vadd.f32 v12, v5;
	[tilespmem:$0x1E3B0] =	vst v6  }
0x122: {  	[tilespmem:$0x1E3C0] =	vst v4  }
0x123: {  	s4 =	simm.s32 $0x0;
	[tilespmem:$0x1E3D0] =	vst v2  }
0x124: {  	v1 =	vld [tilespmem:s4+$0x1D0F0]  }
0x125: {  	v3 =	vld [tilespmem:s4+$0x1D080]  }
0x126: {  	v4 =	vld [tilespmem:s4+$0x1D090]  }
0x127: {  	v12 =	vld [tilespmem:s4+$0x1D0A0]  }
0x128: {  	v11 =	vld [tilespmem:s4+$0x1D0B0]  }
0x129: {  	v9 =	vimm.f32 $0.0e+00;
	v2 =	vimm.f32 $0.0e+00;
	v8 =	vld [tilespmem:s4+$0x1D0C0]  }
0x12a: {  	v7 =	vimm.f32 $0.0e+00;
	v5 =	vimm.f32 $0.0e+00;
	v10 =	vld [tilespmem:s4+$0x1D0D0];
	v1 =	vadd.f32 v1, v2  }
0x12b: {  	s15 =	simm.s32 $0x400;
	s9 =	simm.s32 $0x80;
	v13 =	vld [tilespmem:s4+$0x1D0E0];
	v6 =	vadd.f32 v3, v2;
	v4 =	vadd.f32 v4, v2;
	v3 =	vimm.f32 $0.0e+00  }
.LBB2_22:
0x12c: {  	p3 =	sne.s32 s15, $0x3E00;
	v14 =	vld [tilespmem:s9+$0x1D0F0];
	v2 =	vadd.f32 v12, v2  }
0x12d: {  	v15 =	vld [tilespmem:s9+$0x1D080];
	v7 =	vadd.f32 v11, v7  }
0x12e: {  	v16 =	vld [tilespmem:s9+$0x1D090];
	v9 =	vadd.f32 v8, v9  }
.Ltmp10:
0x12f: {  	v12 =	vld [tilespmem:s9+$0x1D0A0];
	v5 =	vadd.f32 v10, v5;
	(pc) =	sbr.rel @p3 .LBB2_22-.Ltmp10, $4  }
0x130: {  	v11 =	vld [tilespmem:s9+$0x1D0B0];
	v3 =	vadd.f32 v13, v3  }
0x131: {  	v8 =	vld [tilespmem:s9+$0x1D0C0];
	v1 =	vadd.f32 v14, v1  }
0x132: {  	v6 =	vadd.f32 v15, v6;
	v10 =	vld [tilespmem:s9+$0x1D0D0]  }
0x133: {  	v4 =	vadd.f32 v16, v4;
	v13 =	vld [tilespmem:s9+$0x1D0E0];
	s9 =	sshra.s32 s15, $0x2;
	s15 =	sadd.s32 $0x200, s15  }
0x134: {  	v15 =	vld [tilespmem:s9+$0x1D080]  }
0x135: {  	v16 =	vld [tilespmem:s9+$0x1D090]  }
0x136: {  	v17 =	vld [tilespmem:s9+$0x1D0A0]  }
0x137: {  	v14 =	vld [tilespmem:s9+$0x1D0F0]  }
0x138: {  	v7 =	vadd.f32 v11, v7;
	v11 =	vld [tilespmem:s9+$0x1D0E0]  }
0x139: {  	v18 =	vld [tilespmem:s9+$0x1D0B0];
	v2 =	vadd.f32 v12, v2;
	v6 =	vadd.f32 v15, v6  }
0x13a: {  	v19 =	vld [tilespmem:s9+$0x1D0C0];
	v4 =	vadd.f32 v16, v4  }
0x13b: {  	v12 =	vld [tilespmem:s9+$0x1D0D0];
	v3 =	vadd.f32 v13, v3;
	v2 =	vadd.f32 v17, v2;
	[tilespmem:$0x1E400] =	vst v6  }
0x13c: {  	v1 =	vadd.f32 v14, v1;
	[tilespmem:$0x1E410] =	vst v4  }
0x13d: {  	v8 =	vadd.f32 v8, v9;
	v3 =	vadd.f32 v11, v3;
	[tilespmem:$0x1E420] =	vst v2  }
0x13e: {  	v5 =	vadd.f32 v10, v5;
	v6 =	vadd.f32 v18, v7;
	[tilespmem:$0x1E470] =	vst v1  }
0x13f: {  	v4 =	vadd.f32 v19, v8;
	[tilespmem:$0x1E460] =	vst v3  }
0x140: {  	v2 =	vadd.f32 v12, v5;
	[tilespmem:$0x1E430] =	vst v6  }
0x141: {  	[tilespmem:$0x1E440] =	vst v4  }
0x142: {  	s4 =	sadd.s32 $0x13A40, s8;
	s15 =	sadd.s32 s5, s22;
	[tilespmem:$0x1E450] =	vst v2  }
0x143: {  	[tilespmem:s23], [sflag:$0x4] =	stream.indirect.gather [spmem:s1], $0x80, s4, s16, $0xb8;
	[tilespmem:$0x1E880] =	vst v63  }
0x144: {  	s4 =	sshll.u32 s15, $0x4  }
0x145: {  	s4 =	sadd.s32 s3, s4  }
0x146: {  	[hbm4b:s4+s2] =	stream.linear.scatter [tilespmem:s29], [sflag:$0x5], $0x400, $0x38;
	[tilespmem:$0x1E880] =	vst v63  }
0x147: {  	s4 =	simm.s32 @!p2 $0x6  }
0x148: {  	_ =	swait.ge @!p2 [sflag:s4], $0x400  }
0x149: {  	[sflag:s4] =	ssyncset.done @!p2 $0x0  }
0x14a: {  	[sflag:s4] =	ssyncadd.s32 @!p2 $0xFFFFFC00  }
0x14b: {  	_ =	swait.ge [sflag:s24], $0x2000  }
0x14c: {  	[sflag:s24] =	ssyncset.done $0x0  }
0x14d: {  	s4 =	simm.s32 $0x0;
	[sflag:s24] =	ssyncadd.s32 $0xFFFFE000  }
0x14e: {  	v1 =	vld [tilespmem:s4+$0x160F0]  }
0x14f: {  	v3 =	vld [tilespmem:s4+$0x16080]  }
0x150: {  	v4 =	vld [tilespmem:s4+$0x16090]  }
0x151: {  	v12 =	vld [tilespmem:s4+$0x160A0]  }
0x152: {  	v11 =	vld [tilespmem:s4+$0x160B0]  }
0x153: {  	v9 =	vimm.f32 $0.0e+00;
	v2 =	vimm.f32 $0.0e+00;
	v8 =	vld [tilespmem:s4+$0x160C0]  }
0x154: {  	v7 =	vimm.f32 $0.0e+00;
	v5 =	vimm.f32 $0.0e+00;
	v10 =	vld [tilespmem:s4+$0x160D0];
	v1 =	vadd.f32 v1, v2  }
0x155: {  	s9 =	simm.s32 $0x80;
	s15 =	simm.s32 $0x400;
	v13 =	vld [tilespmem:s4+$0x160E0];
	v6 =	vadd.f32 v3, v2;
	v4 =	vadd.f32 v4, v2;
	v3 =	vimm.f32 $0.0e+00  }
.LBB2_24:
0x156: {  	p2 =	sne.s32 s15, $0x3E00;
	v14 =	vld [tilespmem:s9+$0x160F0];
	v2 =	vadd.f32 v12, v2  }
0x157: {  	v15 =	vld [tilespmem:s9+$0x16080];
	v7 =	vadd.f32 v11, v7  }
0x158: {  	v16 =	vld [tilespmem:s9+$0x16090];
	v9 =	vadd.f32 v8, v9  }
.Ltmp11:
0x159: {  	v12 =	vld [tilespmem:s9+$0x160A0];
	v5 =	vadd.f32 v10, v5;
	(pc) =	sbr.rel @p2 .LBB2_24-.Ltmp11, $4  }
0x15a: {  	v11 =	vld [tilespmem:s9+$0x160B0];
	v3 =	vadd.f32 v13, v3  }
0x15b: {  	v8 =	vld [tilespmem:s9+$0x160C0];
	v1 =	vadd.f32 v14, v1  }
0x15c: {  	v6 =	vadd.f32 v15, v6;
	v10 =	vld [tilespmem:s9+$0x160D0]  }
0x15d: {  	v4 =	vadd.f32 v16, v4;
	v13 =	vld [tilespmem:s9+$0x160E0];
	s9 =	sshra.s32 s15, $0x2;
	s15 =	sadd.s32 $0x200, s15  }
0x15e: {  	v15 =	vld [tilespmem:s9+$0x16080]  }
0x15f: {  	v16 =	vld [tilespmem:s9+$0x16090]  }
0x160: {  	v17 =	vld [tilespmem:s9+$0x160A0]  }
0x161: {  	v14 =	vld [tilespmem:s9+$0x160F0]  }
0x162: {  	v7 =	vadd.f32 v11, v7;
	v11 =	vld [tilespmem:s9+$0x160E0]  }
0x163: {  	v18 =	vld [tilespmem:s9+$0x160B0];
	v2 =	vadd.f32 v12, v2;
	v6 =	vadd.f32 v15, v6  }
0x164: {  	v19 =	vld [tilespmem:s9+$0x160C0];
	v4 =	vadd.f32 v16, v4  }
0x165: {  	v12 =	vld [tilespmem:s9+$0x160D0];
	v3 =	vadd.f32 v13, v3;
	v2 =	vadd.f32 v17, v2;
	[tilespmem:$0x1E480] =	vst v6  }
0x166: {  	v1 =	vadd.f32 v14, v1;
	[tilespmem:$0x1E490] =	vst v4  }
0x167: {  	v8 =	vadd.f32 v8, v9;
	v3 =	vadd.f32 v11, v3;
	[tilespmem:$0x1E4A0] =	vst v2  }
0x168: {  	v5 =	vadd.f32 v10, v5;
	v6 =	vadd.f32 v18, v7;
	[tilespmem:$0x1E4F0] =	vst v1  }
0x169: {  	v4 =	vadd.f32 v19, v8;
	[tilespmem:$0x1E4E0] =	vst v3  }
0x16a: {  	v2 =	vadd.f32 v12, v5;
	[tilespmem:$0x1E4B0] =	vst v6  }
0x16b: {  	[tilespmem:$0x1E4C0] =	vst v4  }
0x16c: {  	s4 =	simm.s32 $0x0;
	[tilespmem:$0x1E4D0] =	vst v2  }
0x16d: {  	v1 =	vld [tilespmem:s4+$0x170F0]  }
0x16e: {  	v3 =	vld [tilespmem:s4+$0x17080]  }
0x16f: {  	v4 =	vld [tilespmem:s4+$0x17090]  }
0x170: {  	v12 =	vld [tilespmem:s4+$0x170A0]  }
0x171: {  	v11 =	vld [tilespmem:s4+$0x170B0]  }
0x172: {  	v9 =	vimm.f32 $0.0e+00;
	v2 =	vimm.f32 $0.0e+00;
	v8 =	vld [tilespmem:s4+$0x170C0]  }
0x173: {  	v7 =	vimm.f32 $0.0e+00;
	v5 =	vimm.f32 $0.0e+00;
	v10 =	vld [tilespmem:s4+$0x170D0];
	v1 =	vadd.f32 v1, v2  }
0x174: {  	s15 =	simm.s32 $0x400;
	s9 =	simm.s32 $0x80;
	v13 =	vld [tilespmem:s4+$0x170E0];
	v6 =	vadd.f32 v3, v2;
	v4 =	vadd.f32 v4, v2;
	v3 =	vimm.f32 $0.0e+00  }
.LBB2_26:
0x175: {  	p2 =	sne.s32 s15, $0x3E00;
	v14 =	vld [tilespmem:s9+$0x170F0];
	v2 =	vadd.f32 v12, v2  }
0x176: {  	v15 =	vld [tilespmem:s9+$0x17080];
	v7 =	vadd.f32 v11, v7  }
0x177: {  	v16 =	vld [tilespmem:s9+$0x17090];
	v9 =	vadd.f32 v8, v9  }
.Ltmp12:
0x178: {  	v12 =	vld [tilespmem:s9+$0x170A0];
	v5 =	vadd.f32 v10, v5;
	(pc) =	sbr.rel @p2 .LBB2_26-.Ltmp12, $4  }
0x179: {  	v11 =	vld [tilespmem:s9+$0x170B0];
	v3 =	vadd.f32 v13, v3  }
0x17a: {  	v8 =	vld [tilespmem:s9+$0x170C0];
	v1 =	vadd.f32 v14, v1  }
0x17b: {  	v6 =	vadd.f32 v15, v6;
	v10 =	vld [tilespmem:s9+$0x170D0]  }
0x17c: {  	v4 =	vadd.f32 v16, v4;
	v13 =	vld [tilespmem:s9+$0x170E0];
	s9 =	sshra.s32 s15, $0x2;
	s15 =	sadd.s32 $0x200, s15  }
0x17d: {  	v15 =	vld [tilespmem:s9+$0x17080]  }
0x17e: {  	v16 =	vld [tilespmem:s9+$0x17090]  }
0x17f: {  	v17 =	vld [tilespmem:s9+$0x170A0]  }
0x180: {  	v14 =	vld [tilespmem:s9+$0x170F0]  }
0x181: {  	v7 =	vadd.f32 v11, v7;
	v11 =	vld [tilespmem:s9+$0x170E0]  }
0x182: {  	v18 =	vld [tilespmem:s9+$0x170B0];
	v2 =	vadd.f32 v12, v2;
	v6 =	vadd.f32 v15, v6  }
0x183: {  	v19 =	vld [tilespmem:s9+$0x170C0];
	v4 =	vadd.f32 v16, v4  }
0x184: {  	v12 =	vld [tilespmem:s9+$0x170D0];
	v3 =	vadd.f32 v13, v3;
	v2 =	vadd.f32 v17, v2;
	[tilespmem:$0x1E500] =	vst v6  }
0x185: {  	v1 =	vadd.f32 v14, v1;
	[tilespmem:$0x1E510] =	vst v4  }
0x186: {  	v8 =	vadd.f32 v8, v9;
	v3 =	vadd.f32 v11, v3;
	[tilespmem:$0x1E520] =	vst v2  }
0x187: {  	v5 =	vadd.f32 v10, v5;
	v6 =	vadd.f32 v18, v7;
	[tilespmem:$0x1E570] =	vst v1  }
0x188: {  	v4 =	vadd.f32 v19, v8;
	[tilespmem:$0x1E560] =	vst v3  }
0x189: {  	v2 =	vadd.f32 v12, v5;
	[tilespmem:$0x1E530] =	vst v6  }
0x18a: {  	p2 =	seq.s32 s20, $0x13;
	[tilespmem:$0x1E540] =	vst v4  }
0x18b: {  	s4 =	sadd.s32 @!p2 $0x13A80, s8;
	s9 =	simm.s32 @!p2 $0x40;
	s15 =	simm.s32 @!p2 $0x16080;
	[tilespmem:$0x1E550] =	vst v2  }
0x18c: {  	[tilespmem:s15], [sflag:$0x1] =	stream.indirect.gather @!p2 [spmem:s1], $0x80, s4, s9, $0xb8;
	[tilespmem:$0x1E880] =	vst v63  }
0x18d: {  	_ =	swait.ge [sflag:s25], $0x2000  }
0x18e: {  	[sflag:s25] =	ssyncset.done $0x0  }
0x18f: {  	s4 =	simm.s32 $0x0;
	[sflag:s25] =	ssyncadd.s32 $0xFFFFE000  }
0x190: {  	v1 =	vld [tilespmem:s4+$0x180F0]  }
0x191: {  	v3 =	vld [tilespmem:s4+$0x18080]  }
0x192: {  	v4 =	vld [tilespmem:s4+$0x18090]  }
0x193: {  	v12 =	vld [tilespmem:s4+$0x180A0]  }
0x194: {  	v11 =	vld [tilespmem:s4+$0x180B0]  }
0x195: {  	v9 =	vimm.f32 $0.0e+00;
	v2 =	vimm.f32 $0.0e+00;
	v8 =	vld [tilespmem:s4+$0x180C0]  }
0x196: {  	v7 =	vimm.f32 $0.0e+00;
	v5 =	vimm.f32 $0.0e+00;
	v10 =	vld [tilespmem:s4+$0x180D0];
	v1 =	vadd.f32 v1, v2  }
0x197: {  	s9 =	simm.s32 $0x80;
	s15 =	simm.s32 $0x400;
	v13 =	vld [tilespmem:s4+$0x180E0];
	v6 =	vadd.f32 v3, v2;
	v4 =	vadd.f32 v4, v2;
	v3 =	vimm.f32 $0.0e+00  }
.LBB2_28:
0x198: {  	p3 =	sne.s32 s15, $0x3E00;
	v14 =	vld [tilespmem:s9+$0x180F0];
	v2 =	vadd.f32 v12, v2  }
0x199: {  	v15 =	vld [tilespmem:s9+$0x18080];
	v7 =	vadd.f32 v11, v7  }
0x19a: {  	v16 =	vld [tilespmem:s9+$0x18090];
	v9 =	vadd.f32 v8, v9  }
.Ltmp13:
0x19b: {  	v12 =	vld [tilespmem:s9+$0x180A0];
	v5 =	vadd.f32 v10, v5;
	(pc) =	sbr.rel @p3 .LBB2_28-.Ltmp13, $4  }
0x19c: {  	v11 =	vld [tilespmem:s9+$0x180B0];
	v3 =	vadd.f32 v13, v3  }
0x19d: {  	v8 =	vld [tilespmem:s9+$0x180C0];
	v1 =	vadd.f32 v14, v1  }
0x19e: {  	v6 =	vadd.f32 v15, v6;
	v10 =	vld [tilespmem:s9+$0x180D0]  }
0x19f: {  	v4 =	vadd.f32 v16, v4;
	v13 =	vld [tilespmem:s9+$0x180E0];
	s9 =	sshra.s32 s15, $0x2;
	s15 =	sadd.s32 $0x200, s15  }
0x1a0: {  	v15 =	vld [tilespmem:s9+$0x18080]  }
0x1a1: {  	v16 =	vld [tilespmem:s9+$0x18090]  }
0x1a2: {  	v17 =	vld [tilespmem:s9+$0x180A0]  }
0x1a3: {  	v14 =	vld [tilespmem:s9+$0x180F0]  }
0x1a4: {  	v7 =	vadd.f32 v11, v7;
	v11 =	vld [tilespmem:s9+$0x180E0]  }
0x1a5: {  	v18 =	vld [tilespmem:s9+$0x180B0];
	v2 =	vadd.f32 v12, v2;
	v6 =	vadd.f32 v15, v6  }
0x1a6: {  	v19 =	vld [tilespmem:s9+$0x180C0];
	v4 =	vadd.f32 v16, v4  }
0x1a7: {  	v12 =	vld [tilespmem:s9+$0x180D0];
	v3 =	vadd.f32 v13, v3;
	v2 =	vadd.f32 v17, v2;
	[tilespmem:$0x1E580] =	vst v6  }
0x1a8: {  	v1 =	vadd.f32 v14, v1;
	[tilespmem:$0x1E590] =	vst v4  }
0x1a9: {  	v8 =	vadd.f32 v8, v9;
	v3 =	vadd.f32 v11, v3;
	[tilespmem:$0x1E5A0] =	vst v2  }
0x1aa: {  	v5 =	vadd.f32 v10, v5;
	v6 =	vadd.f32 v18, v7;
	[tilespmem:$0x1E5F0] =	vst v1  }
0x1ab: {  	v4 =	vadd.f32 v19, v8;
	[tilespmem:$0x1E5E0] =	vst v3  }
0x1ac: {  	v2 =	vadd.f32 v12, v5;
	[tilespmem:$0x1E5B0] =	vst v6  }
0x1ad: {  	[tilespmem:$0x1E5C0] =	vst v4  }
0x1ae: {  	s4 =	simm.s32 $0x0;
	[tilespmem:$0x1E5D0] =	vst v2  }
0x1af: {  	v1 =	vld [tilespmem:s4+$0x190F0]  }
0x1b0: {  	v3 =	vld [tilespmem:s4+$0x19080]  }
0x1b1: {  	v4 =	vld [tilespmem:s4+$0x19090]  }
0x1b2: {  	v12 =	vld [tilespmem:s4+$0x190A0]  }
0x1b3: {  	v11 =	vld [tilespmem:s4+$0x190B0]  }
0x1b4: {  	v9 =	vimm.f32 $0.0e+00;
	v2 =	vimm.f32 $0.0e+00;
	v8 =	vld [tilespmem:s4+$0x190C0]  }
0x1b5: {  	v7 =	vimm.f32 $0.0e+00;
	v5 =	vimm.f32 $0.0e+00;
	v10 =	vld [tilespmem:s4+$0x190D0];
	v1 =	vadd.f32 v1, v2  }
0x1b6: {  	s15 =	simm.s32 $0x400;
	s9 =	simm.s32 $0x80;
	v13 =	vld [tilespmem:s4+$0x190E0];
	v6 =	vadd.f32 v3, v2;
	v4 =	vadd.f32 v4, v2;
	v3 =	vimm.f32 $0.0e+00  }
.LBB2_30:
0x1b7: {  	p3 =	sne.s32 s15, $0x3E00;
	v14 =	vld [tilespmem:s9+$0x190F0];
	v2 =	vadd.f32 v12, v2  }
0x1b8: {  	v15 =	vld [tilespmem:s9+$0x19080];
	v7 =	vadd.f32 v11, v7  }
0x1b9: {  	v16 =	vld [tilespmem:s9+$0x19090];
	v9 =	vadd.f32 v8, v9  }
.Ltmp14:
0x1ba: {  	v12 =	vld [tilespmem:s9+$0x190A0];
	v5 =	vadd.f32 v10, v5;
	(pc) =	sbr.rel @p3 .LBB2_30-.Ltmp14, $4  }
0x1bb: {  	v11 =	vld [tilespmem:s9+$0x190B0];
	v3 =	vadd.f32 v13, v3  }
0x1bc: {  	v8 =	vld [tilespmem:s9+$0x190C0];
	v1 =	vadd.f32 v14, v1  }
0x1bd: {  	v6 =	vadd.f32 v15, v6;
	v10 =	vld [tilespmem:s9+$0x190D0]  }
0x1be: {  	v4 =	vadd.f32 v16, v4;
	v13 =	vld [tilespmem:s9+$0x190E0];
	s9 =	sshra.s32 s15, $0x2;
	s15 =	sadd.s32 $0x200, s15  }
0x1bf: {  	v15 =	vld [tilespmem:s9+$0x19080]  }
0x1c0: {  	v16 =	vld [tilespmem:s9+$0x19090]  }
0x1c1: {  	v17 =	vld [tilespmem:s9+$0x190A0]  }
0x1c2: {  	v14 =	vld [tilespmem:s9+$0x190F0]  }
0x1c3: {  	v7 =	vadd.f32 v11, v7;
	v11 =	vld [tilespmem:s9+$0x190E0]  }
0x1c4: {  	v18 =	vld [tilespmem:s9+$0x190B0];
	v2 =	vadd.f32 v12, v2;
	v6 =	vadd.f32 v15, v6  }
0x1c5: {  	v19 =	vld [tilespmem:s9+$0x190C0];
	v4 =	vadd.f32 v16, v4  }
0x1c6: {  	v12 =	vld [tilespmem:s9+$0x190D0];
	v3 =	vadd.f32 v13, v3;
	v2 =	vadd.f32 v17, v2;
	[tilespmem:$0x1E600] =	vst v6  }
0x1c7: {  	v1 =	vadd.f32 v14, v1;
	[tilespmem:$0x1E610] =	vst v4  }
0x1c8: {  	v8 =	vadd.f32 v8, v9;
	v3 =	vadd.f32 v11, v3;
	[tilespmem:$0x1E620] =	vst v2  }
0x1c9: {  	v5 =	vadd.f32 v10, v5;
	v6 =	vadd.f32 v18, v7;
	[tilespmem:$0x1E670] =	vst v1  }
0x1ca: {  	v4 =	vadd.f32 v19, v8;
	[tilespmem:$0x1E660] =	vst v3  }
0x1cb: {  	v2 =	vadd.f32 v12, v5;
	[tilespmem:$0x1E630] =	vst v6  }
0x1cc: {  	[tilespmem:$0x1E640] =	vst v4  }
0x1cd: {  	s4 =	sadd.s32 @!p2 $0x13AC0, s8;
	s15 =	simm.s32 @!p2 $0x18080;
	s9 =	simm.s32 @!p2 $0x40;
	[tilespmem:$0x1E650] =	vst v2  }
0x1ce: {  	[tilespmem:s15], [sflag:$0x2] =	stream.indirect.gather @!p2 [spmem:s1], $0x80, s4, s9, $0xb8;
	[tilespmem:$0x1E880] =	vst v63  }
0x1cf: {  	_ =	swait.ge [sflag:s26], $0x2000  }
0x1d0: {  	[sflag:s26] =	ssyncset.done $0x0  }
0x1d1: {  	s4 =	simm.s32 $0x0;
	[sflag:s26] =	ssyncadd.s32 $0xFFFFE000  }
0x1d2: {  	v1 =	vld [tilespmem:s4+$0x1A0F0]  }
0x1d3: {  	v3 =	vld [tilespmem:s4+$0x1A080]  }
0x1d4: {  	v4 =	vld [tilespmem:s4+$0x1A090]  }
0x1d5: {  	v12 =	vld [tilespmem:s4+$0x1A0A0]  }
0x1d6: {  	v11 =	vld [tilespmem:s4+$0x1A0B0]  }
0x1d7: {  	v9 =	vimm.f32 $0.0e+00;
	v2 =	vimm.f32 $0.0e+00;
	v8 =	vld [tilespmem:s4+$0x1A0C0]  }
0x1d8: {  	v7 =	vimm.f32 $0.0e+00;
	v5 =	vimm.f32 $0.0e+00;
	v10 =	vld [tilespmem:s4+$0x1A0D0];
	v1 =	vadd.f32 v1, v2  }
0x1d9: {  	s9 =	simm.s32 $0x80;
	s15 =	simm.s32 $0x400;
	v13 =	vld [tilespmem:s4+$0x1A0E0];
	v6 =	vadd.f32 v3, v2;
	v4 =	vadd.f32 v4, v2;
	v3 =	vimm.f32 $0.0e+00  }
.LBB2_32:
0x1da: {  	p3 =	sne.s32 s15, $0x3E00;
	v14 =	vld [tilespmem:s9+$0x1A0F0];
	v2 =	vadd.f32 v12, v2  }
0x1db: {  	v15 =	vld [tilespmem:s9+$0x1A080];
	v7 =	vadd.f32 v11, v7  }
0x1dc: {  	v16 =	vld [tilespmem:s9+$0x1A090];
	v9 =	vadd.f32 v8, v9  }
.Ltmp15:
0x1dd: {  	v12 =	vld [tilespmem:s9+$0x1A0A0];
	v5 =	vadd.f32 v10, v5;
	(pc) =	sbr.rel @p3 .LBB2_32-.Ltmp15, $4  }
0x1de: {  	v11 =	vld [tilespmem:s9+$0x1A0B0];
	v3 =	vadd.f32 v13, v3  }
0x1df: {  	v8 =	vld [tilespmem:s9+$0x1A0C0];
	v1 =	vadd.f32 v14, v1  }
0x1e0: {  	v6 =	vadd.f32 v15, v6;
	v10 =	vld [tilespmem:s9+$0x1A0D0]  }
0x1e1: {  	v4 =	vadd.f32 v16, v4;
	v13 =	vld [tilespmem:s9+$0x1A0E0];
	s9 =	sshra.s32 s15, $0x2;
	s15 =	sadd.s32 $0x200, s15  }
0x1e2: {  	v15 =	vld [tilespmem:s9+$0x1A080]  }
0x1e3: {  	v16 =	vld [tilespmem:s9+$0x1A090]  }
0x1e4: {  	v17 =	vld [tilespmem:s9+$0x1A0A0]  }
0x1e5: {  	v14 =	vld [tilespmem:s9+$0x1A0F0]  }
0x1e6: {  	v7 =	vadd.f32 v11, v7;
	v11 =	vld [tilespmem:s9+$0x1A0E0]  }
0x1e7: {  	v18 =	vld [tilespmem:s9+$0x1A0B0];
	v2 =	vadd.f32 v12, v2;
	v6 =	vadd.f32 v15, v6  }
0x1e8: {  	v19 =	vld [tilespmem:s9+$0x1A0C0];
	v4 =	vadd.f32 v16, v4  }
0x1e9: {  	v12 =	vld [tilespmem:s9+$0x1A0D0];
	v3 =	vadd.f32 v13, v3;
	v2 =	vadd.f32 v17, v2;
	[tilespmem:$0x1E680] =	vst v6  }
0x1ea: {  	v1 =	vadd.f32 v14, v1;
	[tilespmem:$0x1E690] =	vst v4  }
0x1eb: {  	v8 =	vadd.f32 v8, v9;
	v3 =	vadd.f32 v11, v3;
	[tilespmem:$0x1E6A0] =	vst v2  }
0x1ec: {  	v5 =	vadd.f32 v10, v5;
	v6 =	vadd.f32 v18, v7;
	[tilespmem:$0x1E6F0] =	vst v1  }
0x1ed: {  	v4 =	vadd.f32 v19, v8;
	[tilespmem:$0x1E6E0] =	vst v3  }
0x1ee: {  	v2 =	vadd.f32 v12, v5;
	[tilespmem:$0x1E6B0] =	vst v6  }
0x1ef: {  	[tilespmem:$0x1E6C0] =	vst v4  }
0x1f0: {  	s4 =	simm.s32 $0x0;
	[tilespmem:$0x1E6D0] =	vst v2  }
0x1f1: {  	v1 =	vld [tilespmem:s4+$0x1B0F0]  }
0x1f2: {  	v3 =	vld [tilespmem:s4+$0x1B080]  }
0x1f3: {  	v4 =	vld [tilespmem:s4+$0x1B090]  }
0x1f4: {  	v12 =	vld [tilespmem:s4+$0x1B0A0]  }
0x1f5: {  	v11 =	vld [tilespmem:s4+$0x1B0B0]  }
0x1f6: {  	v9 =	vimm.f32 $0.0e+00;
	v2 =	vimm.f32 $0.0e+00;
	v8 =	vld [tilespmem:s4+$0x1B0C0]  }
0x1f7: {  	v7 =	vimm.f32 $0.0e+00;
	v5 =	vimm.f32 $0.0e+00;
	v10 =	vld [tilespmem:s4+$0x1B0D0];
	v1 =	vadd.f32 v1, v2  }
0x1f8: {  	s15 =	simm.s32 $0x400;
	s9 =	simm.s32 $0x80;
	v13 =	vld [tilespmem:s4+$0x1B0E0];
	v6 =	vadd.f32 v3, v2;
	v4 =	vadd.f32 v4, v2;
	v3 =	vimm.f32 $0.0e+00  }
.LBB2_34:
0x1f9: {  	p3 =	sne.s32 s15, $0x3E00;
	v14 =	vld [tilespmem:s9+$0x1B0F0];
	v2 =	vadd.f32 v12, v2  }
0x1fa: {  	v15 =	vld [tilespmem:s9+$0x1B080];
	v7 =	vadd.f32 v11, v7  }
0x1fb: {  	v16 =	vld [tilespmem:s9+$0x1B090];
	v9 =	vadd.f32 v8, v9  }
.Ltmp16:
0x1fc: {  	v12 =	vld [tilespmem:s9+$0x1B0A0];
	v5 =	vadd.f32 v10, v5;
	(pc) =	sbr.rel @p3 .LBB2_34-.Ltmp16, $4  }
0x1fd: {  	v11 =	vld [tilespmem:s9+$0x1B0B0];
	v3 =	vadd.f32 v13, v3  }
0x1fe: {  	v8 =	vld [tilespmem:s9+$0x1B0C0];
	v1 =	vadd.f32 v14, v1  }
0x1ff: {  	v6 =	vadd.f32 v15, v6;
	v10 =	vld [tilespmem:s9+$0x1B0D0]  }
0x200: {  	v4 =	vadd.f32 v16, v4;
	v13 =	vld [tilespmem:s9+$0x1B0E0];
	s9 =	sshra.s32 s15, $0x2;
	s15 =	sadd.s32 $0x200, s15  }
0x201: {  	v15 =	vld [tilespmem:s9+$0x1B080]  }
0x202: {  	v16 =	vld [tilespmem:s9+$0x1B090]  }
0x203: {  	v17 =	vld [tilespmem:s9+$0x1B0A0]  }
0x204: {  	v14 =	vld [tilespmem:s9+$0x1B0F0]  }
0x205: {  	v7 =	vadd.f32 v11, v7;
	v11 =	vld [tilespmem:s9+$0x1B0E0]  }
0x206: {  	v18 =	vld [tilespmem:s9+$0x1B0B0];
	v2 =	vadd.f32 v12, v2;
	v6 =	vadd.f32 v15, v6  }
0x207: {  	v19 =	vld [tilespmem:s9+$0x1B0C0];
	v4 =	vadd.f32 v16, v4  }
0x208: {  	v12 =	vld [tilespmem:s9+$0x1B0D0];
	v3 =	vadd.f32 v13, v3;
	v2 =	vadd.f32 v17, v2;
	[tilespmem:$0x1E700] =	vst v6  }
0x209: {  	v1 =	vadd.f32 v14, v1;
	[tilespmem:$0x1E710] =	vst v4  }
0x20a: {  	v8 =	vadd.f32 v8, v9;
	v3 =	vadd.f32 v11, v3;
	[tilespmem:$0x1E720] =	vst v2  }
0x20b: {  	v5 =	vadd.f32 v10, v5;
	v6 =	vadd.f32 v18, v7;
	[tilespmem:$0x1E770] =	vst v1  }
0x20c: {  	v4 =	vadd.f32 v19, v8;
	[tilespmem:$0x1E760] =	vst v3  }
0x20d: {  	v2 =	vadd.f32 v12, v5;
	[tilespmem:$0x1E730] =	vst v6  }
0x20e: {  	[tilespmem:$0x1E740] =	vst v4  }
0x20f: {  	s4 =	sadd.s32 @!p2 $0x13B00, s8;
	s15 =	simm.s32 @!p2 $0x1A080;
	s9 =	simm.s32 @!p2 $0x40;
	[tilespmem:$0x1E750] =	vst v2  }
0x210: {  	[tilespmem:s15], [sflag:$0x3] =	stream.indirect.gather @!p2 [spmem:s1], $0x80, s4, s9, $0xb8;
	[tilespmem:$0x1E880] =	vst v63  }
0x211: {  	_ =	swait.ge [sflag:s28], $0x2000  }
0x212: {  	[sflag:s28] =	ssyncset.done $0x0  }
0x213: {  	s4 =	simm.s32 $0x0;
	[sflag:s28] =	ssyncadd.s32 $0xFFFFE000  }
0x214: {  	v1 =	vld [tilespmem:s4+$0x1C0F0]  }
0x215: {  	v3 =	vld [tilespmem:s4+$0x1C080]  }
0x216: {  	v4 =	vld [tilespmem:s4+$0x1C090]  }
0x217: {  	v12 =	vld [tilespmem:s4+$0x1C0A0]  }
0x218: {  	v11 =	vld [tilespmem:s4+$0x1C0B0]  }
0x219: {  	v9 =	vimm.f32 $0.0e+00;
	v2 =	vimm.f32 $0.0e+00;
	v8 =	vld [tilespmem:s4+$0x1C0C0]  }
0x21a: {  	v7 =	vimm.f32 $0.0e+00;
	v5 =	vimm.f32 $0.0e+00;
	v10 =	vld [tilespmem:s4+$0x1C0D0];
	v1 =	vadd.f32 v1, v2  }
0x21b: {  	s9 =	simm.s32 $0x80;
	s15 =	simm.s32 $0x400;
	v13 =	vld [tilespmem:s4+$0x1C0E0];
	v6 =	vadd.f32 v3, v2;
	v4 =	vadd.f32 v4, v2;
	v3 =	vimm.f32 $0.0e+00  }
.LBB2_36:
0x21c: {  	p3 =	sne.s32 s15, $0x3E00;
	v14 =	vld [tilespmem:s9+$0x1C0F0];
	v2 =	vadd.f32 v12, v2  }
0x21d: {  	v15 =	vld [tilespmem:s9+$0x1C080];
	v7 =	vadd.f32 v11, v7  }
0x21e: {  	v16 =	vld [tilespmem:s9+$0x1C090];
	v9 =	vadd.f32 v8, v9  }
.Ltmp17:
0x21f: {  	v12 =	vld [tilespmem:s9+$0x1C0A0];
	v5 =	vadd.f32 v10, v5;
	(pc) =	sbr.rel @p3 .LBB2_36-.Ltmp17, $4  }
0x220: {  	v11 =	vld [tilespmem:s9+$0x1C0B0];
	v3 =	vadd.f32 v13, v3  }
0x221: {  	v8 =	vld [tilespmem:s9+$0x1C0C0];
	v1 =	vadd.f32 v14, v1  }
0x222: {  	v6 =	vadd.f32 v15, v6;
	v10 =	vld [tilespmem:s9+$0x1C0D0]  }
0x223: {  	v4 =	vadd.f32 v16, v4;
	v13 =	vld [tilespmem:s9+$0x1C0E0];
	s9 =	sshra.s32 s15, $0x2;
	s15 =	sadd.s32 $0x200, s15  }
0x224: {  	v15 =	vld [tilespmem:s9+$0x1C080]  }
0x225: {  	v16 =	vld [tilespmem:s9+$0x1C090]  }
0x226: {  	v17 =	vld [tilespmem:s9+$0x1C0A0]  }
0x227: {  	v14 =	vld [tilespmem:s9+$0x1C0F0]  }
0x228: {  	v7 =	vadd.f32 v11, v7;
	v11 =	vld [tilespmem:s9+$0x1C0E0]  }
0x229: {  	v18 =	vld [tilespmem:s9+$0x1C0B0];
	v2 =	vadd.f32 v12, v2;
	v6 =	vadd.f32 v15, v6  }
0x22a: {  	v19 =	vld [tilespmem:s9+$0x1C0C0];
	v4 =	vadd.f32 v16, v4  }
0x22b: {  	v12 =	vld [tilespmem:s9+$0x1C0D0];
	v3 =	vadd.f32 v13, v3;
	v2 =	vadd.f32 v17, v2;
	[tilespmem:$0x1E780] =	vst v6  }
0x22c: {  	v1 =	vadd.f32 v14, v1;
	[tilespmem:$0x1E790] =	vst v4  }
0x22d: {  	v8 =	vadd.f32 v8, v9;
	v3 =	vadd.f32 v11, v3;
	[tilespmem:$0x1E7A0] =	vst v2  }
0x22e: {  	v5 =	vadd.f32 v10, v5;
	v6 =	vadd.f32 v18, v7;
	[tilespmem:$0x1E7F0] =	vst v1  }
0x22f: {  	v4 =	vadd.f32 v19, v8;
	[tilespmem:$0x1E7E0] =	vst v3  }
0x230: {  	v2 =	vadd.f32 v12, v5;
	[tilespmem:$0x1E7B0] =	vst v6  }
0x231: {  	[tilespmem:$0x1E7C0] =	vst v4  }
0x232: {  	s4 =	simm.s32 $0x0;
	[tilespmem:$0x1E7D0] =	vst v2  }
0x233: {  	v1 =	vld [tilespmem:s4+$0x1D0F0]  }
0x234: {  	v3 =	vld [tilespmem:s4+$0x1D080]  }
0x235: {  	v4 =	vld [tilespmem:s4+$0x1D090]  }
0x236: {  	v12 =	vld [tilespmem:s4+$0x1D0A0]  }
0x237: {  	v11 =	vld [tilespmem:s4+$0x1D0B0]  }
0x238: {  	v9 =	vimm.f32 $0.0e+00;
	v2 =	vimm.f32 $0.0e+00;
	v8 =	vld [tilespmem:s4+$0x1D0C0]  }
0x239: {  	v7 =	vimm.f32 $0.0e+00;
	v5 =	vimm.f32 $0.0e+00;
	v10 =	vld [tilespmem:s4+$0x1D0D0];
	v1 =	vadd.f32 v1, v2  }
0x23a: {  	s15 =	simm.s32 $0x400;
	s9 =	simm.s32 $0x80;
	v13 =	vld [tilespmem:s4+$0x1D0E0];
	v6 =	vadd.f32 v3, v2;
	v4 =	vadd.f32 v4, v2;
	v3 =	vimm.f32 $0.0e+00  }
.LBB2_38:
0x23b: {  	p3 =	sne.s32 s15, $0x3E00;
	v14 =	vld [tilespmem:s9+$0x1D0F0];
	v2 =	vadd.f32 v12, v2  }
0x23c: {  	v15 =	vld [tilespmem:s9+$0x1D080];
	v7 =	vadd.f32 v11, v7  }
0x23d: {  	v16 =	vld [tilespmem:s9+$0x1D090];
	v9 =	vadd.f32 v8, v9  }
.Ltmp18:
0x23e: {  	v12 =	vld [tilespmem:s9+$0x1D0A0];
	v5 =	vadd.f32 v10, v5;
	(pc) =	sbr.rel @p3 .LBB2_38-.Ltmp18, $4  }
0x23f: {  	v11 =	vld [tilespmem:s9+$0x1D0B0];
	v3 =	vadd.f32 v13, v3  }
0x240: {  	v8 =	vld [tilespmem:s9+$0x1D0C0];
	v1 =	vadd.f32 v14, v1  }
0x241: {  	v6 =	vadd.f32 v15, v6;
	v10 =	vld [tilespmem:s9+$0x1D0D0]  }
0x242: {  	v4 =	vadd.f32 v16, v4;
	v13 =	vld [tilespmem:s9+$0x1D0E0];
	s9 =	sshra.s32 s15, $0x2;
	s15 =	sadd.s32 $0x200, s15  }
0x243: {  	v15 =	vld [tilespmem:s9+$0x1D080]  }
0x244: {  	v16 =	vld [tilespmem:s9+$0x1D090]  }
0x245: {  	v17 =	vld [tilespmem:s9+$0x1D0A0]  }
0x246: {  	v18 =	vld [tilespmem:s9+$0x1D0B0]  }
0x247: {  	v19 =	vld [tilespmem:s9+$0x1D0C0]  }
0x248: {  	v14 =	vld [tilespmem:s9+$0x1D0F0];
	v2 =	vadd.f32 v12, v2;
	v6 =	vadd.f32 v15, v6  }
0x249: {  	v61 =	vld [tilespmem:s9+$0x1D0E0];
	v7 =	vadd.f32 v11, v7;
	v4 =	vadd.f32 v16, v4  }
0x24a: {  	v60 =	vld [tilespmem:s9+$0x1D0D0];
	v8 =	vadd.f32 v8, v9;
	v2 =	vadd.f32 v17, v2;
	[tilespmem:$0x1E800] =	vst v6  }
0x24b: {  	v62 =	vadd.f32 v18, v7;
	[tilespmem:$0x1E810] =	vst v4  }
0x24c: {  	v3 =	vadd.f32 v13, v3;
	v63 =	vadd.f32 v19, v8;
	[tilespmem:$0x1E820] =	vst v2  }
0x24d: {  	v5 =	vadd.f32 v10, v5;
	v1 =	vadd.f32 v14, v1;
	[tilespmem:$0x1E830] =	vst v62  }
0x24e: {  	v3 =	vadd.f32 v61, v3;
	[tilespmem:$0x1E840] =	vst v63  }
0x24f: {  	v2 =	vadd.f32 v60, v5;
	[tilespmem:$0x1E870] =	vst v1  }
0x250: {  	s4 =	sadd.s32 @!p2 $0x13B40, s8;
	[tilespmem:$0x1E860] =	vst v3  }
0x251: {  	s8 =	simm.s32 @!p2 $0x40;
	s9 =	simm.s32 @!p2 $0x1C080;
	s20 =	sadd.s32 $0x1, s20;
	[tilespmem:$0x1E850] =	vst v2  }
0x252: {  	[tilespmem:s9], [sflag:$0x4] =	stream.indirect.gather @!p2 [spmem:s1], $0x80, s4, s8, $0xb8;
	[tilespmem:$0x1E880] =	vst v63  }
0x253: {  	p2 =	sne.s32 s20, $0x14  }
.Ltmp19:
0x254: {  	_ = 	snop;
	(pc) =	sbr.rel @p2 .LBB2_7-.Ltmp19, $4  }
0x255: {  	s22 =	sadd.s32 s22, s10  }
0x256: {  	s4 =	sshll.u32 s22, $0x4  }
0x257: {  	s4 =	sadd.s32 s3, s4  }
0x258: {  	[hbm4b:s4+s2] =	stream.linear.scatter [tilespmem:s30], [sflag:$0x6], $0x400, $0x38;
	[tilespmem:$0x1E880] =	vst v63  }
0x259: {  	s18 =	sadd.s32 $0x1, s18  }
0x25a: {  	_ =	swait.ge [sflag:s31], $0x400;
	p2 =	sne.s32 s18, s11  }
.Ltmp20:
0x25b: {  	[sflag:s31] =	ssyncset.done $0x0;
	(pc) =	sbr.rel @p2 .LBB2_1-.Ltmp20, $4  }
0x25c: {  	[sflag:s31] =	ssyncadd.s32 $0xFFFFFC00  }
0x25d: {  	_ =	swait.ge [sflag:s0], $0x400  }
0x25e: {  	[sflag:s0] =	ssyncset.done $0x0  }
0x25f: {  	s15 =	simm.s32 $0x13880;
	[sflag:s0] =	ssyncadd.s32 $0xFFFFFC00  }
0x260: {  	_ =	sfence.sel $0x180000  }
0x261: {  	[bflag:$0x0] =	sbarrier.arrive $0xFFFF  }
0x262: {  	_ =	strace $0x90000047  }
0x263: {  	[bflag:$0x2] =	sbarrier.arrive $0xFFFF  }
0x264: {  	s0 =	rddreg [dreg:$0x4]  }
0x265: {  	s0 =	sadd.s32 @!p0 $0x100000, s0  }
0x266: {  	[sflag:s0] =	ssyncadd.tile.s32 @!p0 $0x1;
	_ =	shalt  }
.Lfunc_end2:
_tile_overlayer_lowered:
.L_overlay_start_2:
0x267: {  	(tag) =	ssettag $0x2  }
0x268: {  	s0 =	rddreg [dreg:$0x0];
	s2 =	stileid.u32  }
0x269: {  	s1 =	rddreg [dreg:$0x1];
	p0 =	sne.s32 s2, $0x0  }
0x26a: {  	s3 =	rddreg [dreg:$0x2];
	[bflag:$0x3] =	sbarrier.arrive $0xFFFF;
	s2 =	simm.s32 @!p0 $0x1C07  }
0x26b: {  	[timem:s3], [sflag:s2] =	dma.local @!p0 [hbm:s0], s1  }
0x26c: {  	s0 =	simm.s32 @!p0 $0x7  }
0x26d: {  	_ =	swait.ge @!p0 [sflag:s0], s1  }
0x26e: {  	s1 =	ssub.s32 @!p0 $0x0, s1;
	[sflag:s0] =	ssyncset.done @!p0 $0x0  }
0x26f: {  	[sflag:s0] =	ssyncadd.s32 @!p0 s1  }
0x270: {  	[bflag:$0x3] =	sbarrier.arrive $0xFFFF  }
0x271: {  	_ =	shalt  }

</sc_bundles>
